<compile_context>
chip_gen: v7x
topology: tpu7x:2x2x1
jax: 0.10.2.dev20260603
libtpu: 0.0.44.dev20260713+nightly
codegen_flags: <defaults>
</compile_context>

<pallas_src>
import functools

import jax
import jax.numpy as jnp
from jax import lax
from jax.experimental import pallas as pl
from jax.experimental.pallas import tpu as pltpu
from jax.experimental.pallas import tpu_sc as plsc

_B = 16
_MAX_LEN = 2048
_TOTAL = 16384
_D = 256
_NW = 32
_R = _B * _MAX_LEN // _NW
_CH = 64
_NCH = _R // _CH
_NB = 4
_ZTAIL = (32, 16, 8)
_MTAIL = (64, 32, 16, 8)

_mesh = plsc.VectorSubcoreMesh(core_axis_name="c", subcore_axis_name="s")


def _m8(x):
    return pl.multiple_of(x, 8)


@functools.partial(
    pl.kernel,
    mesh=_mesh,
    compiler_params=pltpu.CompilerParams(needs_layout_passes=False),
    out_type=jax.ShapeDtypeStruct((_B * _MAX_LEN, _D), jnp.float32),
    scratch_types=(
        [pltpu.VMEM((_CH, _D), jnp.float32)] * _NB
        + [pltpu.VMEM((_CH, _D), jnp.float32)]
        + [pltpu.VMEM((_CH, _D), jnp.float32)]
        + [pltpu.VMEM((_NCH, _CH), jnp.int32)]
        + [pltpu.VMEM((_CH,), jnp.int32)]
        + [pltpu.VMEM((16,), jnp.int32)] * 2
        + [pltpu.SemaphoreType.DMA] * (3 + 2 * _NB + 3)
    ),
)
def _pad_kernel(flat_hbm, cu_hbm, len_hbm, zeros_hbm, out_hbm,
                rb0, rb1, rb2, rb3, mbuf, zbuf,
                gidx, midx, cu_v, len_v,
                sem_cu, sem_len, sem_zb,
                sl0, sl1, sl2, sl3, ss0, ss1, ss2, ss3,
                sem_z, sem_mg, sem_ms):
    bufs = (rb0, rb1, rb2, rb3)
    sls = (sl0, sl1, sl2, sl3)
    sss = (ss0, ss1, ss2, ss3)

    c = lax.axis_index("c")
    s = lax.axis_index("s")
    b = s
    p0 = ((s + c) % 2) * _R

    pltpu.async_copy(cu_hbm, cu_v, sem_cu)
    pltpu.async_copy(len_hbm, len_v, sem_len)
    pltpu.async_copy(zeros_hbm, zbuf, sem_zb)
    pltpu.make_async_copy(cu_hbm, cu_v, sem_cu).wait()
    pltpu.make_async_copy(len_hbm, len_v, sem_len).wait()

    lanes = lax.iota(jnp.int32, 16)
    sel = lanes == b
    cu_b = jnp.sum(jnp.where(sel, cu_v[...], 0))
    len_b = jnp.sum(jnp.where(sel, len_v[...], 0))

    nd = jnp.clip(len_b - p0, 0, _R)
    npad = _R - nd
    base = _m8(b * _MAX_LEN + p0)
    src0 = cu_b + p0
    nfull = nd // _CH
    rem = nd % _CH
    rm8 = ((rem + 7) // 8) * 8
    sliv = rm8 - rem
    a8 = _m8(base + nfull * _CH + rm8)
    n64 = (npad - sliv) // _CH
    zrem = (npad - sliv) % _CH
    ngrp = nfull // _NB

    def fill_row(j, carry):
        for k in range(_CH // 16):
            gidx[j, pl.ds(k * 16, 16)] = jnp.minimum(
                src0 + j * _CH + k * 16 + lanes, _TOTAL - 1)
        return carry
    lax.fori_loop(0, _NCH, fill_row, 0)
    for k in range(_CH // 16):
        midx[pl.ds(k * 16, 16)] = jnp.minimum(
            src0 + nfull * _CH + k * 16 + lanes, _TOTAL - 1)
    idx_gate = jnp.sum(midx[pl.ds(3 * 16, 16)]) > -1

    def ld(t, j):
        return pltpu.make_async_copy(
            flat_hbm.at[gidx.at[j]], bufs[t], sls[t])

    def st(t, j):
        return pltpu.make_async_copy(
            bufs[t],
            out_hbm.at[pl.ds(_m8(base + j * _CH), _CH)], sss[t])

    for t in range(_NB):
        @pl.when(jnp.logical_and(idx_gate, t < nfull))
        def _(t=t):
            ld(t, t).start()

    @pl.when(jnp.logical_and(idx_gate, rem > 0))
    def _():
        pltpu.async_copy(flat_hbm.at[midx], mbuf, sem_mg)

    pltpu.make_async_copy(zeros_hbm, zbuf, sem_zb).wait()

    def zfire(i, carry):
        pltpu.async_copy(
            zbuf, out_hbm.at[pl.ds(_m8(a8 + i * _CH), _CH)], sem_z)
        return carry
    lax.fori_loop(0, n64, zfire, 0)
    zdescs = []
    zoff = a8 + n64 * _CH
    for sz in _ZTAIL:
        bit = (zrem // sz) % 2
        d = pltpu.make_async_copy(
            zbuf.at[pl.ds(0, sz)], out_hbm.at[pl.ds(_m8(zoff), sz)], sem_z)
        zdescs.append((bit == 1, d))
        zoff = zoff + bit * sz
    for cond, d in zdescs:
        @pl.when(cond)
        def _(d=d):
            d.start()

    def group(g, carry):
        for t in range(_NB):
            j = g * _NB + t
            ld(t, j).wait()
            st(t, j).start()
            @pl.when(j + _NB < nfull)
            def _(t=t, j=j):
                st(t, j).wait()
                ld(t, j + _NB).start()
        return carry
    lax.fori_loop(0, ngrp, group, 0)

    for t in range(_NB - 1):
        @pl.when(ngrp * _NB + t < nfull)
        def _(t=t):
            j = ngrp * _NB + t
            ld(t, j).wait()
            st(t, j).start()

    zero16 = jnp.zeros((16,), jnp.float32)

    @pl.when(rem > 0)
    def _():
        pltpu.make_async_copy(flat_hbm.at[midx], mbuf, sem_mg).wait()

        def zrow(r, carry):
            for k in range(_D // 16):
                mbuf[r, pl.ds(k * 16, 16)] = zero16
            return carry
        lax.fori_loop(rem, rm8, zrow, 0)
    grow = jnp.maximum(rm8 - 1, 0)
    mix_gate = jnp.sum(mbuf[grow, pl.ds(_D - 16, 16)]) < 1.0
    mdescs = []
    moff = 0
    for sz in _MTAIL:
        bit = (rm8 // sz) % 2
        d = pltpu.make_async_copy(
            mbuf.at[pl.ds(moff, sz)],
            out_hbm.at[pl.ds(_m8(base + nfull * _CH + moff), sz)], sem_ms)
        mdescs.append((bit == 1, d))
        moff = moff + bit * sz
    for cond, d in mdescs:
        @pl.when(jnp.logical_and(
            cond, jnp.logical_and(sliv > 0, mix_gate)))
        def _(d=d):
            d.start()
        @pl.when(jnp.logical_and(cond, sliv == 0))
        def _(d=d):
            d.start()
    for cond, d in mdescs:
        @pl.when(cond)
        def _(d=d):
            d.wait()

    for t in range(_NB):
        @pl.when(t < nfull)
        def _(t=t):
            lj = ((nfull - 1 - t) // _NB) * _NB + t
            st(t, lj).wait()

    def zdrain(i, carry):
        pltpu.make_async_copy(
            zbuf, out_hbm.at[pl.ds(_m8(a8 + i * _CH), _CH)], sem_z).wait()
        return carry
    lax.fori_loop(0, n64, zdrain, 0)
    for cond, d in zdescs:
        @pl.when(cond)
        def _(d=d):
            d.wait()


def kernel(flat, cu_seqlens):
    cu16 = cu_seqlens[:_B].astype(jnp.int32)
    lengths_i32 = (cu_seqlens[1:] - cu_seqlens[:-1]).astype(jnp.int32)
    zeros = jnp.zeros((_CH, _D), jnp.float32)
    out = _pad_kernel(flat, cu16, lengths_i32, zeros)
    padded = out.reshape(_B, _MAX_LEN, _D)
    lengths = lengths_i32.astype(jnp.int64)
    return padded, lengths

# --- scband reference (transcript-rebuilt; emitter-appended) ---
"""Pipeline reference for scband-batch-text-transformer-16758962389631 (READ-ONLY COPY).

The authoritative reference and input builder live on the scoring server;
editing this copy changes nothing except your own understanding.
"""

import jax, jax.numpy as jnp
import numpy as np

B = 16
MAX_LEN = 2048
TOTAL = 16384
D = 256
PAD_IDX = 0.0


def _make_cu_seqlens():
    # Ragged lengths that sum exactly to TOTAL, each <= MAX_LEN (pad_sequence target)
    rng = np.random.RandomState(0)
    r = rng.randint(512, 1537, size=B).astype(np.int64)
    r = np.floor(r * (TOTAL / r.sum())).astype(np.int64)
    r[-1] += TOTAL - r.sum()
    assert r.max() <= MAX_LEN and r.min() > 0
    cu = np.concatenate([[0], np.cumsum(r)]).astype(np.int32)
    return jnp.asarray(cu)


def setup_inputs(seed: int = 0) -> dict:
    key = jax.random.key(seed)
    k1, _ = jax.random.split(key)
    flat = jax.random.normal(k1, (TOTAL, D), dtype=jnp.float32)
    cu_seqlens = _make_cu_seqlens()
    return {"flat": flat, "cu_seqlens": cu_seqlens}


def reference(flat, cu_seqlens):
    # Equivalent of BatchTextTransformer.encode: take per-sample variable-length
    # token representations (here as a flat ragged tensor + cu_seqlens) and
    # pad_sequence(batch_first=True, padding_value=pad_idx), returning lengths too.
    ids = jnp.arange(TOTAL)
    seg = jnp.searchsorted(cu_seqlens, ids, side="right") - 1
    seg = jnp.clip(seg, 0, B - 1)
    pos = ids - cu_seqlens[seg]
    padded = jnp.full((B, MAX_LEN, D), PAD_IDX, dtype=flat.dtype)
    padded = padded.at[seg, pos].set(flat)
    lengths = (cu_seqlens[1:] - cu_seqlens[:-1]).astype(jnp.int64)
    return padded, lengths

if __name__ == "__main__":
    import jax
    _d = setup_inputs()
    print(jax.jit(kernel)(*tuple(_d.values())))

</pallas_src>

<mosaic_0001>
#map = affine_map<(d0, d1) -> (0, 0)>
#map1 = affine_map<(d0, d1) -> (0)>
module attributes {stable_mosaic.version = 14 : i64} {
  func.func @_pad_kernel(%arg0: i32, %arg1: i32, %arg2: memref<16384x256xf32, #tpu.memory_space<hbm>>, %arg3: memref<16xi32, #tpu.memory_space<hbm>>, %arg4: memref<16xi32, #tpu.memory_space<hbm>>, %arg5: memref<64x256xf32, #tpu.memory_space<hbm>>, %arg6: memref<32768x256xf32, #tpu.memory_space<hbm>>, %arg7: memref<64x256xf32, #tpu.memory_space<vmem>>, %arg8: memref<64x256xf32, #tpu.memory_space<vmem>>, %arg9: memref<64x256xf32, #tpu.memory_space<vmem>>, %arg10: memref<64x256xf32, #tpu.memory_space<vmem>>, %arg11: memref<64x256xf32, #tpu.memory_space<vmem>>, %arg12: memref<64x256xf32, #tpu.memory_space<vmem>>, %arg13: memref<16x64xi32, #tpu.memory_space<vmem>>, %arg14: memref<64xi32, #tpu.memory_space<vmem>>, %arg15: memref<16xi32, #tpu.memory_space<vmem>>, %arg16: memref<16xi32, #tpu.memory_space<vmem>>, %arg17: memref<!tpu.dma_semaphore, #tpu.memory_space<semaphore_mem>>, %arg18: memref<!tpu.dma_semaphore, #tpu.memory_space<semaphore_mem>>, %arg19: memref<!tpu.dma_semaphore, #tpu.memory_space<semaphore_mem>>, %arg20: memref<!tpu.dma_semaphore, #tpu.memory_space<semaphore_mem>>, %arg21: memref<!tpu.dma_semaphore, #tpu.memory_space<semaphore_mem>>, %arg22: memref<!tpu.dma_semaphore, #tpu.memory_space<semaphore_mem>>, %arg23: memref<!tpu.dma_semaphore, #tpu.memory_space<semaphore_mem>>, %arg24: memref<!tpu.dma_semaphore, #tpu.memory_space<semaphore_mem>>, %arg25: memref<!tpu.dma_semaphore, #tpu.memory_space<semaphore_mem>>, %arg26: memref<!tpu.dma_semaphore, #tpu.memory_space<semaphore_mem>>, %arg27: memref<!tpu.dma_semaphore, #tpu.memory_space<semaphore_mem>>, %arg28: memref<!tpu.dma_semaphore, #tpu.memory_space<semaphore_mem>>, %arg29: memref<!tpu.dma_semaphore, #tpu.memory_space<semaphore_mem>>, %arg30: memref<!tpu.dma_semaphore, #tpu.memory_space<semaphore_mem>>) attributes {dimension_semantics = [#tpu.dimension_semantics<core_parallel>, #tpu.dimension_semantics<subcore_parallel>], iteration_bounds = array<i64: 2, 16>, scalar_prefetch = 0 : i64, scratch_operands = 24 : i64, tpu.core_type = #tpu.core_type<sc_vector_subcore>, window_params = [{transform_indices = #map}, {transform_indices = #map1}, {transform_indices = #map1}, {transform_indices = #map}, {transform_indices = #map}]} {
    %add3A = arith.addi %arg1, %arg0 : i32
    %jit3A = arith.constant 2 : i32
    %eq3A = arith.constant 0 : i32
    %eq3A_0 = arith.cmpi eq, %jit3A, %eq3A : i32
    %jit3A_1 = arith.constant 1 : i32
    %select_n3A = arith.select %eq3A_0, %jit3A_1, %jit3A : i32
    %rem3A = arith.remsi %add3A, %select_n3A : i32
    %ne3A = arith.constant 0 : i32
    %ne3A_2 = arith.cmpi ne, %rem3A, %ne3A : i32
    %lt3A = arith.constant 0 : i32
    %lt3A_3 = arith.cmpi slt, %rem3A, %lt3A : i32
    %lt3A_4 = arith.constant 0 : i32
    %lt3A_5 = arith.cmpi slt, %select_n3A, %lt3A_4 : i32
    %ne3A_6 = arith.xori %lt3A_3, %lt3A_5 : i1
    %and3A = arith.andi %ne3A_6, %ne3A_2 : i1
    %add3A_7 = arith.addi %rem3A, %select_n3A : i32
    %select_n3A_8 = arith.select %and3A, %add3A_7, %rem3A : i32
    %mul3A = arith.constant 1024 : i32
    %mul3A_9 = arith.muli %select_n3A_8, %mul3A : i32
    tpu.enqueue_dma source(%arg3 : memref<16xi32, #tpu.memory_space<hbm>>) target(%arg15 : memref<16xi32, #tpu.memory_space<vmem>>) target_semaphore(%arg17 : memref<!tpu.dma_semaphore, #tpu.memory_space<semaphore_mem>>)
    tpu.enqueue_dma source(%arg4 : memref<16xi32, #tpu.memory_space<hbm>>) target(%arg16 : memref<16xi32, #tpu.memory_space<vmem>>) target_semaphore(%arg18 : memref<!tpu.dma_semaphore, #tpu.memory_space<semaphore_mem>>)
    tpu.enqueue_dma source(%arg5 : memref<64x256xf32, #tpu.memory_space<hbm>>) target(%arg12 : memref<64x256xf32, #tpu.memory_space<vmem>>) target_semaphore(%arg19 : memref<!tpu.dma_semaphore, #tpu.memory_space<semaphore_mem>>)
    tpu.wait_dma2 semaphore(%arg17 : memref<!tpu.dma_semaphore, #tpu.memory_space<semaphore_mem>>) src(%arg3 : memref<16xi32, #tpu.memory_space<hbm>>) dst(%arg15 : memref<16xi32, #tpu.memory_space<vmem>>)
    tpu.wait_dma2 semaphore(%arg18 : memref<!tpu.dma_semaphore, #tpu.memory_space<semaphore_mem>>) src(%arg4 : memref<16xi32, #tpu.memory_space<hbm>>) dst(%arg16 : memref<16xi32, #tpu.memory_space<vmem>>)
    %iota3A = tpu.iota {dimensions = array<i32: 0>} : vector<16xi32>
    %eq3A_10 = vector.broadcast %arg1 : i32 to vector<16xi32>
    %eq3A_11 = arith.cmpi eq, %iota3A, %eq3A_10 : vector<16xi32>
    %get3A = arith.constant 0 : index
    %get3A_12 = tpu.vector_load %arg15[%get3A] {strides = array<i32>} : memref<16xi32, #tpu.memory_space<vmem>>, vector<16xi32>,
    %jit3A_13 = arith.constant 0 : i32
    %broadcast_in_dim3A = vector.broadcast %jit3A_13 : i32 to vector<16xi32>
    %select_n3A_14 = arith.select %eq3A_11, %get3A_12, %broadcast_in_dim3A : vector<16xi1>, vector<16xi32>
    %reduce_sum3A = arith.constant true
    %reduce_sum3A_15 = vector.broadcast %reduce_sum3A : i1 to vector<16xi1>
    %reduce_sum3A_16 = tpu.scan <sum>, %select_n3A_14 masked %reduce_sum3A_15 : vector<16xi32>, vector<16xi1> -> vector<16xi32>
    %reduce_sum3A_17 = vector.extract %reduce_sum3A_16[15] : i32 from vector<16xi32>
    %get3A_18 = arith.constant 0 : index
    %get3A_19 = tpu.vector_load %arg16[%get3A_18] {strides = array<i32>} : memref<16xi32, #tpu.memory_space<vmem>>, vector<16xi32>,
    %jit3A_20 = arith.constant 0 : i32
    %broadcast_in_dim3A_21 = vector.broadcast %jit3A_20 : i32 to vector<16xi32>
    %select_n3A_22 = arith.select %eq3A_11, %get3A_19, %broadcast_in_dim3A_21 : vector<16xi1>, vector<16xi32>
    %reduce_sum3A_23 = arith.constant true
    %reduce_sum3A_24 = vector.broadcast %reduce_sum3A_23 : i1 to vector<16xi1>
    %reduce_sum3A_25 = tpu.scan <sum>, %select_n3A_22 masked %reduce_sum3A_24 : vector<16xi32>, vector<16xi1> -> vector<16xi32>
    %reduce_sum3A_26 = vector.extract %reduce_sum3A_25[15] : i32 from vector<16xi32>
    %sub3A = arith.subi %reduce_sum3A_26, %mul3A_9 : i32
    %jit3A_27 = arith.constant 0 : i32
    %jit3A_28 = arith.constant 1024 : i32
    %max3A = arith.maxsi %jit3A_27, %sub3A : i32
    %min3A = arith.minsi %jit3A_28, %max3A : i32
    %sub3A_29 = arith.constant 1024 : i32
    %sub3A_30 = arith.subi %sub3A_29, %min3A : i32
    %mul3A_31 = arith.constant 2048 : i32
    %mul3A_32 = arith.muli %arg1, %mul3A_31 : i32
    %add3A_33 = arith.addi %mul3A_32, %mul3A_9 : i32
    %multiple_of3A = tpu.assume_multiple %add3A_33, 8 : i32
    %add3A_34 = arith.addi %reduce_sum3A_17, %mul3A_9 : i32
    %jit3A_35 = arith.constant 64 : i32
    %div3A = arith.divsi %min3A, %jit3A_35 : i32
    %sign3A = arith.constant 0 : i32
    %sign3A_36 = arith.cmpi sgt, %min3A, %sign3A : i32
    %sign3A_37 = arith.extui %sign3A_36 : i1 to i32
    %sign3A_38 = arith.constant 0 : i32
    %sign3A_39 = arith.cmpi slt, %min3A, %sign3A_38 : i32
    %sign3A_40 = arith.extui %sign3A_39 : i1 to i32
    %sign3A_41 = arith.subi %sign3A_37, %sign3A_40 : i32
    %sign3A_42 = arith.constant 0 : i32
    %sign3A_43 = arith.cmpi sgt, %jit3A_35, %sign3A_42 : i32
    %sign3A_44 = arith.extui %sign3A_43 : i1 to i32
    %sign3A_45 = arith.constant 0 : i32
    %sign3A_46 = arith.cmpi slt, %jit3A_35, %sign3A_45 : i32
    %sign3A_47 = arith.extui %sign3A_46 : i1 to i32
    %sign3A_48 = arith.subi %sign3A_44, %sign3A_47 : i32
    %ne3A_49 = arith.cmpi ne, %sign3A_41, %sign3A_48 : i32
    %rem3A_50 = arith.remsi %min3A, %jit3A_35 : i32
    %ne3A_51 = arith.constant 0 : i32
    %ne3A_52 = arith.cmpi ne, %rem3A_50, %ne3A_51 : i32
    %and3A_53 = arith.andi %ne3A_49, %ne3A_52 : i1
    %sub3A_54 = arith.constant 1 : i32
    %sub3A_55 = arith.subi %div3A, %sub3A_54 : i32
    %select_n3A_56 = arith.select %and3A_53, %sub3A_55, %div3A : i32
    %jit3A_57 = arith.constant 64 : i32
    %eq3A_58 = arith.constant 0 : i32
    %eq3A_59 = arith.cmpi eq, %jit3A_57, %eq3A_58 : i32
    %jit3A_60 = arith.constant 1 : i32
    %select_n3A_61 = arith.select %eq3A_59, %jit3A_60, %jit3A_57 : i32
    %rem3A_62 = arith.remsi %min3A, %select_n3A_61 : i32
    %ne3A_63 = arith.constant 0 : i32
    %ne3A_64 = arith.cmpi ne, %rem3A_62, %ne3A_63 : i32
    %lt3A_65 = arith.constant 0 : i32
    %lt3A_66 = arith.cmpi slt, %rem3A_62, %lt3A_65 : i32
    %lt3A_67 = arith.constant 0 : i32
    %lt3A_68 = arith.cmpi slt, %select_n3A_61, %lt3A_67 : i32
    %ne3A_69 = arith.xori %lt3A_66, %lt3A_68 : i1
    %and3A_70 = arith.andi %ne3A_69, %ne3A_64 : i1
    %add3A_71 = arith.addi %rem3A_62, %select_n3A_61 : i32
    %select_n3A_72 = arith.select %and3A_70, %add3A_71, %rem3A_62 : i32
    %add3A_73 = arith.constant 7 : i32
    %add3A_74 = arith.addi %select_n3A_72, %add3A_73 : i32
    %jit3A_75 = arith.constant 8 : i32
    %div3A_76 = arith.divsi %add3A_74, %jit3A_75 : i32
    %sign3A_77 = arith.constant 0 : i32
    %sign3A_78 = arith.cmpi sgt, %add3A_74, %sign3A_77 : i32
    %sign3A_79 = arith.extui %sign3A_78 : i1 to i32
    %sign3A_80 = arith.constant 0 : i32
    %sign3A_81 = arith.cmpi slt, %add3A_74, %sign3A_80 : i32
    %sign3A_82 = arith.extui %sign3A_81 : i1 to i32
    %sign3A_83 = arith.subi %sign3A_79, %sign3A_82 : i32
    %sign3A_84 = arith.constant 0 : i32
    %sign3A_85 = arith.cmpi sgt, %jit3A_75, %sign3A_84 : i32
    %sign3A_86 = arith.extui %sign3A_85 : i1 to i32
    %sign3A_87 = arith.constant 0 : i32
    %sign3A_88 = arith.cmpi slt, %jit3A_75, %sign3A_87 : i32
    %sign3A_89 = arith.extui %sign3A_88 : i1 to i32
    %sign3A_90 = arith.subi %sign3A_86, %sign3A_89 : i32
    %ne3A_91 = arith.cmpi ne, %sign3A_83, %sign3A_90 : i32
    %rem3A_92 = arith.remsi %add3A_74, %jit3A_75 : i32
    %ne3A_93 = arith.constant 0 : i32
    %ne3A_94 = arith.cmpi ne, %rem3A_92, %ne3A_93 : i32
    %and3A_95 = arith.andi %ne3A_91, %ne3A_94 : i1
    %sub3A_96 = arith.constant 1 : i32
    %sub3A_97 = arith.subi %div3A_76, %sub3A_96 : i32
    %select_n3A_98 = arith.select %and3A_95, %sub3A_97, %div3A_76 : i32
    %mul3A_99 = arith.constant 8 : i32
    %mul3A_100 = arith.muli %select_n3A_98, %mul3A_99 : i32
    %sub3A_101 = arith.subi %mul3A_100, %select_n3A_72 : i32
    %mul3A_102 = arith.constant 64 : i32
    %mul3A_103 = arith.muli %select_n3A_56, %mul3A_102 : i32
    %add3A_104 = arith.addi %multiple_of3A, %mul3A_103 : i32
    %add3A_105 = arith.addi %add3A_104, %mul3A_100 : i32
    %multiple_of3A_106 = tpu.assume_multiple %add3A_105, 8 : i32
    %sub3A_107 = arith.subi %sub3A_30, %sub3A_101 : i32
    %jit3A_108 = arith.constant 64 : i32
    %div3A_109 = arith.divsi %sub3A_107, %jit3A_108 : i32
    %sign3A_110 = arith.constant 0 : i32
    %sign3A_111 = arith.cmpi sgt, %sub3A_107, %sign3A_110 : i32
    %sign3A_112 = arith.extui %sign3A_111 : i1 to i32
    %sign3A_113 = arith.constant 0 : i32
    %sign3A_114 = arith.cmpi slt, %sub3A_107, %sign3A_113 : i32
    %sign3A_115 = arith.extui %sign3A_114 : i1 to i32
    %sign3A_116 = arith.subi %sign3A_112, %sign3A_115 : i32
    %sign3A_117 = arith.constant 0 : i32
    %sign3A_118 = arith.cmpi sgt, %jit3A_108, %sign3A_117 : i32
    %sign3A_119 = arith.extui %sign3A_118 : i1 to i32
    %sign3A_120 = arith.constant 0 : i32
    %sign3A_121 = arith.cmpi slt, %jit3A_108, %sign3A_120 : i32
    %sign3A_122 = arith.extui %sign3A_121 : i1 to i32
    %sign3A_123 = arith.subi %sign3A_119, %sign3A_122 : i32
    %ne3A_124 = arith.cmpi ne, %sign3A_116, %sign3A_123 : i32
    %rem3A_125 = arith.remsi %sub3A_107, %jit3A_108 : i32
    %ne3A_126 = arith.constant 0 : i32
    %ne3A_127 = arith.cmpi ne, %rem3A_125, %ne3A_126 : i32
    %and3A_128 = arith.andi %ne3A_124, %ne3A_127 : i1
    %sub3A_129 = arith.constant 1 : i32
    %sub3A_130 = arith.subi %div3A_109, %sub3A_129 : i32
    %select_n3A_131 = arith.select %and3A_128, %sub3A_130, %div3A_109 : i32
    %sub3A_132 = arith.subi %sub3A_30, %sub3A_101 : i32
    %jit3A_133 = arith.constant 64 : i32
    %eq3A_134 = arith.constant 0 : i32
    %eq3A_135 = arith.cmpi eq, %jit3A_133, %eq3A_134 : i32
    %jit3A_136 = arith.constant 1 : i32
    %select_n3A_137 = arith.select %eq3A_135, %jit3A_136, %jit3A_133 : i32
    %rem3A_138 = arith.remsi %sub3A_132, %select_n3A_137 : i32
    %ne3A_139 = arith.constant 0 : i32
    %ne3A_140 = arith.cmpi ne, %rem3A_138, %ne3A_139 : i32
    %lt3A_141 = arith.constant 0 : i32
    %lt3A_142 = arith.cmpi slt, %rem3A_138, %lt3A_141 : i32
    %lt3A_143 = arith.constant 0 : i32
    %lt3A_144 = arith.cmpi slt, %select_n3A_137, %lt3A_143 : i32
    %ne3A_145 = arith.xori %lt3A_142, %lt3A_144 : i1
    %and3A_146 = arith.andi %ne3A_145, %ne3A_140 : i1
    %add3A_147 = arith.addi %rem3A_138, %select_n3A_137 : i32
    %select_n3A_148 = arith.select %and3A_146, %add3A_147, %rem3A_138 : i32
    %jit3A_149 = arith.constant 4 : i32
    %div3A_150 = arith.divsi %select_n3A_56, %jit3A_149 : i32
    %sign3A_151 = arith.constant 0 : i32
    %sign3A_152 = arith.cmpi sgt, %select_n3A_56, %sign3A_151 : i32
    %sign3A_153 = arith.extui %sign3A_152 : i1 to i32
    %sign3A_154 = arith.constant 0 : i32
    %sign3A_155 = arith.cmpi slt, %select_n3A_56, %sign3A_154 : i32
    %sign3A_156 = arith.extui %sign3A_155 : i1 to i32
    %sign3A_157 = arith.subi %sign3A_153, %sign3A_156 : i32
    %sign3A_158 = arith.constant 0 : i32
    %sign3A_159 = arith.cmpi sgt, %jit3A_149, %sign3A_158 : i32
    %sign3A_160 = arith.extui %sign3A_159 : i1 to i32
    %sign3A_161 = arith.constant 0 : i32
    %sign3A_162 = arith.cmpi slt, %jit3A_149, %sign3A_161 : i32
    %sign3A_163 = arith.extui %sign3A_162 : i1 to i32
    %sign3A_164 = arith.subi %sign3A_160, %sign3A_163 : i32
    %ne3A_165 = arith.cmpi ne, %sign3A_157, %sign3A_164 : i32
    %rem3A_166 = arith.remsi %select_n3A_56, %jit3A_149 : i32
    %ne3A_167 = arith.constant 0 : i32
    %ne3A_168 = arith.cmpi ne, %rem3A_166, %ne3A_167 : i32
    %and3A_169 = arith.andi %ne3A_165, %ne3A_168 : i1
    %sub3A_170 = arith.constant 1 : i32
    %sub3A_171 = arith.subi %div3A_150, %sub3A_170 : i32
    %select_n3A_172 = arith.select %and3A_169, %sub3A_171, %div3A_150 : i32
    %scan3A = arith.constant 0 : i32
    %scan3A_173 = arith.constant 0 : i32
    %scan3A_174 = arith.constant 16 : i32
    %scan3A_175 = arith.addi %scan3A_173, %scan3A_174 : i32
    %scan3A_176 = arith.constant 1 : i32
    scf.for %scan3A_778 = %scan3A_173 to %scan3A_175 step %scan3A_176  : i32 {
      %mul3A_779 = arith.constant 64 : i32
      %mul3A_780 = arith.muli %scan3A_778, %mul3A_779 : i32
      %add3A_781 = arith.addi %add3A_34, %mul3A_780 : i32
      %add3A_782 = arith.constant 0 : i32
      %add3A_783 = arith.addi %add3A_781, %add3A_782 : i32
      %add3A_784 = vector.broadcast %add3A_783 : i32 to vector<16xi32>
      %add3A_785 = arith.addi %add3A_784, %iota3A : vector<16xi32>
      %min3A_786 = arith.constant 16383 : i32
      %min3A_787 = vector.broadcast %min3A_786 : i32 to vector<16xi32>
      %min3A_788 = arith.minsi %add3A_785, %min3A_787 : vector<16xi32>
      %swap3A_789 = arith.index_cast %scan3A_778 : i32 to index
      %swap3A_790 = arith.constant 0 : index
      %swap3A_791 = tpu.vector_load %arg13[%swap3A_789, %swap3A_790] {strides = array<i32>} : memref<16x64xi32, #tpu.memory_space<vmem>>, vector<16xi32>,
      tpu.vector_store %arg13[%swap3A_789, %swap3A_790], %min3A_788 {strides = array<i32>} : memref<16x64xi32, #tpu.memory_space<vmem>>, vector<16xi32>,
      %mul3A_792 = arith.constant 64 : i32
      %mul3A_793 = arith.muli %scan3A_778, %mul3A_792 : i32
      %add3A_794 = arith.addi %add3A_34, %mul3A_793 : i32
      %add3A_795 = arith.constant 16 : i32
      %add3A_796 = arith.addi %add3A_794, %add3A_795 : i32
      %add3A_797 = vector.broadcast %add3A_796 : i32 to vector<16xi32>
      %add3A_798 = arith.addi %add3A_797, %iota3A : vector<16xi32>
      %min3A_799 = arith.constant 16383 : i32
      %min3A_800 = vector.broadcast %min3A_799 : i32 to vector<16xi32>
      %min3A_801 = arith.minsi %add3A_798, %min3A_800 : vector<16xi32>
      %swap3A_802 = arith.index_cast %scan3A_778 : i32 to index
      %swap3A_803 = arith.constant 16 : index
      %swap3A_804 = tpu.vector_load %arg13[%swap3A_802, %swap3A_803] {strides = array<i32>} : memref<16x64xi32, #tpu.memory_space<vmem>>, vector<16xi32>,
      tpu.vector_store %arg13[%swap3A_802, %swap3A_803], %min3A_801 {strides = array<i32>} : memref<16x64xi32, #tpu.memory_space<vmem>>, vector<16xi32>,
      %mul3A_805 = arith.constant 64 : i32
      %mul3A_806 = arith.muli %scan3A_778, %mul3A_805 : i32
      %add3A_807 = arith.addi %add3A_34, %mul3A_806 : i32
      %add3A_808 = arith.constant 32 : i32
      %add3A_809 = arith.addi %add3A_807, %add3A_808 : i32
      %add3A_810 = vector.broadcast %add3A_809 : i32 to vector<16xi32>
      %add3A_811 = arith.addi %add3A_810, %iota3A : vector<16xi32>
      %min3A_812 = arith.constant 16383 : i32
      %min3A_813 = vector.broadcast %min3A_812 : i32 to vector<16xi32>
      %min3A_814 = arith.minsi %add3A_811, %min3A_813 : vector<16xi32>
      %swap3A_815 = arith.index_cast %scan3A_778 : i32 to index
      %swap3A_816 = arith.constant 32 : index
      %swap3A_817 = tpu.vector_load %arg13[%swap3A_815, %swap3A_816] {strides = array<i32>} : memref<16x64xi32, #tpu.memory_space<vmem>>, vector<16xi32>,
      tpu.vector_store %arg13[%swap3A_815, %swap3A_816], %min3A_814 {strides = array<i32>} : memref<16x64xi32, #tpu.memory_space<vmem>>, vector<16xi32>,
      %mul3A_818 = arith.constant 64 : i32
      %mul3A_819 = arith.muli %scan3A_778, %mul3A_818 : i32
      %add3A_820 = arith.addi %add3A_34, %mul3A_819 : i32
      %add3A_821 = arith.constant 48 : i32
      %add3A_822 = arith.addi %add3A_820, %add3A_821 : i32
      %add3A_823 = vector.broadcast %add3A_822 : i32 to vector<16xi32>
      %add3A_824 = arith.addi %add3A_823, %iota3A : vector<16xi32>
      %min3A_825 = arith.constant 16383 : i32
      %min3A_826 = vector.broadcast %min3A_825 : i32 to vector<16xi32>
      %min3A_827 = arith.minsi %add3A_824, %min3A_826 : vector<16xi32>
      %swap3A_828 = arith.index_cast %scan3A_778 : i32 to index
      %swap3A_829 = arith.constant 48 : index
      %swap3A_830 = tpu.vector_load %arg13[%swap3A_828, %swap3A_829] {strides = array<i32>} : memref<16x64xi32, #tpu.memory_space<vmem>>, vector<16xi32>,
      tpu.vector_store %arg13[%swap3A_828, %swap3A_829], %min3A_827 {strides = array<i32>} : memref<16x64xi32, #tpu.memory_space<vmem>>, vector<16xi32>,
    }
    %scan3A_177 = arith.constant 16 : i32
    %mul3A_178 = arith.constant 64 : i32
    %mul3A_179 = arith.muli %select_n3A_56, %mul3A_178 : i32
    %add3A_180 = arith.addi %add3A_34, %mul3A_179 : i32
    %add3A_181 = arith.constant 0 : i32
    %add3A_182 = arith.addi %add3A_180, %add3A_181 : i32
    %add3A_183 = vector.broadcast %add3A_182 : i32 to vector<16xi32>
    %add3A_184 = arith.addi %add3A_183, %iota3A : vector<16xi32>
    %min3A_185 = arith.constant 16383 : i32
    %min3A_186 = vector.broadcast %min3A_185 : i32 to vector<16xi32>
    %min3A_187 = arith.minsi %add3A_184, %min3A_186 : vector<16xi32>
    %swap3A = arith.constant 0 : index
    %swap3A_188 = tpu.vector_load %arg14[%swap3A] {strides = array<i32>} : memref<64xi32, #tpu.memory_space<vmem>>, vector<16xi32>,
    tpu.vector_store %arg14[%swap3A], %min3A_187 {strides = array<i32>} : memref<64xi32, #tpu.memory_space<vmem>>, vector<16xi32>,
    %mul3A_189 = arith.constant 64 : i32
    %mul3A_190 = arith.muli %select_n3A_56, %mul3A_189 : i32
    %add3A_191 = arith.addi %add3A_34, %mul3A_190 : i32
    %add3A_192 = arith.constant 16 : i32
    %add3A_193 = arith.addi %add3A_191, %add3A_192 : i32
    %add3A_194 = vector.broadcast %add3A_193 : i32 to vector<16xi32>
    %add3A_195 = arith.addi %add3A_194, %iota3A : vector<16xi32>
    %min3A_196 = arith.constant 16383 : i32
    %min3A_197 = vector.broadcast %min3A_196 : i32 to vector<16xi32>
    %min3A_198 = arith.minsi %add3A_195, %min3A_197 : vector<16xi32>
    %swap3A_199 = arith.constant 16 : index
    %swap3A_200 = tpu.vector_load %arg14[%swap3A_199] {strides = array<i32>} : memref<64xi32, #tpu.memory_space<vmem>>, vector<16xi32>,
    tpu.vector_store %arg14[%swap3A_199], %min3A_198 {strides = array<i32>} : memref<64xi32, #tpu.memory_space<vmem>>, vector<16xi32>,
    %mul3A_201 = arith.constant 64 : i32
    %mul3A_202 = arith.muli %select_n3A_56, %mul3A_201 : i32
    %add3A_203 = arith.addi %add3A_34, %mul3A_202 : i32
    %add3A_204 = arith.constant 32 : i32
    %add3A_205 = arith.addi %add3A_203, %add3A_204 : i32
    %add3A_206 = vector.broadcast %add3A_205 : i32 to vector<16xi32>
    %add3A_207 = arith.addi %add3A_206, %iota3A : vector<16xi32>
    %min3A_208 = arith.constant 16383 : i32
    %min3A_209 = vector.broadcast %min3A_208 : i32 to vector<16xi32>
    %min3A_210 = arith.minsi %add3A_207, %min3A_209 : vector<16xi32>
    %swap3A_211 = arith.constant 32 : index
    %swap3A_212 = tpu.vector_load %arg14[%swap3A_211] {strides = array<i32>} : memref<64xi32, #tpu.memory_space<vmem>>, vector<16xi32>,
    tpu.vector_store %arg14[%swap3A_211], %min3A_210 {strides = array<i32>} : memref<64xi32, #tpu.memory_space<vmem>>, vector<16xi32>,
    %mul3A_213 = arith.constant 64 : i32
    %mul3A_214 = arith.muli %select_n3A_56, %mul3A_213 : i32
    %add3A_215 = arith.addi %add3A_34, %mul3A_214 : i32
    %add3A_216 = arith.constant 48 : i32
    %add3A_217 = arith.addi %add3A_215, %add3A_216 : i32
    %add3A_218 = vector.broadcast %add3A_217 : i32 to vector<16xi32>
    %add3A_219 = arith.addi %add3A_218, %iota3A : vector<16xi32>
    %min3A_220 = arith.constant 16383 : i32
    %min3A_221 = vector.broadcast %min3A_220 : i32 to vector<16xi32>
    %min3A_222 = arith.minsi %add3A_219, %min3A_221 : vector<16xi32>
    %swap3A_223 = arith.constant 48 : index
    %swap3A_224 = tpu.vector_load %arg14[%swap3A_223] {strides = array<i32>} : memref<64xi32, #tpu.memory_space<vmem>>, vector<16xi32>,
    tpu.vector_store %arg14[%swap3A_223], %min3A_222 {strides = array<i32>} : memref<64xi32, #tpu.memory_space<vmem>>, vector<16xi32>,
    %get3A_225 = arith.constant 48 : index
    %get3A_226 = tpu.vector_load %arg14[%get3A_225] {strides = array<i32>} : memref<64xi32, #tpu.memory_space<vmem>>, vector<16xi32>,
    %reduce_sum3A_227 = arith.constant true
    %reduce_sum3A_228 = vector.broadcast %reduce_sum3A_227 : i1 to vector<16xi1>
    %reduce_sum3A_229 = tpu.scan <sum>, %get3A_226 masked %reduce_sum3A_228 : vector<16xi32>, vector<16xi1> -> vector<16xi32>
    %reduce_sum3A_230 = vector.extract %reduce_sum3A_229[15] : i32 from vector<16xi32>
    %gt3A = arith.constant -1 : i32
    %gt3A_231 = arith.cmpi sgt, %reduce_sum3A_230, %gt3A : i32
    %gt3A_232 = arith.constant 0 : i32
    %gt3A_233 = arith.cmpi sgt, %select_n3A_56, %gt3A_232 : i32
    %and3A_234 = arith.andi %gt3A_231, %gt3A_233 : i1
    %convert_element_type3A = arith.extui %and3A_234 : i1 to i32
    %cond3A = arith.constant 0 : i32
    %cond3A_235 = arith.cmpi ne, %convert_element_type3A, %cond3A : i32
    scf.if %cond3A_235 {
      %dma_start3A = arith.constant 0 : i32
      %dma_start3A_778 = arith.constant 0 : i32
      %dma_start3A_779 = tpu.memref_slice %arg13[%dma_start3A, %dma_start3A_778] : memref<16x64xi32, #tpu.memory_space<vmem>> -> memref<1x64xi32, #tpu.memory_space<vmem>>
      %dma_start3A_780 = tpu.memref_squeeze %dma_start3A_779 : memref<1x64xi32, #tpu.memory_space<vmem>> -> memref<64xi32, #tpu.memory_space<vmem>>
      %dma_start3A_781 = arith.constant 0 : i32
      %dma_start3A_782 = arith.constant 0 : i32
      %dma_start3A_783 = tpu.memref_slice %arg2[%dma_start3A_781, %dma_start3A_782] : memref<16384x256xf32, #tpu.memory_space<hbm>> -> memref<16384x256xf32, #tpu.memory_space<hbm>>
      tpu.enqueue_indirect_dma source(%dma_start3A_783 : memref<16384x256xf32, #tpu.memory_space<hbm>>) target(%arg7 : memref<64x256xf32, #tpu.memory_space<vmem>>) offsets(%dma_start3A_780 : memref<64xi32, #tpu.memory_space<vmem>>) semaphore(%arg20 : memref<!tpu.dma_semaphore, #tpu.memory_space<semaphore_mem>>)
    } else {
    }
    %gt3A_236 = arith.constant 1 : i32
    %gt3A_237 = arith.cmpi sgt, %select_n3A_56, %gt3A_236 : i32
    %and3A_238 = arith.andi %gt3A_231, %gt3A_237 : i1
    %convert_element_type3A_239 = arith.extui %and3A_238 : i1 to i32
    %cond3A_240 = arith.constant 0 : i32
    %cond3A_241 = arith.cmpi ne, %convert_element_type3A_239, %cond3A_240 : i32
    scf.if %cond3A_241 {
      %dma_start3A = arith.constant 1 : i32
      %dma_start3A_778 = arith.constant 0 : i32
      %dma_start3A_779 = tpu.memref_slice %arg13[%dma_start3A, %dma_start3A_778] : memref<16x64xi32, #tpu.memory_space<vmem>> -> memref<1x64xi32, #tpu.memory_space<vmem>>
      %dma_start3A_780 = tpu.memref_squeeze %dma_start3A_779 : memref<1x64xi32, #tpu.memory_space<vmem>> -> memref<64xi32, #tpu.memory_space<vmem>>
      %dma_start3A_781 = arith.constant 0 : i32
      %dma_start3A_782 = arith.constant 0 : i32
      %dma_start3A_783 = tpu.memref_slice %arg2[%dma_start3A_781, %dma_start3A_782] : memref<16384x256xf32, #tpu.memory_space<hbm>> -> memref<16384x256xf32, #tpu.memory_space<hbm>>
      tpu.enqueue_indirect_dma source(%dma_start3A_783 : memref<16384x256xf32, #tpu.memory_space<hbm>>) target(%arg8 : memref<64x256xf32, #tpu.memory_space<vmem>>) offsets(%dma_start3A_780 : memref<64xi32, #tpu.memory_space<vmem>>) semaphore(%arg21 : memref<!tpu.dma_semaphore, #tpu.memory_space<semaphore_mem>>)
    } else {
    }
    %gt3A_242 = arith.constant 2 : i32
    %gt3A_243 = arith.cmpi sgt, %select_n3A_56, %gt3A_242 : i32
    %and3A_244 = arith.andi %gt3A_231, %gt3A_243 : i1
    %convert_element_type3A_245 = arith.extui %and3A_244 : i1 to i32
    %cond3A_246 = arith.constant 0 : i32
    %cond3A_247 = arith.cmpi ne, %convert_element_type3A_245, %cond3A_246 : i32
    scf.if %cond3A_247 {
      %dma_start3A = arith.constant 2 : i32
      %dma_start3A_778 = arith.constant 0 : i32
      %dma_start3A_779 = tpu.memref_slice %arg13[%dma_start3A, %dma_start3A_778] : memref<16x64xi32, #tpu.memory_space<vmem>> -> memref<1x64xi32, #tpu.memory_space<vmem>>
      %dma_start3A_780 = tpu.memref_squeeze %dma_start3A_779 : memref<1x64xi32, #tpu.memory_space<vmem>> -> memref<64xi32, #tpu.memory_space<vmem>>
      %dma_start3A_781 = arith.constant 0 : i32
      %dma_start3A_782 = arith.constant 0 : i32
      %dma_start3A_783 = tpu.memref_slice %arg2[%dma_start3A_781, %dma_start3A_782] : memref<16384x256xf32, #tpu.memory_space<hbm>> -> memref<16384x256xf32, #tpu.memory_space<hbm>>
      tpu.enqueue_indirect_dma source(%dma_start3A_783 : memref<16384x256xf32, #tpu.memory_space<hbm>>) target(%arg9 : memref<64x256xf32, #tpu.memory_space<vmem>>) offsets(%dma_start3A_780 : memref<64xi32, #tpu.memory_space<vmem>>) semaphore(%arg22 : memref<!tpu.dma_semaphore, #tpu.memory_space<semaphore_mem>>)
    } else {
    }
    %gt3A_248 = arith.constant 3 : i32
    %gt3A_249 = arith.cmpi sgt, %select_n3A_56, %gt3A_248 : i32
    %and3A_250 = arith.andi %gt3A_231, %gt3A_249 : i1
    %convert_element_type3A_251 = arith.extui %and3A_250 : i1 to i32
    %cond3A_252 = arith.constant 0 : i32
    %cond3A_253 = arith.cmpi ne, %convert_element_type3A_251, %cond3A_252 : i32
    scf.if %cond3A_253 {
      %dma_start3A = arith.constant 3 : i32
      %dma_start3A_778 = arith.constant 0 : i32
      %dma_start3A_779 = tpu.memref_slice %arg13[%dma_start3A, %dma_start3A_778] : memref<16x64xi32, #tpu.memory_space<vmem>> -> memref<1x64xi32, #tpu.memory_space<vmem>>
      %dma_start3A_780 = tpu.memref_squeeze %dma_start3A_779 : memref<1x64xi32, #tpu.memory_space<vmem>> -> memref<64xi32, #tpu.memory_space<vmem>>
      %dma_start3A_781 = arith.constant 0 : i32
      %dma_start3A_782 = arith.constant 0 : i32
      %dma_start3A_783 = tpu.memref_slice %arg2[%dma_start3A_781, %dma_start3A_782] : memref<16384x256xf32, #tpu.memory_space<hbm>> -> memref<16384x256xf32, #tpu.memory_space<hbm>>
      tpu.enqueue_indirect_dma source(%dma_start3A_783 : memref<16384x256xf32, #tpu.memory_space<hbm>>) target(%arg10 : memref<64x256xf32, #tpu.memory_space<vmem>>) offsets(%dma_start3A_780 : memref<64xi32, #tpu.memory_space<vmem>>) semaphore(%arg23 : memref<!tpu.dma_semaphore, #tpu.memory_space<semaphore_mem>>)
    } else {
    }
    %gt3A_254 = arith.constant 0 : i32
    %gt3A_255 = arith.cmpi sgt, %select_n3A_72, %gt3A_254 : i32
    %and3A_256 = arith.andi %gt3A_231, %gt3A_255 : i1
    %convert_element_type3A_257 = arith.extui %and3A_256 : i1 to i32
    %cond3A_258 = arith.constant 0 : i32
    %cond3A_259 = arith.cmpi ne, %convert_element_type3A_257, %cond3A_258 : i32
    scf.if %cond3A_259 {
      %dma_start3A = arith.constant 0 : i32
      %dma_start3A_778 = arith.constant 0 : i32
      %dma_start3A_779 = tpu.memref_slice %arg2[%dma_start3A, %dma_start3A_778] : memref<16384x256xf32, #tpu.memory_space<hbm>> -> memref<16384x256xf32, #tpu.memory_space<hbm>>
      tpu.enqueue_indirect_dma source(%dma_start3A_779 : memref<16384x256xf32, #tpu.memory_space<hbm>>) target(%arg11 : memref<64x256xf32, #tpu.memory_space<vmem>>) offsets(%arg14 : memref<64xi32, #tpu.memory_space<vmem>>) semaphore(%arg29 : memref<!tpu.dma_semaphore, #tpu.memory_space<semaphore_mem>>)
    } else {
    }
    tpu.wait_dma2 semaphore(%arg19 : memref<!tpu.dma_semaphore, #tpu.memory_space<semaphore_mem>>) src(%arg5 : memref<64x256xf32, #tpu.memory_space<hbm>>) dst(%arg12 : memref<64x256xf32, #tpu.memory_space<vmem>>)
    %while3A = arith.constant 0 : i32
    %while3A_260 = arith.constant 0 : i32
    %while3A_261 = arith.subi %select_n3A_131, %while3A_260 : i32
    %while3A_262 = arith.addi %while3A_260, %while3A_261 : i32
    %while3A_263 = arith.constant 1 : i32
    %while3A_264 = arith.divsi %while3A_261, %while3A_263 : i32
    %while3A_265 = arith.muli %while3A_264, %while3A_263 : i32
    %while3A_266 = arith.addi %while3A_260, %while3A_265 : i32
    %while3A_267 = arith.constant 1 : i32
    scf.for %while3A_778 = %while3A_260 to %while3A_266 step %while3A_267  : i32 {
      %mul3A_779 = arith.constant 64 : i32
      %mul3A_780 = arith.muli %while3A_778, %mul3A_779 : i32
      %add3A_781 = arith.addi %multiple_of3A_106, %mul3A_780 : i32
      %multiple_of3A_782 = tpu.assume_multiple %add3A_781, 8 : i32
      %dma_start3A = arith.constant 0 : i32
      %dma_start3A_783 = tpu.memref_slice %arg6[%multiple_of3A_782, %dma_start3A] : memref<32768x256xf32, #tpu.memory_space<hbm>> -> memref<64x256xf32, #tpu.memory_space<hbm>>
      %dma_start3A_784 = arith.constant 0 : i32
      %dma_start3A_785 = tpu.memref_slice %arg6[%multiple_of3A_782, %dma_start3A_784] : memref<32768x256xf32, #tpu.memory_space<hbm>> -> memref<64x256xf32, #tpu.memory_space<hbm>>
      tpu.enqueue_dma source(%arg12 : memref<64x256xf32, #tpu.memory_space<vmem>>) target(%dma_start3A_785 : memref<64x256xf32, #tpu.memory_space<hbm>>) target_semaphore(%arg28 : memref<!tpu.dma_semaphore, #tpu.memory_space<semaphore_mem>>)
    }
    %while3A_268 = arith.constant 1 : i32
    scf.for %while3A_778 = %while3A_266 to %while3A_262 step %while3A_268  : i32 {
      %mul3A_779 = arith.constant 64 : i32
      %mul3A_780 = arith.muli %while3A_778, %mul3A_779 : i32
      %add3A_781 = arith.addi %multiple_of3A_106, %mul3A_780 : i32
      %multiple_of3A_782 = tpu.assume_multiple %add3A_781, 8 : i32
      %dma_start3A = arith.constant 0 : i32
      %dma_start3A_783 = tpu.memref_slice %arg6[%multiple_of3A_782, %dma_start3A] : memref<32768x256xf32, #tpu.memory_space<hbm>> -> memref<64x256xf32, #tpu.memory_space<hbm>>
      %dma_start3A_784 = arith.constant 0 : i32
      %dma_start3A_785 = tpu.memref_slice %arg6[%multiple_of3A_782, %dma_start3A_784] : memref<32768x256xf32, #tpu.memory_space<hbm>> -> memref<64x256xf32, #tpu.memory_space<hbm>>
      tpu.enqueue_dma source(%arg12 : memref<64x256xf32, #tpu.memory_space<vmem>>) target(%dma_start3A_785 : memref<64x256xf32, #tpu.memory_space<hbm>>) target_semaphore(%arg28 : memref<!tpu.dma_semaphore, #tpu.memory_space<semaphore_mem>>)
    }
    %mul3A_269 = arith.constant 64 : i32
    %mul3A_270 = arith.muli %select_n3A_131, %mul3A_269 : i32
    %add3A_271 = arith.addi %multiple_of3A_106, %mul3A_270 : i32
    %jit3A_272 = arith.constant 32 : i32
    %div3A_273 = arith.divsi %select_n3A_148, %jit3A_272 : i32
    %sign3A_274 = arith.constant 0 : i32
    %sign3A_275 = arith.cmpi sgt, %select_n3A_148, %sign3A_274 : i32
    %sign3A_276 = arith.extui %sign3A_275 : i1 to i32
    %sign3A_277 = arith.constant 0 : i32
    %sign3A_278 = arith.cmpi slt, %select_n3A_148, %sign3A_277 : i32
    %sign3A_279 = arith.extui %sign3A_278 : i1 to i32
    %sign3A_280 = arith.subi %sign3A_276, %sign3A_279 : i32
    %sign3A_281 = arith.constant 0 : i32
    %sign3A_282 = arith.cmpi sgt, %jit3A_272, %sign3A_281 : i32
    %sign3A_283 = arith.extui %sign3A_282 : i1 to i32
    %sign3A_284 = arith.constant 0 : i32
    %sign3A_285 = arith.cmpi slt, %jit3A_272, %sign3A_284 : i32
    %sign3A_286 = arith.extui %sign3A_285 : i1 to i32
    %sign3A_287 = arith.subi %sign3A_283, %sign3A_286 : i32
    %ne3A_288 = arith.cmpi ne, %sign3A_280, %sign3A_287 : i32
    %rem3A_289 = arith.remsi %select_n3A_148, %jit3A_272 : i32
    %ne3A_290 = arith.constant 0 : i32
    %ne3A_291 = arith.cmpi ne, %rem3A_289, %ne3A_290 : i32
    %and3A_292 = arith.andi %ne3A_288, %ne3A_291 : i1
    %sub3A_293 = arith.constant 1 : i32
    %sub3A_294 = arith.subi %div3A_273, %sub3A_293 : i32
    %select_n3A_295 = arith.select %and3A_292, %sub3A_294, %div3A_273 : i32
    %jit3A_296 = arith.constant 2 : i32
    %eq3A_297 = arith.constant 0 : i32
    %eq3A_298 = arith.cmpi eq, %jit3A_296, %eq3A_297 : i32
    %jit3A_299 = arith.constant 1 : i32
    %select_n3A_300 = arith.select %eq3A_298, %jit3A_299, %jit3A_296 : i32
    %rem3A_301 = arith.remsi %select_n3A_295, %select_n3A_300 : i32
    %ne3A_302 = arith.constant 0 : i32
    %ne3A_303 = arith.cmpi ne, %rem3A_301, %ne3A_302 : i32
    %lt3A_304 = arith.constant 0 : i32
    %lt3A_305 = arith.cmpi slt, %rem3A_301, %lt3A_304 : i32
    %lt3A_306 = arith.constant 0 : i32
    %lt3A_307 = arith.cmpi slt, %select_n3A_300, %lt3A_306 : i32
    %ne3A_308 = arith.xori %lt3A_305, %lt3A_307 : i1
    %and3A_309 = arith.andi %ne3A_308, %ne3A_303 : i1
    %add3A_310 = arith.addi %rem3A_301, %select_n3A_300 : i32
    %select_n3A_311 = arith.select %and3A_309, %add3A_310, %rem3A_301 : i32
    %multiple_of3A_312 = tpu.assume_multiple %add3A_271, 8 : i32
    %eq3A_313 = arith.constant 1 : i32
    %eq3A_314 = arith.cmpi eq, %select_n3A_311, %eq3A_313 : i32
    %mul3A_315 = arith.constant 32 : i32
    %mul3A_316 = arith.muli %select_n3A_311, %mul3A_315 : i32
    %add3A_317 = arith.addi %add3A_271, %mul3A_316 : i32
    %jit3A_318 = arith.constant 16 : i32
    %div3A_319 = arith.divsi %select_n3A_148, %jit3A_318 : i32
    %sign3A_320 = arith.constant 0 : i32
    %sign3A_321 = arith.cmpi sgt, %select_n3A_148, %sign3A_320 : i32
    %sign3A_322 = arith.extui %sign3A_321 : i1 to i32
    %sign3A_323 = arith.constant 0 : i32
    %sign3A_324 = arith.cmpi slt, %select_n3A_148, %sign3A_323 : i32
    %sign3A_325 = arith.extui %sign3A_324 : i1 to i32
    %sign3A_326 = arith.subi %sign3A_322, %sign3A_325 : i32
    %sign3A_327 = arith.constant 0 : i32
    %sign3A_328 = arith.cmpi sgt, %jit3A_318, %sign3A_327 : i32
    %sign3A_329 = arith.extui %sign3A_328 : i1 to i32
    %sign3A_330 = arith.constant 0 : i32
    %sign3A_331 = arith.cmpi slt, %jit3A_318, %sign3A_330 : i32
    %sign3A_332 = arith.extui %sign3A_331 : i1 to i32
    %sign3A_333 = arith.subi %sign3A_329, %sign3A_332 : i32
    %ne3A_334 = arith.cmpi ne, %sign3A_326, %sign3A_333 : i32
    %rem3A_335 = arith.remsi %select_n3A_148, %jit3A_318 : i32
    %ne3A_336 = arith.constant 0 : i32
    %ne3A_337 = arith.cmpi ne, %rem3A_335, %ne3A_336 : i32
    %and3A_338 = arith.andi %ne3A_334, %ne3A_337 : i1
    %sub3A_339 = arith.constant 1 : i32
    %sub3A_340 = arith.subi %div3A_319, %sub3A_339 : i32
    %select_n3A_341 = arith.select %and3A_338, %sub3A_340, %div3A_319 : i32
    %jit3A_342 = arith.constant 2 : i32
    %eq3A_343 = arith.constant 0 : i32
    %eq3A_344 = arith.cmpi eq, %jit3A_342, %eq3A_343 : i32
    %jit3A_345 = arith.constant 1 : i32
    %select_n3A_346 = arith.select %eq3A_344, %jit3A_345, %jit3A_342 : i32
    %rem3A_347 = arith.remsi %select_n3A_341, %select_n3A_346 : i32
    %ne3A_348 = arith.constant 0 : i32
    %ne3A_349 = arith.cmpi ne, %rem3A_347, %ne3A_348 : i32
    %lt3A_350 = arith.constant 0 : i32
    %lt3A_351 = arith.cmpi slt, %rem3A_347, %lt3A_350 : i32
    %lt3A_352 = arith.constant 0 : i32
    %lt3A_353 = arith.cmpi slt, %select_n3A_346, %lt3A_352 : i32
    %ne3A_354 = arith.xori %lt3A_351, %lt3A_353 : i1
    %and3A_355 = arith.andi %ne3A_354, %ne3A_349 : i1
    %add3A_356 = arith.addi %rem3A_347, %select_n3A_346 : i32
    %select_n3A_357 = arith.select %and3A_355, %add3A_356, %rem3A_347 : i32
    %multiple_of3A_358 = tpu.assume_multiple %add3A_317, 8 : i32
    %eq3A_359 = arith.constant 1 : i32
    %eq3A_360 = arith.cmpi eq, %select_n3A_357, %eq3A_359 : i32
    %mul3A_361 = arith.constant 16 : i32
    %mul3A_362 = arith.muli %select_n3A_357, %mul3A_361 : i32
    %add3A_363 = arith.addi %add3A_317, %mul3A_362 : i32
    %jit3A_364 = arith.constant 8 : i32
    %div3A_365 = arith.divsi %select_n3A_148, %jit3A_364 : i32
    %sign3A_366 = arith.constant 0 : i32
    %sign3A_367 = arith.cmpi sgt, %select_n3A_148, %sign3A_366 : i32
    %sign3A_368 = arith.extui %sign3A_367 : i1 to i32
    %sign3A_369 = arith.constant 0 : i32
    %sign3A_370 = arith.cmpi slt, %select_n3A_148, %sign3A_369 : i32
    %sign3A_371 = arith.extui %sign3A_370 : i1 to i32
    %sign3A_372 = arith.subi %sign3A_368, %sign3A_371 : i32
    %sign3A_373 = arith.constant 0 : i32
    %sign3A_374 = arith.cmpi sgt, %jit3A_364, %sign3A_373 : i32
    %sign3A_375 = arith.extui %sign3A_374 : i1 to i32
    %sign3A_376 = arith.constant 0 : i32
    %sign3A_377 = arith.cmpi slt, %jit3A_364, %sign3A_376 : i32
    %sign3A_378 = arith.extui %sign3A_377 : i1 to i32
    %sign3A_379 = arith.subi %sign3A_375, %sign3A_378 : i32
    %ne3A_380 = arith.cmpi ne, %sign3A_372, %sign3A_379 : i32
    %rem3A_381 = arith.remsi %select_n3A_148, %jit3A_364 : i32
    %ne3A_382 = arith.constant 0 : i32
    %ne3A_383 = arith.cmpi ne, %rem3A_381, %ne3A_382 : i32
    %and3A_384 = arith.andi %ne3A_380, %ne3A_383 : i1
    %sub3A_385 = arith.constant 1 : i32
    %sub3A_386 = arith.subi %div3A_365, %sub3A_385 : i32
    %select_n3A_387 = arith.select %and3A_384, %sub3A_386, %div3A_365 : i32
    %jit3A_388 = arith.constant 2 : i32
    %eq3A_389 = arith.constant 0 : i32
    %eq3A_390 = arith.cmpi eq, %jit3A_388, %eq3A_389 : i32
    %jit3A_391 = arith.constant 1 : i32
    %select_n3A_392 = arith.select %eq3A_390, %jit3A_391, %jit3A_388 : i32
    %rem3A_393 = arith.remsi %select_n3A_387, %select_n3A_392 : i32
    %ne3A_394 = arith.constant 0 : i32
    %ne3A_395 = arith.cmpi ne, %rem3A_393, %ne3A_394 : i32
    %lt3A_396 = arith.constant 0 : i32
    %lt3A_397 = arith.cmpi slt, %rem3A_393, %lt3A_396 : i32
    %lt3A_398 = arith.constant 0 : i32
    %lt3A_399 = arith.cmpi slt, %select_n3A_392, %lt3A_398 : i32
    %ne3A_400 = arith.xori %lt3A_397, %lt3A_399 : i1
    %and3A_401 = arith.andi %ne3A_400, %ne3A_395 : i1
    %add3A_402 = arith.addi %rem3A_393, %select_n3A_392 : i32
    %select_n3A_403 = arith.select %and3A_401, %add3A_402, %rem3A_393 : i32
    %multiple_of3A_404 = tpu.assume_multiple %add3A_363, 8 : i32
    %eq3A_405 = arith.constant 1 : i32
    %eq3A_406 = arith.cmpi eq, %select_n3A_403, %eq3A_405 : i32
    %mul3A_407 = arith.constant 8 : i32
    %mul3A_408 = arith.muli %select_n3A_403, %mul3A_407 : i32
    %add3A_409 = arith.addi %add3A_363, %mul3A_408 : i32
    %convert_element_type3A_410 = arith.extui %eq3A_314 : i1 to i32
    %cond3A_411 = arith.constant 0 : i32
    %cond3A_412 = arith.cmpi ne, %convert_element_type3A_410, %cond3A_411 : i32
    scf.if %cond3A_412 {
      %dma_start3A = arith.constant 0 : i32
      %dma_start3A_778 = arith.constant 0 : i32
      %dma_start3A_779 = tpu.memref_slice %arg12[%dma_start3A, %dma_start3A_778] : memref<64x256xf32, #tpu.memory_space<vmem>> -> memref<32x256xf32, #tpu.memory_space<vmem>>
      %dma_start3A_780 = arith.constant 0 : i32
      %dma_start3A_781 = tpu.memref_slice %arg6[%multiple_of3A_312, %dma_start3A_780] : memref<32768x256xf32, #tpu.memory_space<hbm>> -> memref<32x256xf32, #tpu.memory_space<hbm>>
      %dma_start3A_782 = arith.constant 0 : i32
      %dma_start3A_783 = tpu.memref_slice %arg6[%multiple_of3A_312, %dma_start3A_782] : memref<32768x256xf32, #tpu.memory_space<hbm>> -> memref<32x256xf32, #tpu.memory_space<hbm>>
      %dma_start3A_784 = arith.constant 0 : i32
      %dma_start3A_785 = arith.constant 0 : i32
      %dma_start3A_786 = tpu.memref_slice %arg12[%dma_start3A_784, %dma_start3A_785] : memref<64x256xf32, #tpu.memory_space<vmem>> -> memref<32x256xf32, #tpu.memory_space<vmem>>
      tpu.enqueue_dma source(%dma_start3A_786 : memref<32x256xf32, #tpu.memory_space<vmem>>) target(%dma_start3A_783 : memref<32x256xf32, #tpu.memory_space<hbm>>) target_semaphore(%arg28 : memref<!tpu.dma_semaphore, #tpu.memory_space<semaphore_mem>>)
    } else {
    }
    %convert_element_type3A_413 = arith.extui %eq3A_360 : i1 to i32
    %cond3A_414 = arith.constant 0 : i32
    %cond3A_415 = arith.cmpi ne, %convert_element_type3A_413, %cond3A_414 : i32
    scf.if %cond3A_415 {
      %dma_start3A = arith.constant 0 : i32
      %dma_start3A_778 = arith.constant 0 : i32
      %dma_start3A_779 = tpu.memref_slice %arg12[%dma_start3A, %dma_start3A_778] : memref<64x256xf32, #tpu.memory_space<vmem>> -> memref<16x256xf32, #tpu.memory_space<vmem>>
      %dma_start3A_780 = arith.constant 0 : i32
      %dma_start3A_781 = tpu.memref_slice %arg6[%multiple_of3A_358, %dma_start3A_780] : memref<32768x256xf32, #tpu.memory_space<hbm>> -> memref<16x256xf32, #tpu.memory_space<hbm>>
      %dma_start3A_782 = arith.constant 0 : i32
      %dma_start3A_783 = tpu.memref_slice %arg6[%multiple_of3A_358, %dma_start3A_782] : memref<32768x256xf32, #tpu.memory_space<hbm>> -> memref<16x256xf32, #tpu.memory_space<hbm>>
      %dma_start3A_784 = arith.constant 0 : i32
      %dma_start3A_785 = arith.constant 0 : i32
      %dma_start3A_786 = tpu.memref_slice %arg12[%dma_start3A_784, %dma_start3A_785] : memref<64x256xf32, #tpu.memory_space<vmem>> -> memref<16x256xf32, #tpu.memory_space<vmem>>
      tpu.enqueue_dma source(%dma_start3A_786 : memref<16x256xf32, #tpu.memory_space<vmem>>) target(%dma_start3A_783 : memref<16x256xf32, #tpu.memory_space<hbm>>) target_semaphore(%arg28 : memref<!tpu.dma_semaphore, #tpu.memory_space<semaphore_mem>>)
    } else {
    }
    %convert_element_type3A_416 = arith.extui %eq3A_406 : i1 to i32
    %cond3A_417 = arith.constant 0 : i32
    %cond3A_418 = arith.cmpi ne, %convert_element_type3A_416, %cond3A_417 : i32
    scf.if %cond3A_418 {
      %dma_start3A = arith.constant 0 : i32
      %dma_start3A_778 = arith.constant 0 : i32
      %dma_start3A_779 = tpu.memref_slice %arg12[%dma_start3A, %dma_start3A_778] : memref<64x256xf32, #tpu.memory_space<vmem>> -> memref<8x256xf32, #tpu.memory_space<vmem>>
      %dma_start3A_780 = arith.constant 0 : i32
      %dma_start3A_781 = tpu.memref_slice %arg6[%multiple_of3A_404, %dma_start3A_780] : memref<32768x256xf32, #tpu.memory_space<hbm>> -> memref<8x256xf32, #tpu.memory_space<hbm>>
      %dma_start3A_782 = arith.constant 0 : i32
      %dma_start3A_783 = tpu.memref_slice %arg6[%multiple_of3A_404, %dma_start3A_782] : memref<32768x256xf32, #tpu.memory_space<hbm>> -> memref<8x256xf32, #tpu.memory_space<hbm>>
      %dma_start3A_784 = arith.constant 0 : i32
      %dma_start3A_785 = arith.constant 0 : i32
      %dma_start3A_786 = tpu.memref_slice %arg12[%dma_start3A_784, %dma_start3A_785] : memref<64x256xf32, #tpu.memory_space<vmem>> -> memref<8x256xf32, #tpu.memory_space<vmem>>
      tpu.enqueue_dma source(%dma_start3A_786 : memref<8x256xf32, #tpu.memory_space<vmem>>) target(%dma_start3A_783 : memref<8x256xf32, #tpu.memory_space<hbm>>) target_semaphore(%arg28 : memref<!tpu.dma_semaphore, #tpu.memory_space<semaphore_mem>>)
    } else {
    }
    %while3A_419 = arith.constant 0 : i32
    %while3A_420 = arith.constant 0 : i32
    %while3A_421 = arith.subi %select_n3A_172, %while3A_420 : i32
    %while3A_422 = arith.addi %while3A_420, %while3A_421 : i32
    %while3A_423 = arith.constant 1 : i32
    %while3A_424 = arith.divsi %while3A_421, %while3A_423 : i32
    %while3A_425 = arith.muli %while3A_424, %while3A_423 : i32
    %while3A_426 = arith.addi %while3A_420, %while3A_425 : i32
    %while3A_427 = arith.constant 1 : i32
    scf.for %while3A_778 = %while3A_420 to %while3A_426 step %while3A_427  : i32 {
      %mul3A_779 = arith.constant 4 : i32
      %mul3A_780 = arith.muli %while3A_778, %mul3A_779 : i32
      %add3A_781 = arith.constant 0 : i32
      %add3A_782 = arith.addi %mul3A_780, %add3A_781 : i32
      %dma_wait3A = arith.constant 0 : i32
      %dma_wait3A_783 = tpu.memref_slice %arg13[%add3A_782, %dma_wait3A] : memref<16x64xi32, #tpu.memory_space<vmem>> -> memref<1x64xi32, #tpu.memory_space<vmem>>
      %dma_wait3A_784 = tpu.memref_squeeze %dma_wait3A_783 : memref<1x64xi32, #tpu.memory_space<vmem>> -> memref<64xi32, #tpu.memory_space<vmem>>
      %dma_wait3A_785 = arith.constant 0 : i32
      %dma_wait3A_786 = arith.constant 0 : i32
      %dma_wait3A_787 = tpu.memref_slice %arg2[%dma_wait3A_785, %dma_wait3A_786] : memref<16384x256xf32, #tpu.memory_space<hbm>> -> memref<16384x256xf32, #tpu.memory_space<hbm>>
      tpu.wait_indirect_dma semaphore(%arg20 : memref<!tpu.dma_semaphore, #tpu.memory_space<semaphore_mem>>) src(%dma_wait3A_787 : memref<16384x256xf32, #tpu.memory_space<hbm>>) dst(%arg7 : memref<64x256xf32, #tpu.memory_space<vmem>>)
      %mul3A_788 = arith.constant 64 : i32
      %mul3A_789 = arith.muli %add3A_782, %mul3A_788 : i32
      %add3A_790 = arith.addi %multiple_of3A, %mul3A_789 : i32
      %multiple_of3A_791 = tpu.assume_multiple %add3A_790, 8 : i32
      %dma_start3A = arith.constant 0 : i32
      %dma_start3A_792 = tpu.memref_slice %arg6[%multiple_of3A_791, %dma_start3A] : memref<32768x256xf32, #tpu.memory_space<hbm>> -> memref<64x256xf32, #tpu.memory_space<hbm>>
      %dma_start3A_793 = arith.constant 0 : i32
      %dma_start3A_794 = tpu.memref_slice %arg6[%multiple_of3A_791, %dma_start3A_793] : memref<32768x256xf32, #tpu.memory_space<hbm>> -> memref<64x256xf32, #tpu.memory_space<hbm>>
      tpu.enqueue_dma source(%arg7 : memref<64x256xf32, #tpu.memory_space<vmem>>) target(%dma_start3A_794 : memref<64x256xf32, #tpu.memory_space<hbm>>) target_semaphore(%arg24 : memref<!tpu.dma_semaphore, #tpu.memory_space<semaphore_mem>>)
      %add3A_795 = arith.constant 4 : i32
      %add3A_796 = arith.addi %add3A_782, %add3A_795 : i32
      %lt3A_797 = arith.cmpi slt, %add3A_796, %select_n3A_56 : i32
      %convert_element_type3A_798 = arith.extui %lt3A_797 : i1 to i32
      %cond3A_799 = arith.constant 0 : i32
      %cond3A_800 = arith.cmpi ne, %convert_element_type3A_798, %cond3A_799 : i32
      scf.if %cond3A_800 {
        %mul3A_873 = arith.constant 64 : i32
        %mul3A_874 = arith.muli %add3A_782, %mul3A_873 : i32
        %add3A_875 = arith.addi %multiple_of3A, %mul3A_874 : i32
        %multiple_of3A_876 = tpu.assume_multiple %add3A_875, 8 : i32
        %dma_wait3A_877 = arith.constant 0 : i32
        %dma_wait3A_878 = tpu.memref_slice %arg6[%multiple_of3A_876, %dma_wait3A_877] : memref<32768x256xf32, #tpu.memory_space<hbm>> -> memref<64x256xf32, #tpu.memory_space<hbm>>
        %dma_wait3A_879 = arith.constant 0 : i32
        %dma_wait3A_880 = tpu.memref_slice %arg6[%multiple_of3A_876, %dma_wait3A_879] : memref<32768x256xf32, #tpu.memory_space<hbm>> -> memref<64x256xf32, #tpu.memory_space<hbm>>
        tpu.wait_dma2 semaphore(%arg24 : memref<!tpu.dma_semaphore, #tpu.memory_space<semaphore_mem>>) src(%arg7 : memref<64x256xf32, #tpu.memory_space<vmem>>) dst(%dma_wait3A_880 : memref<64x256xf32, #tpu.memory_space<hbm>>)
        %add3A_881 = arith.constant 4 : i32
        %add3A_882 = arith.addi %add3A_782, %add3A_881 : i32
        %dma_start3A_883 = arith.constant 0 : i32
        %dma_start3A_884 = tpu.memref_slice %arg13[%add3A_882, %dma_start3A_883] : memref<16x64xi32, #tpu.memory_space<vmem>> -> memref<1x64xi32, #tpu.memory_space<vmem>>
        %dma_start3A_885 = tpu.memref_squeeze %dma_start3A_884 : memref<1x64xi32, #tpu.memory_space<vmem>> -> memref<64xi32, #tpu.memory_space<vmem>>
        %dma_start3A_886 = arith.constant 0 : i32
        %dma_start3A_887 = arith.constant 0 : i32
        %dma_start3A_888 = tpu.memref_slice %arg2[%dma_start3A_886, %dma_start3A_887] : memref<16384x256xf32, #tpu.memory_space<hbm>> -> memref<16384x256xf32, #tpu.memory_space<hbm>>
        tpu.enqueue_indirect_dma source(%dma_start3A_888 : memref<16384x256xf32, #tpu.memory_space<hbm>>) target(%arg7 : memref<64x256xf32, #tpu.memory_space<vmem>>) offsets(%dma_start3A_885 : memref<64xi32, #tpu.memory_space<vmem>>) semaphore(%arg20 : memref<!tpu.dma_semaphore, #tpu.memory_space<semaphore_mem>>)
      } else {
      }
      %mul3A_801 = arith.constant 4 : i32
      %mul3A_802 = arith.muli %while3A_778, %mul3A_801 : i32
      %add3A_803 = arith.constant 1 : i32
      %add3A_804 = arith.addi %mul3A_802, %add3A_803 : i32
      %dma_wait3A_805 = arith.constant 0 : i32
      %dma_wait3A_806 = tpu.memref_slice %arg13[%add3A_804, %dma_wait3A_805] : memref<16x64xi32, #tpu.memory_space<vmem>> -> memref<1x64xi32, #tpu.memory_space<vmem>>
      %dma_wait3A_807 = tpu.memref_squeeze %dma_wait3A_806 : memref<1x64xi32, #tpu.memory_space<vmem>> -> memref<64xi32, #tpu.memory_space<vmem>>
      %dma_wait3A_808 = arith.constant 0 : i32
      %dma_wait3A_809 = arith.constant 0 : i32
      %dma_wait3A_810 = tpu.memref_slice %arg2[%dma_wait3A_808, %dma_wait3A_809] : memref<16384x256xf32, #tpu.memory_space<hbm>> -> memref<16384x256xf32, #tpu.memory_space<hbm>>
      tpu.wait_indirect_dma semaphore(%arg21 : memref<!tpu.dma_semaphore, #tpu.memory_space<semaphore_mem>>) src(%dma_wait3A_810 : memref<16384x256xf32, #tpu.memory_space<hbm>>) dst(%arg8 : memref<64x256xf32, #tpu.memory_space<vmem>>)
      %mul3A_811 = arith.constant 64 : i32
      %mul3A_812 = arith.muli %add3A_804, %mul3A_811 : i32
      %add3A_813 = arith.addi %multiple_of3A, %mul3A_812 : i32
      %multiple_of3A_814 = tpu.assume_multiple %add3A_813, 8 : i32
      %dma_start3A_815 = arith.constant 0 : i32
      %dma_start3A_816 = tpu.memref_slice %arg6[%multiple_of3A_814, %dma_start3A_815] : memref<32768x256xf32, #tpu.memory_space<hbm>> -> memref<64x256xf32, #tpu.memory_space<hbm>>
      %dma_start3A_817 = arith.constant 0 : i32
      %dma_start3A_818 = tpu.memref_slice %arg6[%multiple_of3A_814, %dma_start3A_817] : memref<32768x256xf32, #tpu.memory_space<hbm>> -> memref<64x256xf32, #tpu.memory_space<hbm>>
      tpu.enqueue_dma source(%arg8 : memref<64x256xf32, #tpu.memory_space<vmem>>) target(%dma_start3A_818 : memref<64x256xf32, #tpu.memory_space<hbm>>) target_semaphore(%arg25 : memref<!tpu.dma_semaphore, #tpu.memory_space<semaphore_mem>>)
      %add3A_819 = arith.constant 4 : i32
      %add3A_820 = arith.addi %add3A_804, %add3A_819 : i32
      %lt3A_821 = arith.cmpi slt, %add3A_820, %select_n3A_56 : i32
      %convert_element_type3A_822 = arith.extui %lt3A_821 : i1 to i32
      %cond3A_823 = arith.constant 0 : i32
      %cond3A_824 = arith.cmpi ne, %convert_element_type3A_822, %cond3A_823 : i32
      scf.if %cond3A_824 {
        %mul3A_873 = arith.constant 64 : i32
        %mul3A_874 = arith.muli %add3A_804, %mul3A_873 : i32
        %add3A_875 = arith.addi %multiple_of3A, %mul3A_874 : i32
        %multiple_of3A_876 = tpu.assume_multiple %add3A_875, 8 : i32
        %dma_wait3A_877 = arith.constant 0 : i32
        %dma_wait3A_878 = tpu.memref_slice %arg6[%multiple_of3A_876, %dma_wait3A_877] : memref<32768x256xf32, #tpu.memory_space<hbm>> -> memref<64x256xf32, #tpu.memory_space<hbm>>
        %dma_wait3A_879 = arith.constant 0 : i32
        %dma_wait3A_880 = tpu.memref_slice %arg6[%multiple_of3A_876, %dma_wait3A_879] : memref<32768x256xf32, #tpu.memory_space<hbm>> -> memref<64x256xf32, #tpu.memory_space<hbm>>
        tpu.wait_dma2 semaphore(%arg25 : memref<!tpu.dma_semaphore, #tpu.memory_space<semaphore_mem>>) src(%arg8 : memref<64x256xf32, #tpu.memory_space<vmem>>) dst(%dma_wait3A_880 : memref<64x256xf32, #tpu.memory_space<hbm>>)
        %add3A_881 = arith.constant 4 : i32
        %add3A_882 = arith.addi %add3A_804, %add3A_881 : i32
        %dma_start3A_883 = arith.constant 0 : i32
        %dma_start3A_884 = tpu.memref_slice %arg13[%add3A_882, %dma_start3A_883] : memref<16x64xi32, #tpu.memory_space<vmem>> -> memref<1x64xi32, #tpu.memory_space<vmem>>
        %dma_start3A_885 = tpu.memref_squeeze %dma_start3A_884 : memref<1x64xi32, #tpu.memory_space<vmem>> -> memref<64xi32, #tpu.memory_space<vmem>>
        %dma_start3A_886 = arith.constant 0 : i32
        %dma_start3A_887 = arith.constant 0 : i32
        %dma_start3A_888 = tpu.memref_slice %arg2[%dma_start3A_886, %dma_start3A_887] : memref<16384x256xf32, #tpu.memory_space<hbm>> -> memref<16384x256xf32, #tpu.memory_space<hbm>>
        tpu.enqueue_indirect_dma source(%dma_start3A_888 : memref<16384x256xf32, #tpu.memory_space<hbm>>) target(%arg8 : memref<64x256xf32, #tpu.memory_space<vmem>>) offsets(%dma_start3A_885 : memref<64xi32, #tpu.memory_space<vmem>>) semaphore(%arg21 : memref<!tpu.dma_semaphore, #tpu.memory_space<semaphore_mem>>)
      } else {
      }
      %mul3A_825 = arith.constant 4 : i32
      %mul3A_826 = arith.muli %while3A_778, %mul3A_825 : i32
      %add3A_827 = arith.constant 2 : i32
      %add3A_828 = arith.addi %mul3A_826, %add3A_827 : i32
      %dma_wait3A_829 = arith.constant 0 : i32
      %dma_wait3A_830 = tpu.memref_slice %arg13[%add3A_828, %dma_wait3A_829] : memref<16x64xi32, #tpu.memory_space<vmem>> -> memref<1x64xi32, #tpu.memory_space<vmem>>
      %dma_wait3A_831 = tpu.memref_squeeze %dma_wait3A_830 : memref<1x64xi32, #tpu.memory_space<vmem>> -> memref<64xi32, #tpu.memory_space<vmem>>
      %dma_wait3A_832 = arith.constant 0 : i32
      %dma_wait3A_833 = arith.constant 0 : i32
      %dma_wait3A_834 = tpu.memref_slice %arg2[%dma_wait3A_832, %dma_wait3A_833] : memref<16384x256xf32, #tpu.memory_space<hbm>> -> memref<16384x256xf32, #tpu.memory_space<hbm>>
      tpu.wait_indirect_dma semaphore(%arg22 : memref<!tpu.dma_semaphore, #tpu.memory_space<semaphore_mem>>) src(%dma_wait3A_834 : memref<16384x256xf32, #tpu.memory_space<hbm>>) dst(%arg9 : memref<64x256xf32, #tpu.memory_space<vmem>>)
      %mul3A_835 = arith.constant 64 : i32
      %mul3A_836 = arith.muli %add3A_828, %mul3A_835 : i32
      %add3A_837 = arith.addi %multiple_of3A, %mul3A_836 : i32
      %multiple_of3A_838 = tpu.assume_multiple %add3A_837, 8 : i32
      %dma_start3A_839 = arith.constant 0 : i32
      %dma_start3A_840 = tpu.memref_slice %arg6[%multiple_of3A_838, %dma_start3A_839] : memref<32768x256xf32, #tpu.memory_space<hbm>> -> memref<64x256xf32, #tpu.memory_space<hbm>>
      %dma_start3A_841 = arith.constant 0 : i32
      %dma_start3A_842 = tpu.memref_slice %arg6[%multiple_of3A_838, %dma_start3A_841] : memref<32768x256xf32, #tpu.memory_space<hbm>> -> memref<64x256xf32, #tpu.memory_space<hbm>>
      tpu.enqueue_dma source(%arg9 : memref<64x256xf32, #tpu.memory_space<vmem>>) target(%dma_start3A_842 : memref<64x256xf32, #tpu.memory_space<hbm>>) target_semaphore(%arg26 : memref<!tpu.dma_semaphore, #tpu.memory_space<semaphore_mem>>)
      %add3A_843 = arith.constant 4 : i32
      %add3A_844 = arith.addi %add3A_828, %add3A_843 : i32
      %lt3A_845 = arith.cmpi slt, %add3A_844, %select_n3A_56 : i32
      %convert_element_type3A_846 = arith.extui %lt3A_845 : i1 to i32
      %cond3A_847 = arith.constant 0 : i32
      %cond3A_848 = arith.cmpi ne, %convert_element_type3A_846, %cond3A_847 : i32
      scf.if %cond3A_848 {
        %mul3A_873 = arith.constant 64 : i32
        %mul3A_874 = arith.muli %add3A_828, %mul3A_873 : i32
        %add3A_875 = arith.addi %multiple_of3A, %mul3A_874 : i32
        %multiple_of3A_876 = tpu.assume_multiple %add3A_875, 8 : i32
        %dma_wait3A_877 = arith.constant 0 : i32
        %dma_wait3A_878 = tpu.memref_slice %arg6[%multiple_of3A_876, %dma_wait3A_877] : memref<32768x256xf32, #tpu.memory_space<hbm>> -> memref<64x256xf32, #tpu.memory_space<hbm>>
        %dma_wait3A_879 = arith.constant 0 : i32
        %dma_wait3A_880 = tpu.memref_slice %arg6[%multiple_of3A_876, %dma_wait3A_879] : memref<32768x256xf32, #tpu.memory_space<hbm>> -> memref<64x256xf32, #tpu.memory_space<hbm>>
        tpu.wait_dma2 semaphore(%arg26 : memref<!tpu.dma_semaphore, #tpu.memory_space<semaphore_mem>>) src(%arg9 : memref<64x256xf32, #tpu.memory_space<vmem>>) dst(%dma_wait3A_880 : memref<64x256xf32, #tpu.memory_space<hbm>>)
        %add3A_881 = arith.constant 4 : i32
        %add3A_882 = arith.addi %add3A_828, %add3A_881 : i32
        %dma_start3A_883 = arith.constant 0 : i32
        %dma_start3A_884 = tpu.memref_slice %arg13[%add3A_882, %dma_start3A_883] : memref<16x64xi32, #tpu.memory_space<vmem>> -> memref<1x64xi32, #tpu.memory_space<vmem>>
        %dma_start3A_885 = tpu.memref_squeeze %dma_start3A_884 : memref<1x64xi32, #tpu.memory_space<vmem>> -> memref<64xi32, #tpu.memory_space<vmem>>
        %dma_start3A_886 = arith.constant 0 : i32
        %dma_start3A_887 = arith.constant 0 : i32
        %dma_start3A_888 = tpu.memref_slice %arg2[%dma_start3A_886, %dma_start3A_887] : memref<16384x256xf32, #tpu.memory_space<hbm>> -> memref<16384x256xf32, #tpu.memory_space<hbm>>
        tpu.enqueue_indirect_dma source(%dma_start3A_888 : memref<16384x256xf32, #tpu.memory_space<hbm>>) target(%arg9 : memref<64x256xf32, #tpu.memory_space<vmem>>) offsets(%dma_start3A_885 : memref<64xi32, #tpu.memory_space<vmem>>) semaphore(%arg22 : memref<!tpu.dma_semaphore, #tpu.memory_space<semaphore_mem>>)
      } else {
      }
      %mul3A_849 = arith.constant 4 : i32
      %mul3A_850 = arith.muli %while3A_778, %mul3A_849 : i32
      %add3A_851 = arith.constant 3 : i32
      %add3A_852 = arith.addi %mul3A_850, %add3A_851 : i32
      %dma_wait3A_853 = arith.constant 0 : i32
      %dma_wait3A_854 = tpu.memref_slice %arg13[%add3A_852, %dma_wait3A_853] : memref<16x64xi32, #tpu.memory_space<vmem>> -> memref<1x64xi32, #tpu.memory_space<vmem>>
      %dma_wait3A_855 = tpu.memref_squeeze %dma_wait3A_854 : memref<1x64xi32, #tpu.memory_space<vmem>> -> memref<64xi32, #tpu.memory_space<vmem>>
      %dma_wait3A_856 = arith.constant 0 : i32
      %dma_wait3A_857 = arith.constant 0 : i32
      %dma_wait3A_858 = tpu.memref_slice %arg2[%dma_wait3A_856, %dma_wait3A_857] : memref<16384x256xf32, #tpu.memory_space<hbm>> -> memref<16384x256xf32, #tpu.memory_space<hbm>>
      tpu.wait_indirect_dma semaphore(%arg23 : memref<!tpu.dma_semaphore, #tpu.memory_space<semaphore_mem>>) src(%dma_wait3A_858 : memref<16384x256xf32, #tpu.memory_space<hbm>>) dst(%arg10 : memref<64x256xf32, #tpu.memory_space<vmem>>)
      %mul3A_859 = arith.constant 64 : i32
      %mul3A_860 = arith.muli %add3A_852, %mul3A_859 : i32
      %add3A_861 = arith.addi %multiple_of3A, %mul3A_860 : i32
      %multiple_of3A_862 = tpu.assume_multiple %add3A_861, 8 : i32
      %dma_start3A_863 = arith.constant 0 : i32
      %dma_start3A_864 = tpu.memref_slice %arg6[%multiple_of3A_862, %dma_start3A_863] : memref<32768x256xf32, #tpu.memory_space<hbm>> -> memref<64x256xf32, #tpu.memory_space<hbm>>
      %dma_start3A_865 = arith.constant 0 : i32
      %dma_start3A_866 = tpu.memref_slice %arg6[%multiple_of3A_862, %dma_start3A_865] : memref<32768x256xf32, #tpu.memory_space<hbm>> -> memref<64x256xf32, #tpu.memory_space<hbm>>
      tpu.enqueue_dma source(%arg10 : memref<64x256xf32, #tpu.memory_space<vmem>>) target(%dma_start3A_866 : memref<64x256xf32, #tpu.memory_space<hbm>>) target_semaphore(%arg27 : memref<!tpu.dma_semaphore, #tpu.memory_space<semaphore_mem>>)
      %add3A_867 = arith.constant 4 : i32
      %add3A_868 = arith.addi %add3A_852, %add3A_867 : i32
      %lt3A_869 = arith.cmpi slt, %add3A_868, %select_n3A_56 : i32
      %convert_element_type3A_870 = arith.extui %lt3A_869 : i1 to i32
      %cond3A_871 = arith.constant 0 : i32
      %cond3A_872 = arith.cmpi ne, %convert_element_type3A_870, %cond3A_871 : i32
      scf.if %cond3A_872 {
        %mul3A_873 = arith.constant 64 : i32
        %mul3A_874 = arith.muli %add3A_852, %mul3A_873 : i32
        %add3A_875 = arith.addi %multiple_of3A, %mul3A_874 : i32
        %multiple_of3A_876 = tpu.assume_multiple %add3A_875, 8 : i32
        %dma_wait3A_877 = arith.constant 0 : i32
        %dma_wait3A_878 = tpu.memref_slice %arg6[%multiple_of3A_876, %dma_wait3A_877] : memref<32768x256xf32, #tpu.memory_space<hbm>> -> memref<64x256xf32, #tpu.memory_space<hbm>>
        %dma_wait3A_879 = arith.constant 0 : i32
        %dma_wait3A_880 = tpu.memref_slice %arg6[%multiple_of3A_876, %dma_wait3A_879] : memref<32768x256xf32, #tpu.memory_space<hbm>> -> memref<64x256xf32, #tpu.memory_space<hbm>>
        tpu.wait_dma2 semaphore(%arg27 : memref<!tpu.dma_semaphore, #tpu.memory_space<semaphore_mem>>) src(%arg10 : memref<64x256xf32, #tpu.memory_space<vmem>>) dst(%dma_wait3A_880 : memref<64x256xf32, #tpu.memory_space<hbm>>)
        %add3A_881 = arith.constant 4 : i32
        %add3A_882 = arith.addi %add3A_852, %add3A_881 : i32
        %dma_start3A_883 = arith.constant 0 : i32
        %dma_start3A_884 = tpu.memref_slice %arg13[%add3A_882, %dma_start3A_883] : memref<16x64xi32, #tpu.memory_space<vmem>> -> memref<1x64xi32, #tpu.memory_space<vmem>>
        %dma_start3A_885 = tpu.memref_squeeze %dma_start3A_884 : memref<1x64xi32, #tpu.memory_space<vmem>> -> memref<64xi32, #tpu.memory_space<vmem>>
        %dma_start3A_886 = arith.constant 0 : i32
        %dma_start3A_887 = arith.constant 0 : i32
        %dma_start3A_888 = tpu.memref_slice %arg2[%dma_start3A_886, %dma_start3A_887] : memref<16384x256xf32, #tpu.memory_space<hbm>> -> memref<16384x256xf32, #tpu.memory_space<hbm>>
        tpu.enqueue_indirect_dma source(%dma_start3A_888 : memref<16384x256xf32, #tpu.memory_space<hbm>>) target(%arg10 : memref<64x256xf32, #tpu.memory_space<vmem>>) offsets(%dma_start3A_885 : memref<64xi32, #tpu.memory_space<vmem>>) semaphore(%arg23 : memref<!tpu.dma_semaphore, #tpu.memory_space<semaphore_mem>>)
      } else {
      }
    }
    %while3A_428 = arith.constant 1 : i32
    scf.for %while3A_778 = %while3A_426 to %while3A_422 step %while3A_428  : i32 {
      %mul3A_779 = arith.constant 4 : i32
      %mul3A_780 = arith.muli %while3A_778, %mul3A_779 : i32
      %add3A_781 = arith.constant 0 : i32
      %add3A_782 = arith.addi %mul3A_780, %add3A_781 : i32
      %dma_wait3A = arith.constant 0 : i32
      %dma_wait3A_783 = tpu.memref_slice %arg13[%add3A_782, %dma_wait3A] : memref<16x64xi32, #tpu.memory_space<vmem>> -> memref<1x64xi32, #tpu.memory_space<vmem>>
      %dma_wait3A_784 = tpu.memref_squeeze %dma_wait3A_783 : memref<1x64xi32, #tpu.memory_space<vmem>> -> memref<64xi32, #tpu.memory_space<vmem>>
      %dma_wait3A_785 = arith.constant 0 : i32
      %dma_wait3A_786 = arith.constant 0 : i32
      %dma_wait3A_787 = tpu.memref_slice %arg2[%dma_wait3A_785, %dma_wait3A_786] : memref<16384x256xf32, #tpu.memory_space<hbm>> -> memref<16384x256xf32, #tpu.memory_space<hbm>>
      tpu.wait_indirect_dma semaphore(%arg20 : memref<!tpu.dma_semaphore, #tpu.memory_space<semaphore_mem>>) src(%dma_wait3A_787 : memref<16384x256xf32, #tpu.memory_space<hbm>>) dst(%arg7 : memref<64x256xf32, #tpu.memory_space<vmem>>)
      %mul3A_788 = arith.constant 64 : i32
      %mul3A_789 = arith.muli %add3A_782, %mul3A_788 : i32
      %add3A_790 = arith.addi %multiple_of3A, %mul3A_789 : i32
      %multiple_of3A_791 = tpu.assume_multiple %add3A_790, 8 : i32
      %dma_start3A = arith.constant 0 : i32
      %dma_start3A_792 = tpu.memref_slice %arg6[%multiple_of3A_791, %dma_start3A] : memref<32768x256xf32, #tpu.memory_space<hbm>> -> memref<64x256xf32, #tpu.memory_space<hbm>>
      %dma_start3A_793 = arith.constant 0 : i32
      %dma_start3A_794 = tpu.memref_slice %arg6[%multiple_of3A_791, %dma_start3A_793] : memref<32768x256xf32, #tpu.memory_space<hbm>> -> memref<64x256xf32, #tpu.memory_space<hbm>>
      tpu.enqueue_dma source(%arg7 : memref<64x256xf32, #tpu.memory_space<vmem>>) target(%dma_start3A_794 : memref<64x256xf32, #tpu.memory_space<hbm>>) target_semaphore(%arg24 : memref<!tpu.dma_semaphore, #tpu.memory_space<semaphore_mem>>)
      %add3A_795 = arith.constant 4 : i32
      %add3A_796 = arith.addi %add3A_782, %add3A_795 : i32
      %lt3A_797 = arith.cmpi slt, %add3A_796, %select_n3A_56 : i32
      %convert_element_type3A_798 = arith.extui %lt3A_797 : i1 to i32
      %cond3A_799 = arith.constant 0 : i32
      %cond3A_800 = arith.cmpi ne, %convert_element_type3A_798, %cond3A_799 : i32
      scf.if %cond3A_800 {
        %mul3A_873 = arith.constant 64 : i32
        %mul3A_874 = arith.muli %add3A_782, %mul3A_873 : i32
        %add3A_875 = arith.addi %multiple_of3A, %mul3A_874 : i32
        %multiple_of3A_876 = tpu.assume_multiple %add3A_875, 8 : i32
        %dma_wait3A_877 = arith.constant 0 : i32
        %dma_wait3A_878 = tpu.memref_slice %arg6[%multiple_of3A_876, %dma_wait3A_877] : memref<32768x256xf32, #tpu.memory_space<hbm>> -> memref<64x256xf32, #tpu.memory_space<hbm>>
        %dma_wait3A_879 = arith.constant 0 : i32
        %dma_wait3A_880 = tpu.memref_slice %arg6[%multiple_of3A_876, %dma_wait3A_879] : memref<32768x256xf32, #tpu.memory_space<hbm>> -> memref<64x256xf32, #tpu.memory_space<hbm>>
        tpu.wait_dma2 semaphore(%arg24 : memref<!tpu.dma_semaphore, #tpu.memory_space<semaphore_mem>>) src(%arg7 : memref<64x256xf32, #tpu.memory_space<vmem>>) dst(%dma_wait3A_880 : memref<64x256xf32, #tpu.memory_space<hbm>>)
        %add3A_881 = arith.constant 4 : i32
        %add3A_882 = arith.addi %add3A_782, %add3A_881 : i32
        %dma_start3A_883 = arith.constant 0 : i32
        %dma_start3A_884 = tpu.memref_slice %arg13[%add3A_882, %dma_start3A_883] : memref<16x64xi32, #tpu.memory_space<vmem>> -> memref<1x64xi32, #tpu.memory_space<vmem>>
        %dma_start3A_885 = tpu.memref_squeeze %dma_start3A_884 : memref<1x64xi32, #tpu.memory_space<vmem>> -> memref<64xi32, #tpu.memory_space<vmem>>
        %dma_start3A_886 = arith.constant 0 : i32
        %dma_start3A_887 = arith.constant 0 : i32
        %dma_start3A_888 = tpu.memref_slice %arg2[%dma_start3A_886, %dma_start3A_887] : memref<16384x256xf32, #tpu.memory_space<hbm>> -> memref<16384x256xf32, #tpu.memory_space<hbm>>
        tpu.enqueue_indirect_dma source(%dma_start3A_888 : memref<16384x256xf32, #tpu.memory_space<hbm>>) target(%arg7 : memref<64x256xf32, #tpu.memory_space<vmem>>) offsets(%dma_start3A_885 : memref<64xi32, #tpu.memory_space<vmem>>) semaphore(%arg20 : memref<!tpu.dma_semaphore, #tpu.memory_space<semaphore_mem>>)
      } else {
      }
      %mul3A_801 = arith.constant 4 : i32
      %mul3A_802 = arith.muli %while3A_778, %mul3A_801 : i32
      %add3A_803 = arith.constant 1 : i32
      %add3A_804 = arith.addi %mul3A_802, %add3A_803 : i32
      %dma_wait3A_805 = arith.constant 0 : i32
      %dma_wait3A_806 = tpu.memref_slice %arg13[%add3A_804, %dma_wait3A_805] : memref<16x64xi32, #tpu.memory_space<vmem>> -> memref<1x64xi32, #tpu.memory_space<vmem>>
      %dma_wait3A_807 = tpu.memref_squeeze %dma_wait3A_806 : memref<1x64xi32, #tpu.memory_space<vmem>> -> memref<64xi32, #tpu.memory_space<vmem>>
      %dma_wait3A_808 = arith.constant 0 : i32
      %dma_wait3A_809 = arith.constant 0 : i32
      %dma_wait3A_810 = tpu.memref_slice %arg2[%dma_wait3A_808, %dma_wait3A_809] : memref<16384x256xf32, #tpu.memory_space<hbm>> -> memref<16384x256xf32, #tpu.memory_space<hbm>>
      tpu.wait_indirect_dma semaphore(%arg21 : memref<!tpu.dma_semaphore, #tpu.memory_space<semaphore_mem>>) src(%dma_wait3A_810 : memref<16384x256xf32, #tpu.memory_space<hbm>>) dst(%arg8 : memref<64x256xf32, #tpu.memory_space<vmem>>)
      %mul3A_811 = arith.constant 64 : i32
      %mul3A_812 = arith.muli %add3A_804, %mul3A_811 : i32
      %add3A_813 = arith.addi %multiple_of3A, %mul3A_812 : i32
      %multiple_of3A_814 = tpu.assume_multiple %add3A_813, 8 : i32
      %dma_start3A_815 = arith.constant 0 : i32
      %dma_start3A_816 = tpu.memref_slice %arg6[%multiple_of3A_814, %dma_start3A_815] : memref<32768x256xf32, #tpu.memory_space<hbm>> -> memref<64x256xf32, #tpu.memory_space<hbm>>
      %dma_start3A_817 = arith.constant 0 : i32
      %dma_start3A_818 = tpu.memref_slice %arg6[%multiple_of3A_814, %dma_start3A_817] : memref<32768x256xf32, #tpu.memory_space<hbm>> -> memref<64x256xf32, #tpu.memory_space<hbm>>
      tpu.enqueue_dma source(%arg8 : memref<64x256xf32, #tpu.memory_space<vmem>>) target(%dma_start3A_818 : memref<64x256xf32, #tpu.memory_space<hbm>>) target_semaphore(%arg25 : memref<!tpu.dma_semaphore, #tpu.memory_space<semaphore_mem>>)
      %add3A_819 = arith.constant 4 : i32
      %add3A_820 = arith.addi %add3A_804, %add3A_819 : i32
      %lt3A_821 = arith.cmpi slt, %add3A_820, %select_n3A_56 : i32
      %convert_element_type3A_822 = arith.extui %lt3A_821 : i1 to i32
      %cond3A_823 = arith.constant 0 : i32
      %cond3A_824 = arith.cmpi ne, %convert_element_type3A_822, %cond3A_823 : i32
      scf.if %cond3A_824 {
        %mul3A_873 = arith.constant 64 : i32
        %mul3A_874 = arith.muli %add3A_804, %mul3A_873 : i32
        %add3A_875 = arith.addi %multiple_of3A, %mul3A_874 : i32
        %multiple_of3A_876 = tpu.assume_multiple %add3A_875, 8 : i32
        %dma_wait3A_877 = arith.constant 0 : i32
        %dma_wait3A_878 = tpu.memref_slice %arg6[%multiple_of3A_876, %dma_wait3A_877] : memref<32768x256xf32, #tpu.memory_space<hbm>> -> memref<64x256xf32, #tpu.memory_space<hbm>>
        %dma_wait3A_879 = arith.constant 0 : i32
        %dma_wait3A_880 = tpu.memref_slice %arg6[%multiple_of3A_876, %dma_wait3A_879] : memref<32768x256xf32, #tpu.memory_space<hbm>> -> memref<64x256xf32, #tpu.memory_space<hbm>>
        tpu.wait_dma2 semaphore(%arg25 : memref<!tpu.dma_semaphore, #tpu.memory_space<semaphore_mem>>) src(%arg8 : memref<64x256xf32, #tpu.memory_space<vmem>>) dst(%dma_wait3A_880 : memref<64x256xf32, #tpu.memory_space<hbm>>)
        %add3A_881 = arith.constant 4 : i32
        %add3A_882 = arith.addi %add3A_804, %add3A_881 : i32
        %dma_start3A_883 = arith.constant 0 : i32
        %dma_start3A_884 = tpu.memref_slice %arg13[%add3A_882, %dma_start3A_883] : memref<16x64xi32, #tpu.memory_space<vmem>> -> memref<1x64xi32, #tpu.memory_space<vmem>>
        %dma_start3A_885 = tpu.memref_squeeze %dma_start3A_884 : memref<1x64xi32, #tpu.memory_space<vmem>> -> memref<64xi32, #tpu.memory_space<vmem>>
        %dma_start3A_886 = arith.constant 0 : i32
        %dma_start3A_887 = arith.constant 0 : i32
        %dma_start3A_888 = tpu.memref_slice %arg2[%dma_start3A_886, %dma_start3A_887] : memref<16384x256xf32, #tpu.memory_space<hbm>> -> memref<16384x256xf32, #tpu.memory_space<hbm>>
        tpu.enqueue_indirect_dma source(%dma_start3A_888 : memref<16384x256xf32, #tpu.memory_space<hbm>>) target(%arg8 : memref<64x256xf32, #tpu.memory_space<vmem>>) offsets(%dma_start3A_885 : memref<64xi32, #tpu.memory_space<vmem>>) semaphore(%arg21 : memref<!tpu.dma_semaphore, #tpu.memory_space<semaphore_mem>>)
      } else {
      }
      %mul3A_825 = arith.constant 4 : i32
      %mul3A_826 = arith.muli %while3A_778, %mul3A_825 : i32
      %add3A_827 = arith.constant 2 : i32
      %add3A_828 = arith.addi %mul3A_826, %add3A_827 : i32
      %dma_wait3A_829 = arith.constant 0 : i32
      %dma_wait3A_830 = tpu.memref_slice %arg13[%add3A_828, %dma_wait3A_829] : memref<16x64xi32, #tpu.memory_space<vmem>> -> memref<1x64xi32, #tpu.memory_space<vmem>>
      %dma_wait3A_831 = tpu.memref_squeeze %dma_wait3A_830 : memref<1x64xi32, #tpu.memory_space<vmem>> -> memref<64xi32, #tpu.memory_space<vmem>>
      %dma_wait3A_832 = arith.constant 0 : i32
      %dma_wait3A_833 = arith.constant 0 : i32
      %dma_wait3A_834 = tpu.memref_slice %arg2[%dma_wait3A_832, %dma_wait3A_833] : memref<16384x256xf32, #tpu.memory_space<hbm>> -> memref<16384x256xf32, #tpu.memory_space<hbm>>
      tpu.wait_indirect_dma semaphore(%arg22 : memref<!tpu.dma_semaphore, #tpu.memory_space<semaphore_mem>>) src(%dma_wait3A_834 : memref<16384x256xf32, #tpu.memory_space<hbm>>) dst(%arg9 : memref<64x256xf32, #tpu.memory_space<vmem>>)
      %mul3A_835 = arith.constant 64 : i32
      %mul3A_836 = arith.muli %add3A_828, %mul3A_835 : i32
      %add3A_837 = arith.addi %multiple_of3A, %mul3A_836 : i32
      %multiple_of3A_838 = tpu.assume_multiple %add3A_837, 8 : i32
      %dma_start3A_839 = arith.constant 0 : i32
      %dma_start3A_840 = tpu.memref_slice %arg6[%multiple_of3A_838, %dma_start3A_839] : memref<32768x256xf32, #tpu.memory_space<hbm>> -> memref<64x256xf32, #tpu.memory_space<hbm>>
      %dma_start3A_841 = arith.constant 0 : i32
      %dma_start3A_842 = tpu.memref_slice %arg6[%multiple_of3A_838, %dma_start3A_841] : memref<32768x256xf32, #tpu.memory_space<hbm>> -> memref<64x256xf32, #tpu.memory_space<hbm>>
      tpu.enqueue_dma source(%arg9 : memref<64x256xf32, #tpu.memory_space<vmem>>) target(%dma_start3A_842 : memref<64x256xf32, #tpu.memory_space<hbm>>) target_semaphore(%arg26 : memref<!tpu.dma_semaphore, #tpu.memory_space<semaphore_mem>>)
      %add3A_843 = arith.constant 4 : i32
      %add3A_844 = arith.addi %add3A_828, %add3A_843 : i32
      %lt3A_845 = arith.cmpi slt, %add3A_844, %select_n3A_56 : i32
      %convert_element_type3A_846 = arith.extui %lt3A_845 : i1 to i32
      %cond3A_847 = arith.constant 0 : i32
      %cond3A_848 = arith.cmpi ne, %convert_element_type3A_846, %cond3A_847 : i32
      scf.if %cond3A_848 {
        %mul3A_873 = arith.constant 64 : i32
        %mul3A_874 = arith.muli %add3A_828, %mul3A_873 : i32
        %add3A_875 = arith.addi %multiple_of3A, %mul3A_874 : i32
        %multiple_of3A_876 = tpu.assume_multiple %add3A_875, 8 : i32
        %dma_wait3A_877 = arith.constant 0 : i32
        %dma_wait3A_878 = tpu.memref_slice %arg6[%multiple_of3A_876, %dma_wait3A_877] : memref<32768x256xf32, #tpu.memory_space<hbm>> -> memref<64x256xf32, #tpu.memory_space<hbm>>
        %dma_wait3A_879 = arith.constant 0 : i32
        %dma_wait3A_880 = tpu.memref_slice %arg6[%multiple_of3A_876, %dma_wait3A_879] : memref<32768x256xf32, #tpu.memory_space<hbm>> -> memref<64x256xf32, #tpu.memory_space<hbm>>
        tpu.wait_dma2 semaphore(%arg26 : memref<!tpu.dma_semaphore, #tpu.memory_space<semaphore_mem>>) src(%arg9 : memref<64x256xf32, #tpu.memory_space<vmem>>) dst(%dma_wait3A_880 : memref<64x256xf32, #tpu.memory_space<hbm>>)
        %add3A_881 = arith.constant 4 : i32
        %add3A_882 = arith.addi %add3A_828, %add3A_881 : i32
        %dma_start3A_883 = arith.constant 0 : i32
        %dma_start3A_884 = tpu.memref_slice %arg13[%add3A_882, %dma_start3A_883] : memref<16x64xi32, #tpu.memory_space<vmem>> -> memref<1x64xi32, #tpu.memory_space<vmem>>
        %dma_start3A_885 = tpu.memref_squeeze %dma_start3A_884 : memref<1x64xi32, #tpu.memory_space<vmem>> -> memref<64xi32, #tpu.memory_space<vmem>>
        %dma_start3A_886 = arith.constant 0 : i32
        %dma_start3A_887 = arith.constant 0 : i32
        %dma_start3A_888 = tpu.memref_slice %arg2[%dma_start3A_886, %dma_start3A_887] : memref<16384x256xf32, #tpu.memory_space<hbm>> -> memref<16384x256xf32, #tpu.memory_space<hbm>>
        tpu.enqueue_indirect_dma source(%dma_start3A_888 : memref<16384x256xf32, #tpu.memory_space<hbm>>) target(%arg9 : memref<64x256xf32, #tpu.memory_space<vmem>>) offsets(%dma_start3A_885 : memref<64xi32, #tpu.memory_space<vmem>>) semaphore(%arg22 : memref<!tpu.dma_semaphore, #tpu.memory_space<semaphore_mem>>)
      } else {
      }
      %mul3A_849 = arith.constant 4 : i32
      %mul3A_850 = arith.muli %while3A_778, %mul3A_849 : i32
      %add3A_851 = arith.constant 3 : i32
      %add3A_852 = arith.addi %mul3A_850, %add3A_851 : i32
      %dma_wait3A_853 = arith.constant 0 : i32
      %dma_wait3A_854 = tpu.memref_slice %arg13[%add3A_852, %dma_wait3A_853] : memref<16x64xi32, #tpu.memory_space<vmem>> -> memref<1x64xi32, #tpu.memory_space<vmem>>
      %dma_wait3A_855 = tpu.memref_squeeze %dma_wait3A_854 : memref<1x64xi32, #tpu.memory_space<vmem>> -> memref<64xi32, #tpu.memory_space<vmem>>
      %dma_wait3A_856 = arith.constant 0 : i32
      %dma_wait3A_857 = arith.constant 0 : i32
      %dma_wait3A_858 = tpu.memref_slice %arg2[%dma_wait3A_856, %dma_wait3A_857] : memref<16384x256xf32, #tpu.memory_space<hbm>> -> memref<16384x256xf32, #tpu.memory_space<hbm>>
      tpu.wait_indirect_dma semaphore(%arg23 : memref<!tpu.dma_semaphore, #tpu.memory_space<semaphore_mem>>) src(%dma_wait3A_858 : memref<16384x256xf32, #tpu.memory_space<hbm>>) dst(%arg10 : memref<64x256xf32, #tpu.memory_space<vmem>>)
      %mul3A_859 = arith.constant 64 : i32
      %mul3A_860 = arith.muli %add3A_852, %mul3A_859 : i32
      %add3A_861 = arith.addi %multiple_of3A, %mul3A_860 : i32
      %multiple_of3A_862 = tpu.assume_multiple %add3A_861, 8 : i32
      %dma_start3A_863 = arith.constant 0 : i32
      %dma_start3A_864 = tpu.memref_slice %arg6[%multiple_of3A_862, %dma_start3A_863] : memref<32768x256xf32, #tpu.memory_space<hbm>> -> memref<64x256xf32, #tpu.memory_space<hbm>>
      %dma_start3A_865 = arith.constant 0 : i32
      %dma_start3A_866 = tpu.memref_slice %arg6[%multiple_of3A_862, %dma_start3A_865] : memref<32768x256xf32, #tpu.memory_space<hbm>> -> memref<64x256xf32, #tpu.memory_space<hbm>>
      tpu.enqueue_dma source(%arg10 : memref<64x256xf32, #tpu.memory_space<vmem>>) target(%dma_start3A_866 : memref<64x256xf32, #tpu.memory_space<hbm>>) target_semaphore(%arg27 : memref<!tpu.dma_semaphore, #tpu.memory_space<semaphore_mem>>)
      %add3A_867 = arith.constant 4 : i32
      %add3A_868 = arith.addi %add3A_852, %add3A_867 : i32
      %lt3A_869 = arith.cmpi slt, %add3A_868, %select_n3A_56 : i32
      %convert_element_type3A_870 = arith.extui %lt3A_869 : i1 to i32
      %cond3A_871 = arith.constant 0 : i32
      %cond3A_872 = arith.cmpi ne, %convert_element_type3A_870, %cond3A_871 : i32
      scf.if %cond3A_872 {
        %mul3A_873 = arith.constant 64 : i32
        %mul3A_874 = arith.muli %add3A_852, %mul3A_873 : i32
        %add3A_875 = arith.addi %multiple_of3A, %mul3A_874 : i32
        %multiple_of3A_876 = tpu.assume_multiple %add3A_875, 8 : i32
        %dma_wait3A_877 = arith.constant 0 : i32
        %dma_wait3A_878 = tpu.memref_slice %arg6[%multiple_of3A_876, %dma_wait3A_877] : memref<32768x256xf32, #tpu.memory_space<hbm>> -> memref<64x256xf32, #tpu.memory_space<hbm>>
        %dma_wait3A_879 = arith.constant 0 : i32
        %dma_wait3A_880 = tpu.memref_slice %arg6[%multiple_of3A_876, %dma_wait3A_879] : memref<32768x256xf32, #tpu.memory_space<hbm>> -> memref<64x256xf32, #tpu.memory_space<hbm>>
        tpu.wait_dma2 semaphore(%arg27 : memref<!tpu.dma_semaphore, #tpu.memory_space<semaphore_mem>>) src(%arg10 : memref<64x256xf32, #tpu.memory_space<vmem>>) dst(%dma_wait3A_880 : memref<64x256xf32, #tpu.memory_space<hbm>>)
        %add3A_881 = arith.constant 4 : i32
        %add3A_882 = arith.addi %add3A_852, %add3A_881 : i32
        %dma_start3A_883 = arith.constant 0 : i32
        %dma_start3A_884 = tpu.memref_slice %arg13[%add3A_882, %dma_start3A_883] : memref<16x64xi32, #tpu.memory_space<vmem>> -> memref<1x64xi32, #tpu.memory_space<vmem>>
        %dma_start3A_885 = tpu.memref_squeeze %dma_start3A_884 : memref<1x64xi32, #tpu.memory_space<vmem>> -> memref<64xi32, #tpu.memory_space<vmem>>
        %dma_start3A_886 = arith.constant 0 : i32
        %dma_start3A_887 = arith.constant 0 : i32
        %dma_start3A_888 = tpu.memref_slice %arg2[%dma_start3A_886, %dma_start3A_887] : memref<16384x256xf32, #tpu.memory_space<hbm>> -> memref<16384x256xf32, #tpu.memory_space<hbm>>
        tpu.enqueue_indirect_dma source(%dma_start3A_888 : memref<16384x256xf32, #tpu.memory_space<hbm>>) target(%arg10 : memref<64x256xf32, #tpu.memory_space<vmem>>) offsets(%dma_start3A_885 : memref<64xi32, #tpu.memory_space<vmem>>) semaphore(%arg23 : memref<!tpu.dma_semaphore, #tpu.memory_space<semaphore_mem>>)
      } else {
      }
    }
    %mul3A_429 = arith.constant 4 : i32
    %mul3A_430 = arith.muli %select_n3A_172, %mul3A_429 : i32
    %add3A_431 = arith.constant 0 : i32
    %add3A_432 = arith.addi %mul3A_430, %add3A_431 : i32
    %lt3A_433 = arith.cmpi slt, %add3A_432, %select_n3A_56 : i32
    %convert_element_type3A_434 = arith.extui %lt3A_433 : i1 to i32
    %cond3A_435 = arith.constant 0 : i32
    %cond3A_436 = arith.cmpi ne, %convert_element_type3A_434, %cond3A_435 : i32
    scf.if %cond3A_436 {
      %mul3A_778 = arith.constant 4 : i32
      %mul3A_779 = arith.muli %select_n3A_172, %mul3A_778 : i32
      %add3A_780 = arith.constant 0 : i32
      %add3A_781 = arith.addi %mul3A_779, %add3A_780 : i32
      %dma_wait3A = arith.constant 0 : i32
      %dma_wait3A_782 = tpu.memref_slice %arg13[%add3A_781, %dma_wait3A] : memref<16x64xi32, #tpu.memory_space<vmem>> -> memref<1x64xi32, #tpu.memory_space<vmem>>
      %dma_wait3A_783 = tpu.memref_squeeze %dma_wait3A_782 : memref<1x64xi32, #tpu.memory_space<vmem>> -> memref<64xi32, #tpu.memory_space<vmem>>
      %dma_wait3A_784 = arith.constant 0 : i32
      %dma_wait3A_785 = arith.constant 0 : i32
      %dma_wait3A_786 = tpu.memref_slice %arg2[%dma_wait3A_784, %dma_wait3A_785] : memref<16384x256xf32, #tpu.memory_space<hbm>> -> memref<16384x256xf32, #tpu.memory_space<hbm>>
      tpu.wait_indirect_dma semaphore(%arg20 : memref<!tpu.dma_semaphore, #tpu.memory_space<semaphore_mem>>) src(%dma_wait3A_786 : memref<16384x256xf32, #tpu.memory_space<hbm>>) dst(%arg7 : memref<64x256xf32, #tpu.memory_space<vmem>>)
      %mul3A_787 = arith.constant 64 : i32
      %mul3A_788 = arith.muli %add3A_781, %mul3A_787 : i32
      %add3A_789 = arith.addi %multiple_of3A, %mul3A_788 : i32
      %multiple_of3A_790 = tpu.assume_multiple %add3A_789, 8 : i32
      %dma_start3A = arith.constant 0 : i32
      %dma_start3A_791 = tpu.memref_slice %arg6[%multiple_of3A_790, %dma_start3A] : memref<32768x256xf32, #tpu.memory_space<hbm>> -> memref<64x256xf32, #tpu.memory_space<hbm>>
      %dma_start3A_792 = arith.constant 0 : i32
      %dma_start3A_793 = tpu.memref_slice %arg6[%multiple_of3A_790, %dma_start3A_792] : memref<32768x256xf32, #tpu.memory_space<hbm>> -> memref<64x256xf32, #tpu.memory_space<hbm>>
      tpu.enqueue_dma source(%arg7 : memref<64x256xf32, #tpu.memory_space<vmem>>) target(%dma_start3A_793 : memref<64x256xf32, #tpu.memory_space<hbm>>) target_semaphore(%arg24 : memref<!tpu.dma_semaphore, #tpu.memory_space<semaphore_mem>>)
    } else {
    }
    %mul3A_437 = arith.constant 4 : i32
    %mul3A_438 = arith.muli %select_n3A_172, %mul3A_437 : i32
    %add3A_439 = arith.constant 1 : i32
    %add3A_440 = arith.addi %mul3A_438, %add3A_439 : i32
    %lt3A_441 = arith.cmpi slt, %add3A_440, %select_n3A_56 : i32
    %convert_element_type3A_442 = arith.extui %lt3A_441 : i1 to i32
    %cond3A_443 = arith.constant 0 : i32
    %cond3A_444 = arith.cmpi ne, %convert_element_type3A_442, %cond3A_443 : i32
    scf.if %cond3A_444 {
      %mul3A_778 = arith.constant 4 : i32
      %mul3A_779 = arith.muli %select_n3A_172, %mul3A_778 : i32
      %add3A_780 = arith.constant 1 : i32
      %add3A_781 = arith.addi %mul3A_779, %add3A_780 : i32
      %dma_wait3A = arith.constant 0 : i32
      %dma_wait3A_782 = tpu.memref_slice %arg13[%add3A_781, %dma_wait3A] : memref<16x64xi32, #tpu.memory_space<vmem>> -> memref<1x64xi32, #tpu.memory_space<vmem>>
      %dma_wait3A_783 = tpu.memref_squeeze %dma_wait3A_782 : memref<1x64xi32, #tpu.memory_space<vmem>> -> memref<64xi32, #tpu.memory_space<vmem>>
      %dma_wait3A_784 = arith.constant 0 : i32
      %dma_wait3A_785 = arith.constant 0 : i32
      %dma_wait3A_786 = tpu.memref_slice %arg2[%dma_wait3A_784, %dma_wait3A_785] : memref<16384x256xf32, #tpu.memory_space<hbm>> -> memref<16384x256xf32, #tpu.memory_space<hbm>>
      tpu.wait_indirect_dma semaphore(%arg21 : memref<!tpu.dma_semaphore, #tpu.memory_space<semaphore_mem>>) src(%dma_wait3A_786 : memref<16384x256xf32, #tpu.memory_space<hbm>>) dst(%arg8 : memref<64x256xf32, #tpu.memory_space<vmem>>)
      %mul3A_787 = arith.constant 64 : i32
      %mul3A_788 = arith.muli %add3A_781, %mul3A_787 : i32
      %add3A_789 = arith.addi %multiple_of3A, %mul3A_788 : i32
      %multiple_of3A_790 = tpu.assume_multiple %add3A_789, 8 : i32
      %dma_start3A = arith.constant 0 : i32
      %dma_start3A_791 = tpu.memref_slice %arg6[%multiple_of3A_790, %dma_start3A] : memref<32768x256xf32, #tpu.memory_space<hbm>> -> memref<64x256xf32, #tpu.memory_space<hbm>>
      %dma_start3A_792 = arith.constant 0 : i32
      %dma_start3A_793 = tpu.memref_slice %arg6[%multiple_of3A_790, %dma_start3A_792] : memref<32768x256xf32, #tpu.memory_space<hbm>> -> memref<64x256xf32, #tpu.memory_space<hbm>>
      tpu.enqueue_dma source(%arg8 : memref<64x256xf32, #tpu.memory_space<vmem>>) target(%dma_start3A_793 : memref<64x256xf32, #tpu.memory_space<hbm>>) target_semaphore(%arg25 : memref<!tpu.dma_semaphore, #tpu.memory_space<semaphore_mem>>)
    } else {
    }
    %mul3A_445 = arith.constant 4 : i32
    %mul3A_446 = arith.muli %select_n3A_172, %mul3A_445 : i32
    %add3A_447 = arith.constant 2 : i32
    %add3A_448 = arith.addi %mul3A_446, %add3A_447 : i32
    %lt3A_449 = arith.cmpi slt, %add3A_448, %select_n3A_56 : i32
    %convert_element_type3A_450 = arith.extui %lt3A_449 : i1 to i32
    %cond3A_451 = arith.constant 0 : i32
    %cond3A_452 = arith.cmpi ne, %convert_element_type3A_450, %cond3A_451 : i32
    scf.if %cond3A_452 {
      %mul3A_778 = arith.constant 4 : i32
      %mul3A_779 = arith.muli %select_n3A_172, %mul3A_778 : i32
      %add3A_780 = arith.constant 2 : i32
      %add3A_781 = arith.addi %mul3A_779, %add3A_780 : i32
      %dma_wait3A = arith.constant 0 : i32
      %dma_wait3A_782 = tpu.memref_slice %arg13[%add3A_781, %dma_wait3A] : memref<16x64xi32, #tpu.memory_space<vmem>> -> memref<1x64xi32, #tpu.memory_space<vmem>>
      %dma_wait3A_783 = tpu.memref_squeeze %dma_wait3A_782 : memref<1x64xi32, #tpu.memory_space<vmem>> -> memref<64xi32, #tpu.memory_space<vmem>>
      %dma_wait3A_784 = arith.constant 0 : i32
      %dma_wait3A_785 = arith.constant 0 : i32
      %dma_wait3A_786 = tpu.memref_slice %arg2[%dma_wait3A_784, %dma_wait3A_785] : memref<16384x256xf32, #tpu.memory_space<hbm>> -> memref<16384x256xf32, #tpu.memory_space<hbm>>
      tpu.wait_indirect_dma semaphore(%arg22 : memref<!tpu.dma_semaphore, #tpu.memory_space<semaphore_mem>>) src(%dma_wait3A_786 : memref<16384x256xf32, #tpu.memory_space<hbm>>) dst(%arg9 : memref<64x256xf32, #tpu.memory_space<vmem>>)
      %mul3A_787 = arith.constant 64 : i32
      %mul3A_788 = arith.muli %add3A_781, %mul3A_787 : i32
      %add3A_789 = arith.addi %multiple_of3A, %mul3A_788 : i32
      %multiple_of3A_790 = tpu.assume_multiple %add3A_789, 8 : i32
      %dma_start3A = arith.constant 0 : i32
      %dma_start3A_791 = tpu.memref_slice %arg6[%multiple_of3A_790, %dma_start3A] : memref<32768x256xf32, #tpu.memory_space<hbm>> -> memref<64x256xf32, #tpu.memory_space<hbm>>
      %dma_start3A_792 = arith.constant 0 : i32
      %dma_start3A_793 = tpu.memref_slice %arg6[%multiple_of3A_790, %dma_start3A_792] : memref<32768x256xf32, #tpu.memory_space<hbm>> -> memref<64x256xf32, #tpu.memory_space<hbm>>
      tpu.enqueue_dma source(%arg9 : memref<64x256xf32, #tpu.memory_space<vmem>>) target(%dma_start3A_793 : memref<64x256xf32, #tpu.memory_space<hbm>>) target_semaphore(%arg26 : memref<!tpu.dma_semaphore, #tpu.memory_space<semaphore_mem>>)
    } else {
    }
    %broadcast_in_dim3A_453 = arith.constant 0.000000e+00 : f32
    %broadcast_in_dim3A_454 = vector.broadcast %broadcast_in_dim3A_453 : f32 to vector<16xf32>
    %gt3A_455 = arith.constant 0 : i32
    %gt3A_456 = arith.cmpi sgt, %select_n3A_72, %gt3A_455 : i32
    %convert_element_type3A_457 = arith.extui %gt3A_456 : i1 to i32
    %cond3A_458 = arith.constant 0 : i32
    %cond3A_459 = arith.cmpi ne, %convert_element_type3A_457, %cond3A_458 : i32
    scf.if %cond3A_459 {
      %dma_wait3A = arith.constant 0 : i32
      %dma_wait3A_778 = arith.constant 0 : i32
      %dma_wait3A_779 = tpu.memref_slice %arg2[%dma_wait3A, %dma_wait3A_778] : memref<16384x256xf32, #tpu.memory_space<hbm>> -> memref<16384x256xf32, #tpu.memory_space<hbm>>
      tpu.wait_indirect_dma semaphore(%arg29 : memref<!tpu.dma_semaphore, #tpu.memory_space<semaphore_mem>>) src(%dma_wait3A_779 : memref<16384x256xf32, #tpu.memory_space<hbm>>) dst(%arg11 : memref<64x256xf32, #tpu.memory_space<vmem>>)
      %while3A_780 = arith.constant 0 : i32
      %while3A_781 = arith.subi %mul3A_100, %select_n3A_72 : i32
      %while3A_782 = arith.addi %select_n3A_72, %while3A_781 : i32
      %while3A_783 = arith.constant 1 : i32
      %while3A_784 = arith.divsi %while3A_781, %while3A_783 : i32
      %while3A_785 = arith.muli %while3A_784, %while3A_783 : i32
      %while3A_786 = arith.addi %select_n3A_72, %while3A_785 : i32
      %while3A_787 = arith.constant 1 : i32
      scf.for %while3A_789 = %select_n3A_72 to %while3A_786 step %while3A_787  : i32 {
        %swap3A_790 = arith.index_cast %while3A_789 : i32 to index
        %swap3A_791 = arith.constant 0 : index
        %swap3A_792 = tpu.vector_load %arg11[%swap3A_790, %swap3A_791] {strides = array<i32>} : memref<64x256xf32, #tpu.memory_space<vmem>>, vector<16xf32>,
        tpu.vector_store %arg11[%swap3A_790, %swap3A_791], %broadcast_in_dim3A_454 {strides = array<i32>} : memref<64x256xf32, #tpu.memory_space<vmem>>, vector<16xf32>,
        %swap3A_793 = arith.index_cast %while3A_789 : i32 to index
        %swap3A_794 = arith.constant 16 : index
        %swap3A_795 = tpu.vector_load %arg11[%swap3A_793, %swap3A_794] {strides = array<i32>} : memref<64x256xf32, #tpu.memory_space<vmem>>, vector<16xf32>,
        tpu.vector_store %arg11[%swap3A_793, %swap3A_794], %broadcast_in_dim3A_454 {strides = array<i32>} : memref<64x256xf32, #tpu.memory_space<vmem>>, vector<16xf32>,
        %swap3A_796 = arith.index_cast %while3A_789 : i32 to index
        %swap3A_797 = arith.constant 32 : index
        %swap3A_798 = tpu.vector_load %arg11[%swap3A_796, %swap3A_797] {strides = array<i32>} : memref<64x256xf32, #tpu.memory_space<vmem>>, vector<16xf32>,
        tpu.vector_store %arg11[%swap3A_796, %swap3A_797], %broadcast_in_dim3A_454 {strides = array<i32>} : memref<64x256xf32, #tpu.memory_space<vmem>>, vector<16xf32>,
        %swap3A_799 = arith.index_cast %while3A_789 : i32 to index
        %swap3A_800 = arith.constant 48 : index
        %swap3A_801 = tpu.vector_load %arg11[%swap3A_799, %swap3A_800] {strides = array<i32>} : memref<64x256xf32, #tpu.memory_space<vmem>>, vector<16xf32>,
        tpu.vector_store %arg11[%swap3A_799, %swap3A_800], %broadcast_in_dim3A_454 {strides = array<i32>} : memref<64x256xf32, #tpu.memory_space<vmem>>, vector<16xf32>,
        %swap3A_802 = arith.index_cast %while3A_789 : i32 to index
        %swap3A_803 = arith.constant 64 : index
        %swap3A_804 = tpu.vector_load %arg11[%swap3A_802, %swap3A_803] {strides = array<i32>} : memref<64x256xf32, #tpu.memory_space<vmem>>, vector<16xf32>,
        tpu.vector_store %arg11[%swap3A_802, %swap3A_803], %broadcast_in_dim3A_454 {strides = array<i32>} : memref<64x256xf32, #tpu.memory_space<vmem>>, vector<16xf32>,
        %swap3A_805 = arith.index_cast %while3A_789 : i32 to index
        %swap3A_806 = arith.constant 80 : index
        %swap3A_807 = tpu.vector_load %arg11[%swap3A_805, %swap3A_806] {strides = array<i32>} : memref<64x256xf32, #tpu.memory_space<vmem>>, vector<16xf32>,
        tpu.vector_store %arg11[%swap3A_805, %swap3A_806], %broadcast_in_dim3A_454 {strides = array<i32>} : memref<64x256xf32, #tpu.memory_space<vmem>>, vector<16xf32>,
        %swap3A_808 = arith.index_cast %while3A_789 : i32 to index
        %swap3A_809 = arith.constant 96 : index
        %swap3A_810 = tpu.vector_load %arg11[%swap3A_808, %swap3A_809] {strides = array<i32>} : memref<64x256xf32, #tpu.memory_space<vmem>>, vector<16xf32>,
        tpu.vector_store %arg11[%swap3A_808, %swap3A_809], %broadcast_in_dim3A_454 {strides = array<i32>} : memref<64x256xf32, #tpu.memory_space<vmem>>, vector<16xf32>,
        %swap3A_811 = arith.index_cast %while3A_789 : i32 to index
        %swap3A_812 = arith.constant 112 : index
        %swap3A_813 = tpu.vector_load %arg11[%swap3A_811, %swap3A_812] {strides = array<i32>} : memref<64x256xf32, #tpu.memory_space<vmem>>, vector<16xf32>,
        tpu.vector_store %arg11[%swap3A_811, %swap3A_812], %broadcast_in_dim3A_454 {strides = array<i32>} : memref<64x256xf32, #tpu.memory_space<vmem>>, vector<16xf32>,
        %swap3A_814 = arith.index_cast %while3A_789 : i32 to index
        %swap3A_815 = arith.constant 128 : index
        %swap3A_816 = tpu.vector_load %arg11[%swap3A_814, %swap3A_815] {strides = array<i32>} : memref<64x256xf32, #tpu.memory_space<vmem>>, vector<16xf32>,
        tpu.vector_store %arg11[%swap3A_814, %swap3A_815], %broadcast_in_dim3A_454 {strides = array<i32>} : memref<64x256xf32, #tpu.memory_space<vmem>>, vector<16xf32>,
        %swap3A_817 = arith.index_cast %while3A_789 : i32 to index
        %swap3A_818 = arith.constant 144 : index
        %swap3A_819 = tpu.vector_load %arg11[%swap3A_817, %swap3A_818] {strides = array<i32>} : memref<64x256xf32, #tpu.memory_space<vmem>>, vector<16xf32>,
        tpu.vector_store %arg11[%swap3A_817, %swap3A_818], %broadcast_in_dim3A_454 {strides = array<i32>} : memref<64x256xf32, #tpu.memory_space<vmem>>, vector<16xf32>,
        %swap3A_820 = arith.index_cast %while3A_789 : i32 to index
        %swap3A_821 = arith.constant 160 : index
        %swap3A_822 = tpu.vector_load %arg11[%swap3A_820, %swap3A_821] {strides = array<i32>} : memref<64x256xf32, #tpu.memory_space<vmem>>, vector<16xf32>,
        tpu.vector_store %arg11[%swap3A_820, %swap3A_821], %broadcast_in_dim3A_454 {strides = array<i32>} : memref<64x256xf32, #tpu.memory_space<vmem>>, vector<16xf32>,
        %swap3A_823 = arith.index_cast %while3A_789 : i32 to index
        %swap3A_824 = arith.constant 176 : index
        %swap3A_825 = tpu.vector_load %arg11[%swap3A_823, %swap3A_824] {strides = array<i32>} : memref<64x256xf32, #tpu.memory_space<vmem>>, vector<16xf32>,
        tpu.vector_store %arg11[%swap3A_823, %swap3A_824], %broadcast_in_dim3A_454 {strides = array<i32>} : memref<64x256xf32, #tpu.memory_space<vmem>>, vector<16xf32>,
        %swap3A_826 = arith.index_cast %while3A_789 : i32 to index
        %swap3A_827 = arith.constant 192 : index
        %swap3A_828 = tpu.vector_load %arg11[%swap3A_826, %swap3A_827] {strides = array<i32>} : memref<64x256xf32, #tpu.memory_space<vmem>>, vector<16xf32>,
        tpu.vector_store %arg11[%swap3A_826, %swap3A_827], %broadcast_in_dim3A_454 {strides = array<i32>} : memref<64x256xf32, #tpu.memory_space<vmem>>, vector<16xf32>,
        %swap3A_829 = arith.index_cast %while3A_789 : i32 to index
        %swap3A_830 = arith.constant 208 : index
        %swap3A_831 = tpu.vector_load %arg11[%swap3A_829, %swap3A_830] {strides = array<i32>} : memref<64x256xf32, #tpu.memory_space<vmem>>, vector<16xf32>,
        tpu.vector_store %arg11[%swap3A_829, %swap3A_830], %broadcast_in_dim3A_454 {strides = array<i32>} : memref<64x256xf32, #tpu.memory_space<vmem>>, vector<16xf32>,
        %swap3A_832 = arith.index_cast %while3A_789 : i32 to index
        %swap3A_833 = arith.constant 224 : index
        %swap3A_834 = tpu.vector_load %arg11[%swap3A_832, %swap3A_833] {strides = array<i32>} : memref<64x256xf32, #tpu.memory_space<vmem>>, vector<16xf32>,
        tpu.vector_store %arg11[%swap3A_832, %swap3A_833], %broadcast_in_dim3A_454 {strides = array<i32>} : memref<64x256xf32, #tpu.memory_space<vmem>>, vector<16xf32>,
        %swap3A_835 = arith.index_cast %while3A_789 : i32 to index
        %swap3A_836 = arith.constant 240 : index
        %swap3A_837 = tpu.vector_load %arg11[%swap3A_835, %swap3A_836] {strides = array<i32>} : memref<64x256xf32, #tpu.memory_space<vmem>>, vector<16xf32>,
        tpu.vector_store %arg11[%swap3A_835, %swap3A_836], %broadcast_in_dim3A_454 {strides = array<i32>} : memref<64x256xf32, #tpu.memory_space<vmem>>, vector<16xf32>,
      }
      %while3A_788 = arith.constant 1 : i32
      scf.for %while3A_789 = %while3A_786 to %while3A_782 step %while3A_788  : i32 {
        %swap3A_790 = arith.index_cast %while3A_789 : i32 to index
        %swap3A_791 = arith.constant 0 : index
        %swap3A_792 = tpu.vector_load %arg11[%swap3A_790, %swap3A_791] {strides = array<i32>} : memref<64x256xf32, #tpu.memory_space<vmem>>, vector<16xf32>,
        tpu.vector_store %arg11[%swap3A_790, %swap3A_791], %broadcast_in_dim3A_454 {strides = array<i32>} : memref<64x256xf32, #tpu.memory_space<vmem>>, vector<16xf32>,
        %swap3A_793 = arith.index_cast %while3A_789 : i32 to index
        %swap3A_794 = arith.constant 16 : index
        %swap3A_795 = tpu.vector_load %arg11[%swap3A_793, %swap3A_794] {strides = array<i32>} : memref<64x256xf32, #tpu.memory_space<vmem>>, vector<16xf32>,
        tpu.vector_store %arg11[%swap3A_793, %swap3A_794], %broadcast_in_dim3A_454 {strides = array<i32>} : memref<64x256xf32, #tpu.memory_space<vmem>>, vector<16xf32>,
        %swap3A_796 = arith.index_cast %while3A_789 : i32 to index
        %swap3A_797 = arith.constant 32 : index
        %swap3A_798 = tpu.vector_load %arg11[%swap3A_796, %swap3A_797] {strides = array<i32>} : memref<64x256xf32, #tpu.memory_space<vmem>>, vector<16xf32>,
        tpu.vector_store %arg11[%swap3A_796, %swap3A_797], %broadcast_in_dim3A_454 {strides = array<i32>} : memref<64x256xf32, #tpu.memory_space<vmem>>, vector<16xf32>,
        %swap3A_799 = arith.index_cast %while3A_789 : i32 to index
        %swap3A_800 = arith.constant 48 : index
        %swap3A_801 = tpu.vector_load %arg11[%swap3A_799, %swap3A_800] {strides = array<i32>} : memref<64x256xf32, #tpu.memory_space<vmem>>, vector<16xf32>,
        tpu.vector_store %arg11[%swap3A_799, %swap3A_800], %broadcast_in_dim3A_454 {strides = array<i32>} : memref<64x256xf32, #tpu.memory_space<vmem>>, vector<16xf32>,
        %swap3A_802 = arith.index_cast %while3A_789 : i32 to index
        %swap3A_803 = arith.constant 64 : index
        %swap3A_804 = tpu.vector_load %arg11[%swap3A_802, %swap3A_803] {strides = array<i32>} : memref<64x256xf32, #tpu.memory_space<vmem>>, vector<16xf32>,
        tpu.vector_store %arg11[%swap3A_802, %swap3A_803], %broadcast_in_dim3A_454 {strides = array<i32>} : memref<64x256xf32, #tpu.memory_space<vmem>>, vector<16xf32>,
        %swap3A_805 = arith.index_cast %while3A_789 : i32 to index
        %swap3A_806 = arith.constant 80 : index
        %swap3A_807 = tpu.vector_load %arg11[%swap3A_805, %swap3A_806] {strides = array<i32>} : memref<64x256xf32, #tpu.memory_space<vmem>>, vector<16xf32>,
        tpu.vector_store %arg11[%swap3A_805, %swap3A_806], %broadcast_in_dim3A_454 {strides = array<i32>} : memref<64x256xf32, #tpu.memory_space<vmem>>, vector<16xf32>,
        %swap3A_808 = arith.index_cast %while3A_789 : i32 to index
        %swap3A_809 = arith.constant 96 : index
        %swap3A_810 = tpu.vector_load %arg11[%swap3A_808, %swap3A_809] {strides = array<i32>} : memref<64x256xf32, #tpu.memory_space<vmem>>, vector<16xf32>,
        tpu.vector_store %arg11[%swap3A_808, %swap3A_809], %broadcast_in_dim3A_454 {strides = array<i32>} : memref<64x256xf32, #tpu.memory_space<vmem>>, vector<16xf32>,
        %swap3A_811 = arith.index_cast %while3A_789 : i32 to index
        %swap3A_812 = arith.constant 112 : index
        %swap3A_813 = tpu.vector_load %arg11[%swap3A_811, %swap3A_812] {strides = array<i32>} : memref<64x256xf32, #tpu.memory_space<vmem>>, vector<16xf32>,
        tpu.vector_store %arg11[%swap3A_811, %swap3A_812], %broadcast_in_dim3A_454 {strides = array<i32>} : memref<64x256xf32, #tpu.memory_space<vmem>>, vector<16xf32>,
        %swap3A_814 = arith.index_cast %while3A_789 : i32 to index
        %swap3A_815 = arith.constant 128 : index
        %swap3A_816 = tpu.vector_load %arg11[%swap3A_814, %swap3A_815] {strides = array<i32>} : memref<64x256xf32, #tpu.memory_space<vmem>>, vector<16xf32>,
        tpu.vector_store %arg11[%swap3A_814, %swap3A_815], %broadcast_in_dim3A_454 {strides = array<i32>} : memref<64x256xf32, #tpu.memory_space<vmem>>, vector<16xf32>,
        %swap3A_817 = arith.index_cast %while3A_789 : i32 to index
        %swap3A_818 = arith.constant 144 : index
        %swap3A_819 = tpu.vector_load %arg11[%swap3A_817, %swap3A_818] {strides = array<i32>} : memref<64x256xf32, #tpu.memory_space<vmem>>, vector<16xf32>,
        tpu.vector_store %arg11[%swap3A_817, %swap3A_818], %broadcast_in_dim3A_454 {strides = array<i32>} : memref<64x256xf32, #tpu.memory_space<vmem>>, vector<16xf32>,
        %swap3A_820 = arith.index_cast %while3A_789 : i32 to index
        %swap3A_821 = arith.constant 160 : index
        %swap3A_822 = tpu.vector_load %arg11[%swap3A_820, %swap3A_821] {strides = array<i32>} : memref<64x256xf32, #tpu.memory_space<vmem>>, vector<16xf32>,
        tpu.vector_store %arg11[%swap3A_820, %swap3A_821], %broadcast_in_dim3A_454 {strides = array<i32>} : memref<64x256xf32, #tpu.memory_space<vmem>>, vector<16xf32>,
        %swap3A_823 = arith.index_cast %while3A_789 : i32 to index
        %swap3A_824 = arith.constant 176 : index
        %swap3A_825 = tpu.vector_load %arg11[%swap3A_823, %swap3A_824] {strides = array<i32>} : memref<64x256xf32, #tpu.memory_space<vmem>>, vector<16xf32>,
        tpu.vector_store %arg11[%swap3A_823, %swap3A_824], %broadcast_in_dim3A_454 {strides = array<i32>} : memref<64x256xf32, #tpu.memory_space<vmem>>, vector<16xf32>,
        %swap3A_826 = arith.index_cast %while3A_789 : i32 to index
        %swap3A_827 = arith.constant 192 : index
        %swap3A_828 = tpu.vector_load %arg11[%swap3A_826, %swap3A_827] {strides = array<i32>} : memref<64x256xf32, #tpu.memory_space<vmem>>, vector<16xf32>,
        tpu.vector_store %arg11[%swap3A_826, %swap3A_827], %broadcast_in_dim3A_454 {strides = array<i32>} : memref<64x256xf32, #tpu.memory_space<vmem>>, vector<16xf32>,
        %swap3A_829 = arith.index_cast %while3A_789 : i32 to index
        %swap3A_830 = arith.constant 208 : index
        %swap3A_831 = tpu.vector_load %arg11[%swap3A_829, %swap3A_830] {strides = array<i32>} : memref<64x256xf32, #tpu.memory_space<vmem>>, vector<16xf32>,
        tpu.vector_store %arg11[%swap3A_829, %swap3A_830], %broadcast_in_dim3A_454 {strides = array<i32>} : memref<64x256xf32, #tpu.memory_space<vmem>>, vector<16xf32>,
        %swap3A_832 = arith.index_cast %while3A_789 : i32 to index
        %swap3A_833 = arith.constant 224 : index
        %swap3A_834 = tpu.vector_load %arg11[%swap3A_832, %swap3A_833] {strides = array<i32>} : memref<64x256xf32, #tpu.memory_space<vmem>>, vector<16xf32>,
        tpu.vector_store %arg11[%swap3A_832, %swap3A_833], %broadcast_in_dim3A_454 {strides = array<i32>} : memref<64x256xf32, #tpu.memory_space<vmem>>, vector<16xf32>,
        %swap3A_835 = arith.index_cast %while3A_789 : i32 to index
        %swap3A_836 = arith.constant 240 : index
        %swap3A_837 = tpu.vector_load %arg11[%swap3A_835, %swap3A_836] {strides = array<i32>} : memref<64x256xf32, #tpu.memory_space<vmem>>, vector<16xf32>,
        tpu.vector_store %arg11[%swap3A_835, %swap3A_836], %broadcast_in_dim3A_454 {strides = array<i32>} : memref<64x256xf32, #tpu.memory_space<vmem>>, vector<16xf32>,
      }
    } else {
    }
    %sub3A_460 = arith.constant 1 : i32
    %sub3A_461 = arith.subi %mul3A_100, %sub3A_460 : i32
    %max3A_462 = arith.constant 0 : i32
    %max3A_463 = arith.maxsi %sub3A_461, %max3A_462 : i32
    %get3A_464 = arith.index_cast %max3A_463 : i32 to index
    %get3A_465 = arith.constant 240 : index
    %get3A_466 = tpu.vector_load %arg11[%get3A_464, %get3A_465] {strides = array<i32>} : memref<64x256xf32, #tpu.memory_space<vmem>>, vector<16xf32>,
    %reduce_sum3A_467 = arith.constant true
    %reduce_sum3A_468 = vector.broadcast %reduce_sum3A_467 : i1 to vector<16xi1>
    %reduce_sum3A_469 = tpu.scan <sum>, %get3A_466 masked %reduce_sum3A_468 : vector<16xf32>, vector<16xi1> -> vector<16xf32>
    %reduce_sum3A_470 = vector.extract %reduce_sum3A_469[15] : f32 from vector<16xf32>
    %lt3A_471 = arith.constant 1.000000e+00 : f32
    %lt3A_472 = arith.cmpf olt, %reduce_sum3A_470, %lt3A_471 : f32
    %jit3A_473 = arith.constant 64 : i32
    %div3A_474 = arith.divsi %mul3A_100, %jit3A_473 : i32
    %sign3A_475 = arith.constant 0 : i32
    %sign3A_476 = arith.cmpi sgt, %mul3A_100, %sign3A_475 : i32
    %sign3A_477 = arith.extui %sign3A_476 : i1 to i32
    %sign3A_478 = arith.constant 0 : i32
    %sign3A_479 = arith.cmpi slt, %mul3A_100, %sign3A_478 : i32
    %sign3A_480 = arith.extui %sign3A_479 : i1 to i32
    %sign3A_481 = arith.subi %sign3A_477, %sign3A_480 : i32
    %sign3A_482 = arith.constant 0 : i32
    %sign3A_483 = arith.cmpi sgt, %jit3A_473, %sign3A_482 : i32
    %sign3A_484 = arith.extui %sign3A_483 : i1 to i32
    %sign3A_485 = arith.constant 0 : i32
    %sign3A_486 = arith.cmpi slt, %jit3A_473, %sign3A_485 : i32
    %sign3A_487 = arith.extui %sign3A_486 : i1 to i32
    %sign3A_488 = arith.subi %sign3A_484, %sign3A_487 : i32
    %ne3A_489 = arith.cmpi ne, %sign3A_481, %sign3A_488 : i32
    %rem3A_490 = arith.remsi %mul3A_100, %jit3A_473 : i32
    %ne3A_491 = arith.constant 0 : i32
    %ne3A_492 = arith.cmpi ne, %rem3A_490, %ne3A_491 : i32
    %and3A_493 = arith.andi %ne3A_489, %ne3A_492 : i1
    %sub3A_494 = arith.constant 1 : i32
    %sub3A_495 = arith.subi %div3A_474, %sub3A_494 : i32
    %select_n3A_496 = arith.select %and3A_493, %sub3A_495, %div3A_474 : i32
    %jit3A_497 = arith.constant 2 : i32
    %eq3A_498 = arith.constant 0 : i32
    %eq3A_499 = arith.cmpi eq, %jit3A_497, %eq3A_498 : i32
    %jit3A_500 = arith.constant 1 : i32
    %select_n3A_501 = arith.select %eq3A_499, %jit3A_500, %jit3A_497 : i32
    %rem3A_502 = arith.remsi %select_n3A_496, %select_n3A_501 : i32
    %ne3A_503 = arith.constant 0 : i32
    %ne3A_504 = arith.cmpi ne, %rem3A_502, %ne3A_503 : i32
    %lt3A_505 = arith.constant 0 : i32
    %lt3A_506 = arith.cmpi slt, %rem3A_502, %lt3A_505 : i32
    %lt3A_507 = arith.constant 0 : i32
    %lt3A_508 = arith.cmpi slt, %select_n3A_501, %lt3A_507 : i32
    %ne3A_509 = arith.xori %lt3A_506, %lt3A_508 : i1
    %and3A_510 = arith.andi %ne3A_509, %ne3A_504 : i1
    %add3A_511 = arith.addi %rem3A_502, %select_n3A_501 : i32
    %select_n3A_512 = arith.select %and3A_510, %add3A_511, %rem3A_502 : i32
    %mul3A_513 = arith.constant 64 : i32
    %mul3A_514 = arith.muli %select_n3A_56, %mul3A_513 : i32
    %add3A_515 = arith.addi %multiple_of3A, %mul3A_514 : i32
    %add3A_516 = arith.constant 0 : i32
    %add3A_517 = arith.addi %add3A_515, %add3A_516 : i32
    %multiple_of3A_518 = tpu.assume_multiple %add3A_517, 8 : i32
    %eq3A_519 = arith.constant 1 : i32
    %eq3A_520 = arith.cmpi eq, %select_n3A_512, %eq3A_519 : i32
    %mul3A_521 = arith.constant 64 : i32
    %mul3A_522 = arith.muli %select_n3A_512, %mul3A_521 : i32
    %add3A_523 = arith.constant 0 : i32
    %add3A_524 = arith.addi %add3A_523, %mul3A_522 : i32
    %jit3A_525 = arith.constant 32 : i32
    %div3A_526 = arith.divsi %mul3A_100, %jit3A_525 : i32
    %sign3A_527 = arith.constant 0 : i32
    %sign3A_528 = arith.cmpi sgt, %mul3A_100, %sign3A_527 : i32
    %sign3A_529 = arith.extui %sign3A_528 : i1 to i32
    %sign3A_530 = arith.constant 0 : i32
    %sign3A_531 = arith.cmpi slt, %mul3A_100, %sign3A_530 : i32
    %sign3A_532 = arith.extui %sign3A_531 : i1 to i32
    %sign3A_533 = arith.subi %sign3A_529, %sign3A_532 : i32
    %sign3A_534 = arith.constant 0 : i32
    %sign3A_535 = arith.cmpi sgt, %jit3A_525, %sign3A_534 : i32
    %sign3A_536 = arith.extui %sign3A_535 : i1 to i32
    %sign3A_537 = arith.constant 0 : i32
    %sign3A_538 = arith.cmpi slt, %jit3A_525, %sign3A_537 : i32
    %sign3A_539 = arith.extui %sign3A_538 : i1 to i32
    %sign3A_540 = arith.subi %sign3A_536, %sign3A_539 : i32
    %ne3A_541 = arith.cmpi ne, %sign3A_533, %sign3A_540 : i32
    %rem3A_542 = arith.remsi %mul3A_100, %jit3A_525 : i32
    %ne3A_543 = arith.constant 0 : i32
    %ne3A_544 = arith.cmpi ne, %rem3A_542, %ne3A_543 : i32
    %and3A_545 = arith.andi %ne3A_541, %ne3A_544 : i1
    %sub3A_546 = arith.constant 1 : i32
    %sub3A_547 = arith.subi %div3A_526, %sub3A_546 : i32
    %select_n3A_548 = arith.select %and3A_545, %sub3A_547, %div3A_526 : i32
    %jit3A_549 = arith.constant 2 : i32
    %eq3A_550 = arith.constant 0 : i32
    %eq3A_551 = arith.cmpi eq, %jit3A_549, %eq3A_550 : i32
    %jit3A_552 = arith.constant 1 : i32
    %select_n3A_553 = arith.select %eq3A_551, %jit3A_552, %jit3A_549 : i32
    %rem3A_554 = arith.remsi %select_n3A_548, %select_n3A_553 : i32
    %ne3A_555 = arith.constant 0 : i32
    %ne3A_556 = arith.cmpi ne, %rem3A_554, %ne3A_555 : i32
    %lt3A_557 = arith.constant 0 : i32
    %lt3A_558 = arith.cmpi slt, %rem3A_554, %lt3A_557 : i32
    %lt3A_559 = arith.constant 0 : i32
    %lt3A_560 = arith.cmpi slt, %select_n3A_553, %lt3A_559 : i32
    %ne3A_561 = arith.xori %lt3A_558, %lt3A_560 : i1
    %and3A_562 = arith.andi %ne3A_561, %ne3A_556 : i1
    %add3A_563 = arith.addi %rem3A_554, %select_n3A_553 : i32
    %select_n3A_564 = arith.select %and3A_562, %add3A_563, %rem3A_554 : i32
    %mul3A_565 = arith.constant 64 : i32
    %mul3A_566 = arith.muli %select_n3A_56, %mul3A_565 : i32
    %add3A_567 = arith.addi %multiple_of3A, %mul3A_566 : i32
    %add3A_568 = arith.addi %add3A_567, %add3A_524 : i32
    %multiple_of3A_569 = tpu.assume_multiple %add3A_568, 8 : i32
    %eq3A_570 = arith.constant 1 : i32
    %eq3A_571 = arith.cmpi eq, %select_n3A_564, %eq3A_570 : i32
    %mul3A_572 = arith.constant 32 : i32
    %mul3A_573 = arith.muli %select_n3A_564, %mul3A_572 : i32
    %add3A_574 = arith.addi %add3A_524, %mul3A_573 : i32
    %jit3A_575 = arith.constant 16 : i32
    %div3A_576 = arith.divsi %mul3A_100, %jit3A_575 : i32
    %sign3A_577 = arith.constant 0 : i32
    %sign3A_578 = arith.cmpi sgt, %mul3A_100, %sign3A_577 : i32
    %sign3A_579 = arith.extui %sign3A_578 : i1 to i32
    %sign3A_580 = arith.constant 0 : i32
    %sign3A_581 = arith.cmpi slt, %mul3A_100, %sign3A_580 : i32
    %sign3A_582 = arith.extui %sign3A_581 : i1 to i32
    %sign3A_583 = arith.subi %sign3A_579, %sign3A_582 : i32
    %sign3A_584 = arith.constant 0 : i32
    %sign3A_585 = arith.cmpi sgt, %jit3A_575, %sign3A_584 : i32
    %sign3A_586 = arith.extui %sign3A_585 : i1 to i32
    %sign3A_587 = arith.constant 0 : i32
    %sign3A_588 = arith.cmpi slt, %jit3A_575, %sign3A_587 : i32
    %sign3A_589 = arith.extui %sign3A_588 : i1 to i32
    %sign3A_590 = arith.subi %sign3A_586, %sign3A_589 : i32
    %ne3A_591 = arith.cmpi ne, %sign3A_583, %sign3A_590 : i32
    %rem3A_592 = arith.remsi %mul3A_100, %jit3A_575 : i32
    %ne3A_593 = arith.constant 0 : i32
    %ne3A_594 = arith.cmpi ne, %rem3A_592, %ne3A_593 : i32
    %and3A_595 = arith.andi %ne3A_591, %ne3A_594 : i1
    %sub3A_596 = arith.constant 1 : i32
    %sub3A_597 = arith.subi %div3A_576, %sub3A_596 : i32
    %select_n3A_598 = arith.select %and3A_595, %sub3A_597, %div3A_576 : i32
    %jit3A_599 = arith.constant 2 : i32
    %eq3A_600 = arith.constant 0 : i32
    %eq3A_601 = arith.cmpi eq, %jit3A_599, %eq3A_600 : i32
    %jit3A_602 = arith.constant 1 : i32
    %select_n3A_603 = arith.select %eq3A_601, %jit3A_602, %jit3A_599 : i32
    %rem3A_604 = arith.remsi %select_n3A_598, %select_n3A_603 : i32
    %ne3A_605 = arith.constant 0 : i32
    %ne3A_606 = arith.cmpi ne, %rem3A_604, %ne3A_605 : i32
    %lt3A_607 = arith.constant 0 : i32
    %lt3A_608 = arith.cmpi slt, %rem3A_604, %lt3A_607 : i32
    %lt3A_609 = arith.constant 0 : i32
    %lt3A_610 = arith.cmpi slt, %select_n3A_603, %lt3A_609 : i32
    %ne3A_611 = arith.xori %lt3A_608, %lt3A_610 : i1
    %and3A_612 = arith.andi %ne3A_611, %ne3A_606 : i1
    %add3A_613 = arith.addi %rem3A_604, %select_n3A_603 : i32
    %select_n3A_614 = arith.select %and3A_612, %add3A_613, %rem3A_604 : i32
    %mul3A_615 = arith.constant 64 : i32
    %mul3A_616 = arith.muli %select_n3A_56, %mul3A_615 : i32
    %add3A_617 = arith.addi %multiple_of3A, %mul3A_616 : i32
    %add3A_618 = arith.addi %add3A_617, %add3A_574 : i32
    %multiple_of3A_619 = tpu.assume_multiple %add3A_618, 8 : i32
    %eq3A_620 = arith.constant 1 : i32
    %eq3A_621 = arith.cmpi eq, %select_n3A_614, %eq3A_620 : i32
    %mul3A_622 = arith.constant 16 : i32
    %mul3A_623 = arith.muli %select_n3A_614, %mul3A_622 : i32
    %add3A_624 = arith.addi %add3A_574, %mul3A_623 : i32
    %jit3A_625 = arith.constant 8 : i32
    %div3A_626 = arith.divsi %mul3A_100, %jit3A_625 : i32
    %sign3A_627 = arith.constant 0 : i32
    %sign3A_628 = arith.cmpi sgt, %mul3A_100, %sign3A_627 : i32
    %sign3A_629 = arith.extui %sign3A_628 : i1 to i32
    %sign3A_630 = arith.constant 0 : i32
    %sign3A_631 = arith.cmpi slt, %mul3A_100, %sign3A_630 : i32
    %sign3A_632 = arith.extui %sign3A_631 : i1 to i32
    %sign3A_633 = arith.subi %sign3A_629, %sign3A_632 : i32
    %sign3A_634 = arith.constant 0 : i32
    %sign3A_635 = arith.cmpi sgt, %jit3A_625, %sign3A_634 : i32
    %sign3A_636 = arith.extui %sign3A_635 : i1 to i32
    %sign3A_637 = arith.constant 0 : i32
    %sign3A_638 = arith.cmpi slt, %jit3A_625, %sign3A_637 : i32
    %sign3A_639 = arith.extui %sign3A_638 : i1 to i32
    %sign3A_640 = arith.subi %sign3A_636, %sign3A_639 : i32
    %ne3A_641 = arith.cmpi ne, %sign3A_633, %sign3A_640 : i32
    %rem3A_642 = arith.remsi %mul3A_100, %jit3A_625 : i32
    %ne3A_643 = arith.constant 0 : i32
    %ne3A_644 = arith.cmpi ne, %rem3A_642, %ne3A_643 : i32
    %and3A_645 = arith.andi %ne3A_641, %ne3A_644 : i1
    %sub3A_646 = arith.constant 1 : i32
    %sub3A_647 = arith.subi %div3A_626, %sub3A_646 : i32
    %select_n3A_648 = arith.select %and3A_645, %sub3A_647, %div3A_626 : i32
    %jit3A_649 = arith.constant 2 : i32
    %eq3A_650 = arith.constant 0 : i32
    %eq3A_651 = arith.cmpi eq, %jit3A_649, %eq3A_650 : i32
    %jit3A_652 = arith.constant 1 : i32
    %select_n3A_653 = arith.select %eq3A_651, %jit3A_652, %jit3A_649 : i32
    %rem3A_654 = arith.remsi %select_n3A_648, %select_n3A_653 : i32
    %ne3A_655 = arith.constant 0 : i32
    %ne3A_656 = arith.cmpi ne, %rem3A_654, %ne3A_655 : i32
    %lt3A_657 = arith.constant 0 : i32
    %lt3A_658 = arith.cmpi slt, %rem3A_654, %lt3A_657 : i32
    %lt3A_659 = arith.constant 0 : i32
    %lt3A_660 = arith.cmpi slt, %select_n3A_653, %lt3A_659 : i32
    %ne3A_661 = arith.xori %lt3A_658, %lt3A_660 : i1
    %and3A_662 = arith.andi %ne3A_661, %ne3A_656 : i1
    %add3A_663 = arith.addi %rem3A_654, %select_n3A_653 : i32
    %select_n3A_664 = arith.select %and3A_662, %add3A_663, %rem3A_654 : i32
    %mul3A_665 = arith.constant 64 : i32
    %mul3A_666 = arith.muli %select_n3A_56, %mul3A_665 : i32
    %add3A_667 = arith.addi %multiple_of3A, %mul3A_666 : i32
    %add3A_668 = arith.addi %add3A_667, %add3A_624 : i32
    %multiple_of3A_669 = tpu.assume_multiple %add3A_668, 8 : i32
    %eq3A_670 = arith.constant 1 : i32
    %eq3A_671 = arith.cmpi eq, %select_n3A_664, %eq3A_670 : i32
    %mul3A_672 = arith.constant 8 : i32
    %mul3A_673 = arith.muli %select_n3A_664, %mul3A_672 : i32
    %add3A_674 = arith.addi %add3A_624, %mul3A_673 : i32
    %gt3A_675 = arith.constant 0 : i32
    %gt3A_676 = arith.cmpi sgt, %sub3A_101, %gt3A_675 : i32
    %and3A_677 = arith.andi %gt3A_676, %lt3A_472 : i1
    %and3A_678 = arith.andi %eq3A_520, %and3A_677 : i1
    %convert_element_type3A_679 = arith.extui %and3A_678 : i1 to i32
    %cond3A_680 = arith.constant 0 : i32
    %cond3A_681 = arith.cmpi ne, %convert_element_type3A_679, %cond3A_680 : i32
    scf.if %cond3A_681 {
      %dma_start3A = arith.constant 0 : i32
      %dma_start3A_778 = arith.constant 0 : i32
      %dma_start3A_779 = tpu.memref_slice %arg11[%dma_start3A, %dma_start3A_778] : memref<64x256xf32, #tpu.memory_space<vmem>> -> memref<64x256xf32, #tpu.memory_space<vmem>>
      %dma_start3A_780 = arith.constant 0 : i32
      %dma_start3A_781 = tpu.memref_slice %arg6[%multiple_of3A_518, %dma_start3A_780] : memref<32768x256xf32, #tpu.memory_space<hbm>> -> memref<64x256xf32, #tpu.memory_space<hbm>>
      %dma_start3A_782 = arith.constant 0 : i32
      %dma_start3A_783 = tpu.memref_slice %arg6[%multiple_of3A_518, %dma_start3A_782] : memref<32768x256xf32, #tpu.memory_space<hbm>> -> memref<64x256xf32, #tpu.memory_space<hbm>>
      %dma_start3A_784 = arith.constant 0 : i32
      %dma_start3A_785 = arith.constant 0 : i32
      %dma_start3A_786 = tpu.memref_slice %arg11[%dma_start3A_784, %dma_start3A_785] : memref<64x256xf32, #tpu.memory_space<vmem>> -> memref<64x256xf32, #tpu.memory_space<vmem>>
      tpu.enqueue_dma source(%dma_start3A_786 : memref<64x256xf32, #tpu.memory_space<vmem>>) target(%dma_start3A_783 : memref<64x256xf32, #tpu.memory_space<hbm>>) target_semaphore(%arg30 : memref<!tpu.dma_semaphore, #tpu.memory_space<semaphore_mem>>)
    } else {
    }
    %eq3A_682 = arith.constant 0 : i32
    %eq3A_683 = arith.cmpi eq, %sub3A_101, %eq3A_682 : i32
    %and3A_684 = arith.andi %eq3A_520, %eq3A_683 : i1
    %convert_element_type3A_685 = arith.extui %and3A_684 : i1 to i32
    %cond3A_686 = arith.constant 0 : i32
    %cond3A_687 = arith.cmpi ne, %convert_element_type3A_685, %cond3A_686 : i32
    scf.if %cond3A_687 {
      %dma_start3A = arith.constant 0 : i32
      %dma_start3A_778 = arith.constant 0 : i32
      %dma_start3A_779 = tpu.memref_slice %arg11[%dma_start3A, %dma_start3A_778] : memref<64x256xf32, #tpu.memory_space<vmem>> -> memref<64x256xf32, #tpu.memory_space<vmem>>
      %dma_start3A_780 = arith.constant 0 : i32
      %dma_start3A_781 = tpu.memref_slice %arg6[%multiple_of3A_518, %dma_start3A_780] : memref<32768x256xf32, #tpu.memory_space<hbm>> -> memref<64x256xf32, #tpu.memory_space<hbm>>
      %dma_start3A_782 = arith.constant 0 : i32
      %dma_start3A_783 = tpu.memref_slice %arg6[%multiple_of3A_518, %dma_start3A_782] : memref<32768x256xf32, #tpu.memory_space<hbm>> -> memref<64x256xf32, #tpu.memory_space<hbm>>
      %dma_start3A_784 = arith.constant 0 : i32
      %dma_start3A_785 = arith.constant 0 : i32
      %dma_start3A_786 = tpu.memref_slice %arg11[%dma_start3A_784, %dma_start3A_785] : memref<64x256xf32, #tpu.memory_space<vmem>> -> memref<64x256xf32, #tpu.memory_space<vmem>>
      tpu.enqueue_dma source(%dma_start3A_786 : memref<64x256xf32, #tpu.memory_space<vmem>>) target(%dma_start3A_783 : memref<64x256xf32, #tpu.memory_space<hbm>>) target_semaphore(%arg30 : memref<!tpu.dma_semaphore, #tpu.memory_space<semaphore_mem>>)
    } else {
    }
    %gt3A_688 = arith.constant 0 : i32
    %gt3A_689 = arith.cmpi sgt, %sub3A_101, %gt3A_688 : i32
    %and3A_690 = arith.andi %gt3A_689, %lt3A_472 : i1
    %and3A_691 = arith.andi %eq3A_571, %and3A_690 : i1
    %convert_element_type3A_692 = arith.extui %and3A_691 : i1 to i32
    %cond3A_693 = arith.constant 0 : i32
    %cond3A_694 = arith.cmpi ne, %convert_element_type3A_692, %cond3A_693 : i32
    scf.if %cond3A_694 {
      %dma_start3A = arith.constant 0 : i32
      %dma_start3A_778 = tpu.memref_slice %arg11[%add3A_524, %dma_start3A] : memref<64x256xf32, #tpu.memory_space<vmem>> -> memref<32x256xf32, #tpu.memory_space<vmem>>
      %dma_start3A_779 = arith.constant 0 : i32
      %dma_start3A_780 = tpu.memref_slice %arg6[%multiple_of3A_569, %dma_start3A_779] : memref<32768x256xf32, #tpu.memory_space<hbm>> -> memref<32x256xf32, #tpu.memory_space<hbm>>
      %dma_start3A_781 = arith.constant 0 : i32
      %dma_start3A_782 = tpu.memref_slice %arg6[%multiple_of3A_569, %dma_start3A_781] : memref<32768x256xf32, #tpu.memory_space<hbm>> -> memref<32x256xf32, #tpu.memory_space<hbm>>
      %dma_start3A_783 = arith.constant 0 : i32
      %dma_start3A_784 = tpu.memref_slice %arg11[%add3A_524, %dma_start3A_783] : memref<64x256xf32, #tpu.memory_space<vmem>> -> memref<32x256xf32, #tpu.memory_space<vmem>>
      tpu.enqueue_dma source(%dma_start3A_784 : memref<32x256xf32, #tpu.memory_space<vmem>>) target(%dma_start3A_782 : memref<32x256xf32, #tpu.memory_space<hbm>>) target_semaphore(%arg30 : memref<!tpu.dma_semaphore, #tpu.memory_space<semaphore_mem>>)
    } else {
    }
    %eq3A_695 = arith.constant 0 : i32
    %eq3A_696 = arith.cmpi eq, %sub3A_101, %eq3A_695 : i32
    %and3A_697 = arith.andi %eq3A_571, %eq3A_696 : i1
    %convert_element_type3A_698 = arith.extui %and3A_697 : i1 to i32
    %cond3A_699 = arith.constant 0 : i32
    %cond3A_700 = arith.cmpi ne, %convert_element_type3A_698, %cond3A_699 : i32
    scf.if %cond3A_700 {
      %dma_start3A = arith.constant 0 : i32
      %dma_start3A_778 = tpu.memref_slice %arg11[%add3A_524, %dma_start3A] : memref<64x256xf32, #tpu.memory_space<vmem>> -> memref<32x256xf32, #tpu.memory_space<vmem>>
      %dma_start3A_779 = arith.constant 0 : i32
      %dma_start3A_780 = tpu.memref_slice %arg6[%multiple_of3A_569, %dma_start3A_779] : memref<32768x256xf32, #tpu.memory_space<hbm>> -> memref<32x256xf32, #tpu.memory_space<hbm>>
      %dma_start3A_781 = arith.constant 0 : i32
      %dma_start3A_782 = tpu.memref_slice %arg6[%multiple_of3A_569, %dma_start3A_781] : memref<32768x256xf32, #tpu.memory_space<hbm>> -> memref<32x256xf32, #tpu.memory_space<hbm>>
      %dma_start3A_783 = arith.constant 0 : i32
      %dma_start3A_784 = tpu.memref_slice %arg11[%add3A_524, %dma_start3A_783] : memref<64x256xf32, #tpu.memory_space<vmem>> -> memref<32x256xf32, #tpu.memory_space<vmem>>
      tpu.enqueue_dma source(%dma_start3A_784 : memref<32x256xf32, #tpu.memory_space<vmem>>) target(%dma_start3A_782 : memref<32x256xf32, #tpu.memory_space<hbm>>) target_semaphore(%arg30 : memref<!tpu.dma_semaphore, #tpu.memory_space<semaphore_mem>>)
    } else {
    }
    %gt3A_701 = arith.constant 0 : i32
    %gt3A_702 = arith.cmpi sgt, %sub3A_101, %gt3A_701 : i32
    %and3A_703 = arith.andi %gt3A_702, %lt3A_472 : i1
    %and3A_704 = arith.andi %eq3A_621, %and3A_703 : i1
    %convert_element_type3A_705 = arith.extui %and3A_704 : i1 to i32
    %cond3A_706 = arith.constant 0 : i32
    %cond3A_707 = arith.cmpi ne, %convert_element_type3A_705, %cond3A_706 : i32
    scf.if %cond3A_707 {
      %dma_start3A = arith.constant 0 : i32
      %dma_start3A_778 = tpu.memref_slice %arg11[%add3A_574, %dma_start3A] : memref<64x256xf32, #tpu.memory_space<vmem>> -> memref<16x256xf32, #tpu.memory_space<vmem>>
      %dma_start3A_779 = arith.constant 0 : i32
      %dma_start3A_780 = tpu.memref_slice %arg6[%multiple_of3A_619, %dma_start3A_779] : memref<32768x256xf32, #tpu.memory_space<hbm>> -> memref<16x256xf32, #tpu.memory_space<hbm>>
      %dma_start3A_781 = arith.constant 0 : i32
      %dma_start3A_782 = tpu.memref_slice %arg6[%multiple_of3A_619, %dma_start3A_781] : memref<32768x256xf32, #tpu.memory_space<hbm>> -> memref<16x256xf32, #tpu.memory_space<hbm>>
      %dma_start3A_783 = arith.constant 0 : i32
      %dma_start3A_784 = tpu.memref_slice %arg11[%add3A_574, %dma_start3A_783] : memref<64x256xf32, #tpu.memory_space<vmem>> -> memref<16x256xf32, #tpu.memory_space<vmem>>
      tpu.enqueue_dma source(%dma_start3A_784 : memref<16x256xf32, #tpu.memory_space<vmem>>) target(%dma_start3A_782 : memref<16x256xf32, #tpu.memory_space<hbm>>) target_semaphore(%arg30 : memref<!tpu.dma_semaphore, #tpu.memory_space<semaphore_mem>>)
    } else {
    }
    %eq3A_708 = arith.constant 0 : i32
    %eq3A_709 = arith.cmpi eq, %sub3A_101, %eq3A_708 : i32
    %and3A_710 = arith.andi %eq3A_621, %eq3A_709 : i1
    %convert_element_type3A_711 = arith.extui %and3A_710 : i1 to i32
    %cond3A_712 = arith.constant 0 : i32
    %cond3A_713 = arith.cmpi ne, %convert_element_type3A_711, %cond3A_712 : i32
    scf.if %cond3A_713 {
      %dma_start3A = arith.constant 0 : i32
      %dma_start3A_778 = tpu.memref_slice %arg11[%add3A_574, %dma_start3A] : memref<64x256xf32, #tpu.memory_space<vmem>> -> memref<16x256xf32, #tpu.memory_space<vmem>>
      %dma_start3A_779 = arith.constant 0 : i32
      %dma_start3A_780 = tpu.memref_slice %arg6[%multiple_of3A_619, %dma_start3A_779] : memref<32768x256xf32, #tpu.memory_space<hbm>> -> memref<16x256xf32, #tpu.memory_space<hbm>>
      %dma_start3A_781 = arith.constant 0 : i32
      %dma_start3A_782 = tpu.memref_slice %arg6[%multiple_of3A_619, %dma_start3A_781] : memref<32768x256xf32, #tpu.memory_space<hbm>> -> memref<16x256xf32, #tpu.memory_space<hbm>>
      %dma_start3A_783 = arith.constant 0 : i32
      %dma_start3A_784 = tpu.memref_slice %arg11[%add3A_574, %dma_start3A_783] : memref<64x256xf32, #tpu.memory_space<vmem>> -> memref<16x256xf32, #tpu.memory_space<vmem>>
      tpu.enqueue_dma source(%dma_start3A_784 : memref<16x256xf32, #tpu.memory_space<vmem>>) target(%dma_start3A_782 : memref<16x256xf32, #tpu.memory_space<hbm>>) target_semaphore(%arg30 : memref<!tpu.dma_semaphore, #tpu.memory_space<semaphore_mem>>)
    } else {
    }
    %gt3A_714 = arith.constant 0 : i32
    %gt3A_715 = arith.cmpi sgt, %sub3A_101, %gt3A_714 : i32
    %and3A_716 = arith.andi %gt3A_715, %lt3A_472 : i1
    %and3A_717 = arith.andi %eq3A_671, %and3A_716 : i1
    %convert_element_type3A_718 = arith.extui %and3A_717 : i1 to i32
    %cond3A_719 = arith.constant 0 : i32
    %cond3A_720 = arith.cmpi ne, %convert_element_type3A_718, %cond3A_719 : i32
    scf.if %cond3A_720 {
      %dma_start3A = arith.constant 0 : i32
      %dma_start3A_778 = tpu.memref_slice %arg11[%add3A_624, %dma_start3A] : memref<64x256xf32, #tpu.memory_space<vmem>> -> memref<8x256xf32, #tpu.memory_space<vmem>>
      %dma_start3A_779 = arith.constant 0 : i32
      %dma_start3A_780 = tpu.memref_slice %arg6[%multiple_of3A_669, %dma_start3A_779] : memref<32768x256xf32, #tpu.memory_space<hbm>> -> memref<8x256xf32, #tpu.memory_space<hbm>>
      %dma_start3A_781 = arith.constant 0 : i32
      %dma_start3A_782 = tpu.memref_slice %arg6[%multiple_of3A_669, %dma_start3A_781] : memref<32768x256xf32, #tpu.memory_space<hbm>> -> memref<8x256xf32, #tpu.memory_space<hbm>>
      %dma_start3A_783 = arith.constant 0 : i32
      %dma_start3A_784 = tpu.memref_slice %arg11[%add3A_624, %dma_start3A_783] : memref<64x256xf32, #tpu.memory_space<vmem>> -> memref<8x256xf32, #tpu.memory_space<vmem>>
      tpu.enqueue_dma source(%dma_start3A_784 : memref<8x256xf32, #tpu.memory_space<vmem>>) target(%dma_start3A_782 : memref<8x256xf32, #tpu.memory_space<hbm>>) target_semaphore(%arg30 : memref<!tpu.dma_semaphore, #tpu.memory_space<semaphore_mem>>)
    } else {
    }
    %eq3A_721 = arith.constant 0 : i32
    %eq3A_722 = arith.cmpi eq, %sub3A_101, %eq3A_721 : i32
    %and3A_723 = arith.andi %eq3A_671, %eq3A_722 : i1
    %convert_element_type3A_724 = arith.extui %and3A_723 : i1 to i32
    %cond3A_725 = arith.constant 0 : i32
    %cond3A_726 = arith.cmpi ne, %convert_element_type3A_724, %cond3A_725 : i32
    scf.if %cond3A_726 {
      %dma_start3A = arith.constant 0 : i32
      %dma_start3A_778 = tpu.memref_slice %arg11[%add3A_624, %dma_start3A] : memref<64x256xf32, #tpu.memory_space<vmem>> -> memref<8x256xf32, #tpu.memory_space<vmem>>
      %dma_start3A_779 = arith.constant 0 : i32
      %dma_start3A_780 = tpu.memref_slice %arg6[%multiple_of3A_669, %dma_start3A_779] : memref<32768x256xf32, #tpu.memory_space<hbm>> -> memref<8x256xf32, #tpu.memory_space<hbm>>
      %dma_start3A_781 = arith.constant 0 : i32
      %dma_start3A_782 = tpu.memref_slice %arg6[%multiple_of3A_669, %dma_start3A_781] : memref<32768x256xf32, #tpu.memory_space<hbm>> -> memref<8x256xf32, #tpu.memory_space<hbm>>
      %dma_start3A_783 = arith.constant 0 : i32
      %dma_start3A_784 = tpu.memref_slice %arg11[%add3A_624, %dma_start3A_783] : memref<64x256xf32, #tpu.memory_space<vmem>> -> memref<8x256xf32, #tpu.memory_space<vmem>>
      tpu.enqueue_dma source(%dma_start3A_784 : memref<8x256xf32, #tpu.memory_space<vmem>>) target(%dma_start3A_782 : memref<8x256xf32, #tpu.memory_space<hbm>>) target_semaphore(%arg30 : memref<!tpu.dma_semaphore, #tpu.memory_space<semaphore_mem>>)
    } else {
    }
    %convert_element_type3A_727 = arith.extui %eq3A_520 : i1 to i32
    %cond3A_728 = arith.constant 0 : i32
    %cond3A_729 = arith.cmpi ne, %convert_element_type3A_727, %cond3A_728 : i32
    scf.if %cond3A_729 {
      %dma_wait3A = arith.constant 0 : i32
      %dma_wait3A_778 = arith.constant 0 : i32
      %dma_wait3A_779 = tpu.memref_slice %arg11[%dma_wait3A, %dma_wait3A_778] : memref<64x256xf32, #tpu.memory_space<vmem>> -> memref<64x256xf32, #tpu.memory_space<vmem>>
      %dma_wait3A_780 = arith.constant 0 : i32
      %dma_wait3A_781 = tpu.memref_slice %arg6[%multiple_of3A_518, %dma_wait3A_780] : memref<32768x256xf32, #tpu.memory_space<hbm>> -> memref<64x256xf32, #tpu.memory_space<hbm>>
      %dma_wait3A_782 = arith.constant 0 : i32
      %dma_wait3A_783 = tpu.memref_slice %arg6[%multiple_of3A_518, %dma_wait3A_782] : memref<32768x256xf32, #tpu.memory_space<hbm>> -> memref<64x256xf32, #tpu.memory_space<hbm>>
      %dma_wait3A_784 = arith.constant 0 : i32
      %dma_wait3A_785 = arith.constant 0 : i32
      %dma_wait3A_786 = tpu.memref_slice %arg11[%dma_wait3A_784, %dma_wait3A_785] : memref<64x256xf32, #tpu.memory_space<vmem>> -> memref<64x256xf32, #tpu.memory_space<vmem>>
      tpu.wait_dma2 semaphore(%arg30 : memref<!tpu.dma_semaphore, #tpu.memory_space<semaphore_mem>>) src(%dma_wait3A_786 : memref<64x256xf32, #tpu.memory_space<vmem>>) dst(%dma_wait3A_783 : memref<64x256xf32, #tpu.memory_space<hbm>>)
    } else {
    }
    %convert_element_type3A_730 = arith.extui %eq3A_571 : i1 to i32
    %cond3A_731 = arith.constant 0 : i32
    %cond3A_732 = arith.cmpi ne, %convert_element_type3A_730, %cond3A_731 : i32
    scf.if %cond3A_732 {
      %dma_wait3A = arith.constant 0 : i32
      %dma_wait3A_778 = tpu.memref_slice %arg11[%add3A_524, %dma_wait3A] : memref<64x256xf32, #tpu.memory_space<vmem>> -> memref<32x256xf32, #tpu.memory_space<vmem>>
      %dma_wait3A_779 = arith.constant 0 : i32
      %dma_wait3A_780 = tpu.memref_slice %arg6[%multiple_of3A_569, %dma_wait3A_779] : memref<32768x256xf32, #tpu.memory_space<hbm>> -> memref<32x256xf32, #tpu.memory_space<hbm>>
      %dma_wait3A_781 = arith.constant 0 : i32
      %dma_wait3A_782 = tpu.memref_slice %arg6[%multiple_of3A_569, %dma_wait3A_781] : memref<32768x256xf32, #tpu.memory_space<hbm>> -> memref<32x256xf32, #tpu.memory_space<hbm>>
      %dma_wait3A_783 = arith.constant 0 : i32
      %dma_wait3A_784 = tpu.memref_slice %arg11[%add3A_524, %dma_wait3A_783] : memref<64x256xf32, #tpu.memory_space<vmem>> -> memref<32x256xf32, #tpu.memory_space<vmem>>
      tpu.wait_dma2 semaphore(%arg30 : memref<!tpu.dma_semaphore, #tpu.memory_space<semaphore_mem>>) src(%dma_wait3A_784 : memref<32x256xf32, #tpu.memory_space<vmem>>) dst(%dma_wait3A_782 : memref<32x256xf32, #tpu.memory_space<hbm>>)
    } else {
    }
    %convert_element_type3A_733 = arith.extui %eq3A_621 : i1 to i32
    %cond3A_734 = arith.constant 0 : i32
    %cond3A_735 = arith.cmpi ne, %convert_element_type3A_733, %cond3A_734 : i32
    scf.if %cond3A_735 {
      %dma_wait3A = arith.constant 0 : i32
      %dma_wait3A_778 = tpu.memref_slice %arg11[%add3A_574, %dma_wait3A] : memref<64x256xf32, #tpu.memory_space<vmem>> -> memref<16x256xf32, #tpu.memory_space<vmem>>
      %dma_wait3A_779 = arith.constant 0 : i32
      %dma_wait3A_780 = tpu.memref_slice %arg6[%multiple_of3A_619, %dma_wait3A_779] : memref<32768x256xf32, #tpu.memory_space<hbm>> -> memref<16x256xf32, #tpu.memory_space<hbm>>
      %dma_wait3A_781 = arith.constant 0 : i32
      %dma_wait3A_782 = tpu.memref_slice %arg6[%multiple_of3A_619, %dma_wait3A_781] : memref<32768x256xf32, #tpu.memory_space<hbm>> -> memref<16x256xf32, #tpu.memory_space<hbm>>
      %dma_wait3A_783 = arith.constant 0 : i32
      %dma_wait3A_784 = tpu.memref_slice %arg11[%add3A_574, %dma_wait3A_783] : memref<64x256xf32, #tpu.memory_space<vmem>> -> memref<16x256xf32, #tpu.memory_space<vmem>>
      tpu.wait_dma2 semaphore(%arg30 : memref<!tpu.dma_semaphore, #tpu.memory_space<semaphore_mem>>) src(%dma_wait3A_784 : memref<16x256xf32, #tpu.memory_space<vmem>>) dst(%dma_wait3A_782 : memref<16x256xf32, #tpu.memory_space<hbm>>)
    } else {
    }
    %convert_element_type3A_736 = arith.extui %eq3A_671 : i1 to i32
    %cond3A_737 = arith.constant 0 : i32
    %cond3A_738 = arith.cmpi ne, %convert_element_type3A_736, %cond3A_737 : i32
    scf.if %cond3A_738 {
      %dma_wait3A = arith.constant 0 : i32
      %dma_wait3A_778 = tpu.memref_slice %arg11[%add3A_624, %dma_wait3A] : memref<64x256xf32, #tpu.memory_space<vmem>> -> memref<8x256xf32, #tpu.memory_space<vmem>>
      %dma_wait3A_779 = arith.constant 0 : i32
      %dma_wait3A_780 = tpu.memref_slice %arg6[%multiple_of3A_669, %dma_wait3A_779] : memref<32768x256xf32, #tpu.memory_space<hbm>> -> memref<8x256xf32, #tpu.memory_space<hbm>>
      %dma_wait3A_781 = arith.constant 0 : i32
      %dma_wait3A_782 = tpu.memref_slice %arg6[%multiple_of3A_669, %dma_wait3A_781] : memref<32768x256xf32, #tpu.memory_space<hbm>> -> memref<8x256xf32, #tpu.memory_space<hbm>>
      %dma_wait3A_783 = arith.constant 0 : i32
      %dma_wait3A_784 = tpu.memref_slice %arg11[%add3A_624, %dma_wait3A_783] : memref<64x256xf32, #tpu.memory_space<vmem>> -> memref<8x256xf32, #tpu.memory_space<vmem>>
      tpu.wait_dma2 semaphore(%arg30 : memref<!tpu.dma_semaphore, #tpu.memory_space<semaphore_mem>>) src(%dma_wait3A_784 : memref<8x256xf32, #tpu.memory_space<vmem>>) dst(%dma_wait3A_782 : memref<8x256xf32, #tpu.memory_space<hbm>>)
    } else {
    }
    %gt3A_739 = arith.constant 0 : i32
    %gt3A_740 = arith.cmpi sgt, %select_n3A_56, %gt3A_739 : i32
    %convert_element_type3A_741 = arith.extui %gt3A_740 : i1 to i32
    %cond3A_742 = arith.constant 0 : i32
    %cond3A_743 = arith.cmpi ne, %convert_element_type3A_741, %cond3A_742 : i32
    scf.if %cond3A_743 {
      %sub3A_778 = arith.constant 1 : i32
      %sub3A_779 = arith.subi %select_n3A_56, %sub3A_778 : i32
      %sub3A_780 = arith.constant 0 : i32
      %sub3A_781 = arith.subi %sub3A_779, %sub3A_780 : i32
      %jit3A_782 = arith.constant 4 : i32
      %div3A_783 = arith.divsi %sub3A_781, %jit3A_782 : i32
      %sign3A_784 = arith.constant 0 : i32
      %sign3A_785 = arith.cmpi sgt, %sub3A_781, %sign3A_784 : i32
      %sign3A_786 = arith.extui %sign3A_785 : i1 to i32
      %sign3A_787 = arith.constant 0 : i32
      %sign3A_788 = arith.cmpi slt, %sub3A_781, %sign3A_787 : i32
      %sign3A_789 = arith.extui %sign3A_788 : i1 to i32
      %sign3A_790 = arith.subi %sign3A_786, %sign3A_789 : i32
      %sign3A_791 = arith.constant 0 : i32
      %sign3A_792 = arith.cmpi sgt, %jit3A_782, %sign3A_791 : i32
      %sign3A_793 = arith.extui %sign3A_792 : i1 to i32
      %sign3A_794 = arith.constant 0 : i32
      %sign3A_795 = arith.cmpi slt, %jit3A_782, %sign3A_794 : i32
      %sign3A_796 = arith.extui %sign3A_795 : i1 to i32
      %sign3A_797 = arith.subi %sign3A_793, %sign3A_796 : i32
      %ne3A_798 = arith.cmpi ne, %sign3A_790, %sign3A_797 : i32
      %rem3A_799 = arith.remsi %sub3A_781, %jit3A_782 : i32
      %ne3A_800 = arith.constant 0 : i32
      %ne3A_801 = arith.cmpi ne, %rem3A_799, %ne3A_800 : i32
      %and3A_802 = arith.andi %ne3A_798, %ne3A_801 : i1
      %sub3A_803 = arith.constant 1 : i32
      %sub3A_804 = arith.subi %div3A_783, %sub3A_803 : i32
      %select_n3A_805 = arith.select %and3A_802, %sub3A_804, %div3A_783 : i32
      %mul3A_806 = arith.constant 4 : i32
      %mul3A_807 = arith.muli %select_n3A_805, %mul3A_806 : i32
      %add3A_808 = arith.constant 0 : i32
      %add3A_809 = arith.addi %mul3A_807, %add3A_808 : i32
      %mul3A_810 = arith.constant 64 : i32
      %mul3A_811 = arith.muli %add3A_809, %mul3A_810 : i32
      %add3A_812 = arith.addi %multiple_of3A, %mul3A_811 : i32
      %multiple_of3A_813 = tpu.assume_multiple %add3A_812, 8 : i32
      %dma_wait3A = arith.constant 0 : i32
      %dma_wait3A_814 = tpu.memref_slice %arg6[%multiple_of3A_813, %dma_wait3A] : memref<32768x256xf32, #tpu.memory_space<hbm>> -> memref<64x256xf32, #tpu.memory_space<hbm>>
      %dma_wait3A_815 = arith.constant 0 : i32
      %dma_wait3A_816 = tpu.memref_slice %arg6[%multiple_of3A_813, %dma_wait3A_815] : memref<32768x256xf32, #tpu.memory_space<hbm>> -> memref<64x256xf32, #tpu.memory_space<hbm>>
      tpu.wait_dma2 semaphore(%arg24 : memref<!tpu.dma_semaphore, #tpu.memory_space<semaphore_mem>>) src(%arg7 : memref<64x256xf32, #tpu.memory_space<vmem>>) dst(%dma_wait3A_816 : memref<64x256xf32, #tpu.memory_space<hbm>>)
    } else {
    }
    %gt3A_744 = arith.constant 1 : i32
    %gt3A_745 = arith.cmpi sgt, %select_n3A_56, %gt3A_744 : i32
    %convert_element_type3A_746 = arith.extui %gt3A_745 : i1 to i32
    %cond3A_747 = arith.constant 0 : i32
    %cond3A_748 = arith.cmpi ne, %convert_element_type3A_746, %cond3A_747 : i32
    scf.if %cond3A_748 {
      %sub3A_778 = arith.constant 1 : i32
      %sub3A_779 = arith.subi %select_n3A_56, %sub3A_778 : i32
      %sub3A_780 = arith.constant 1 : i32
      %sub3A_781 = arith.subi %sub3A_779, %sub3A_780 : i32
      %jit3A_782 = arith.constant 4 : i32
      %div3A_783 = arith.divsi %sub3A_781, %jit3A_782 : i32
      %sign3A_784 = arith.constant 0 : i32
      %sign3A_785 = arith.cmpi sgt, %sub3A_781, %sign3A_784 : i32
      %sign3A_786 = arith.extui %sign3A_785 : i1 to i32
      %sign3A_787 = arith.constant 0 : i32
      %sign3A_788 = arith.cmpi slt, %sub3A_781, %sign3A_787 : i32
      %sign3A_789 = arith.extui %sign3A_788 : i1 to i32
      %sign3A_790 = arith.subi %sign3A_786, %sign3A_789 : i32
      %sign3A_791 = arith.constant 0 : i32
      %sign3A_792 = arith.cmpi sgt, %jit3A_782, %sign3A_791 : i32
      %sign3A_793 = arith.extui %sign3A_792 : i1 to i32
      %sign3A_794 = arith.constant 0 : i32
      %sign3A_795 = arith.cmpi slt, %jit3A_782, %sign3A_794 : i32
      %sign3A_796 = arith.extui %sign3A_795 : i1 to i32
      %sign3A_797 = arith.subi %sign3A_793, %sign3A_796 : i32
      %ne3A_798 = arith.cmpi ne, %sign3A_790, %sign3A_797 : i32
      %rem3A_799 = arith.remsi %sub3A_781, %jit3A_782 : i32
      %ne3A_800 = arith.constant 0 : i32
      %ne3A_801 = arith.cmpi ne, %rem3A_799, %ne3A_800 : i32
      %and3A_802 = arith.andi %ne3A_798, %ne3A_801 : i1
      %sub3A_803 = arith.constant 1 : i32
      %sub3A_804 = arith.subi %div3A_783, %sub3A_803 : i32
      %select_n3A_805 = arith.select %and3A_802, %sub3A_804, %div3A_783 : i32
      %mul3A_806 = arith.constant 4 : i32
      %mul3A_807 = arith.muli %select_n3A_805, %mul3A_806 : i32
      %add3A_808 = arith.constant 1 : i32
      %add3A_809 = arith.addi %mul3A_807, %add3A_808 : i32
      %mul3A_810 = arith.constant 64 : i32
      %mul3A_811 = arith.muli %add3A_809, %mul3A_810 : i32
      %add3A_812 = arith.addi %multiple_of3A, %mul3A_811 : i32
      %multiple_of3A_813 = tpu.assume_multiple %add3A_812, 8 : i32
      %dma_wait3A = arith.constant 0 : i32
      %dma_wait3A_814 = tpu.memref_slice %arg6[%multiple_of3A_813, %dma_wait3A] : memref<32768x256xf32, #tpu.memory_space<hbm>> -> memref<64x256xf32, #tpu.memory_space<hbm>>
      %dma_wait3A_815 = arith.constant 0 : i32
      %dma_wait3A_816 = tpu.memref_slice %arg6[%multiple_of3A_813, %dma_wait3A_815] : memref<32768x256xf32, #tpu.memory_space<hbm>> -> memref<64x256xf32, #tpu.memory_space<hbm>>
      tpu.wait_dma2 semaphore(%arg25 : memref<!tpu.dma_semaphore, #tpu.memory_space<semaphore_mem>>) src(%arg8 : memref<64x256xf32, #tpu.memory_space<vmem>>) dst(%dma_wait3A_816 : memref<64x256xf32, #tpu.memory_space<hbm>>)
    } else {
    }
    %gt3A_749 = arith.constant 2 : i32
    %gt3A_750 = arith.cmpi sgt, %select_n3A_56, %gt3A_749 : i32
    %convert_element_type3A_751 = arith.extui %gt3A_750 : i1 to i32
    %cond3A_752 = arith.constant 0 : i32
    %cond3A_753 = arith.cmpi ne, %convert_element_type3A_751, %cond3A_752 : i32
    scf.if %cond3A_753 {
      %sub3A_778 = arith.constant 1 : i32
      %sub3A_779 = arith.subi %select_n3A_56, %sub3A_778 : i32
      %sub3A_780 = arith.constant 2 : i32
      %sub3A_781 = arith.subi %sub3A_779, %sub3A_780 : i32
      %jit3A_782 = arith.constant 4 : i32
      %div3A_783 = arith.divsi %sub3A_781, %jit3A_782 : i32
      %sign3A_784 = arith.constant 0 : i32
      %sign3A_785 = arith.cmpi sgt, %sub3A_781, %sign3A_784 : i32
      %sign3A_786 = arith.extui %sign3A_785 : i1 to i32
      %sign3A_787 = arith.constant 0 : i32
      %sign3A_788 = arith.cmpi slt, %sub3A_781, %sign3A_787 : i32
      %sign3A_789 = arith.extui %sign3A_788 : i1 to i32
      %sign3A_790 = arith.subi %sign3A_786, %sign3A_789 : i32
      %sign3A_791 = arith.constant 0 : i32
      %sign3A_792 = arith.cmpi sgt, %jit3A_782, %sign3A_791 : i32
      %sign3A_793 = arith.extui %sign3A_792 : i1 to i32
      %sign3A_794 = arith.constant 0 : i32
      %sign3A_795 = arith.cmpi slt, %jit3A_782, %sign3A_794 : i32
      %sign3A_796 = arith.extui %sign3A_795 : i1 to i32
      %sign3A_797 = arith.subi %sign3A_793, %sign3A_796 : i32
      %ne3A_798 = arith.cmpi ne, %sign3A_790, %sign3A_797 : i32
      %rem3A_799 = arith.remsi %sub3A_781, %jit3A_782 : i32
      %ne3A_800 = arith.constant 0 : i32
      %ne3A_801 = arith.cmpi ne, %rem3A_799, %ne3A_800 : i32
      %and3A_802 = arith.andi %ne3A_798, %ne3A_801 : i1
      %sub3A_803 = arith.constant 1 : i32
      %sub3A_804 = arith.subi %div3A_783, %sub3A_803 : i32
      %select_n3A_805 = arith.select %and3A_802, %sub3A_804, %div3A_783 : i32
      %mul3A_806 = arith.constant 4 : i32
      %mul3A_807 = arith.muli %select_n3A_805, %mul3A_806 : i32
      %add3A_808 = arith.constant 2 : i32
      %add3A_809 = arith.addi %mul3A_807, %add3A_808 : i32
      %mul3A_810 = arith.constant 64 : i32
      %mul3A_811 = arith.muli %add3A_809, %mul3A_810 : i32
      %add3A_812 = arith.addi %multiple_of3A, %mul3A_811 : i32
      %multiple_of3A_813 = tpu.assume_multiple %add3A_812, 8 : i32
      %dma_wait3A = arith.constant 0 : i32
      %dma_wait3A_814 = tpu.memref_slice %arg6[%multiple_of3A_813, %dma_wait3A] : memref<32768x256xf32, #tpu.memory_space<hbm>> -> memref<64x256xf32, #tpu.memory_space<hbm>>
      %dma_wait3A_815 = arith.constant 0 : i32
      %dma_wait3A_816 = tpu.memref_slice %arg6[%multiple_of3A_813, %dma_wait3A_815] : memref<32768x256xf32, #tpu.memory_space<hbm>> -> memref<64x256xf32, #tpu.memory_space<hbm>>
      tpu.wait_dma2 semaphore(%arg26 : memref<!tpu.dma_semaphore, #tpu.memory_space<semaphore_mem>>) src(%arg9 : memref<64x256xf32, #tpu.memory_space<vmem>>) dst(%dma_wait3A_816 : memref<64x256xf32, #tpu.memory_space<hbm>>)
    } else {
    }
    %gt3A_754 = arith.constant 3 : i32
    %gt3A_755 = arith.cmpi sgt, %select_n3A_56, %gt3A_754 : i32
    %convert_element_type3A_756 = arith.extui %gt3A_755 : i1 to i32
    %cond3A_757 = arith.constant 0 : i32
    %cond3A_758 = arith.cmpi ne, %convert_element_type3A_756, %cond3A_757 : i32
    scf.if %cond3A_758 {
      %sub3A_778 = arith.constant 1 : i32
      %sub3A_779 = arith.subi %select_n3A_56, %sub3A_778 : i32
      %sub3A_780 = arith.constant 3 : i32
      %sub3A_781 = arith.subi %sub3A_779, %sub3A_780 : i32
      %jit3A_782 = arith.constant 4 : i32
      %div3A_783 = arith.divsi %sub3A_781, %jit3A_782 : i32
      %sign3A_784 = arith.constant 0 : i32
      %sign3A_785 = arith.cmpi sgt, %sub3A_781, %sign3A_784 : i32
      %sign3A_786 = arith.extui %sign3A_785 : i1 to i32
      %sign3A_787 = arith.constant 0 : i32
      %sign3A_788 = arith.cmpi slt, %sub3A_781, %sign3A_787 : i32
      %sign3A_789 = arith.extui %sign3A_788 : i1 to i32
      %sign3A_790 = arith.subi %sign3A_786, %sign3A_789 : i32
      %sign3A_791 = arith.constant 0 : i32
      %sign3A_792 = arith.cmpi sgt, %jit3A_782, %sign3A_791 : i32
      %sign3A_793 = arith.extui %sign3A_792 : i1 to i32
      %sign3A_794 = arith.constant 0 : i32
      %sign3A_795 = arith.cmpi slt, %jit3A_782, %sign3A_794 : i32
      %sign3A_796 = arith.extui %sign3A_795 : i1 to i32
      %sign3A_797 = arith.subi %sign3A_793, %sign3A_796 : i32
      %ne3A_798 = arith.cmpi ne, %sign3A_790, %sign3A_797 : i32
      %rem3A_799 = arith.remsi %sub3A_781, %jit3A_782 : i32
      %ne3A_800 = arith.constant 0 : i32
      %ne3A_801 = arith.cmpi ne, %rem3A_799, %ne3A_800 : i32
      %and3A_802 = arith.andi %ne3A_798, %ne3A_801 : i1
      %sub3A_803 = arith.constant 1 : i32
      %sub3A_804 = arith.subi %div3A_783, %sub3A_803 : i32
      %select_n3A_805 = arith.select %and3A_802, %sub3A_804, %div3A_783 : i32
      %mul3A_806 = arith.constant 4 : i32
      %mul3A_807 = arith.muli %select_n3A_805, %mul3A_806 : i32
      %add3A_808 = arith.constant 3 : i32
      %add3A_809 = arith.addi %mul3A_807, %add3A_808 : i32
      %mul3A_810 = arith.constant 64 : i32
      %mul3A_811 = arith.muli %add3A_809, %mul3A_810 : i32
      %add3A_812 = arith.addi %multiple_of3A, %mul3A_811 : i32
      %multiple_of3A_813 = tpu.assume_multiple %add3A_812, 8 : i32
      %dma_wait3A = arith.constant 0 : i32
      %dma_wait3A_814 = tpu.memref_slice %arg6[%multiple_of3A_813, %dma_wait3A] : memref<32768x256xf32, #tpu.memory_space<hbm>> -> memref<64x256xf32, #tpu.memory_space<hbm>>
      %dma_wait3A_815 = arith.constant 0 : i32
      %dma_wait3A_816 = tpu.memref_slice %arg6[%multiple_of3A_813, %dma_wait3A_815] : memref<32768x256xf32, #tpu.memory_space<hbm>> -> memref<64x256xf32, #tpu.memory_space<hbm>>
      tpu.wait_dma2 semaphore(%arg27 : memref<!tpu.dma_semaphore, #tpu.memory_space<semaphore_mem>>) src(%arg10 : memref<64x256xf32, #tpu.memory_space<vmem>>) dst(%dma_wait3A_816 : memref<64x256xf32, #tpu.memory_space<hbm>>)
    } else {
    }
    %while3A_759 = arith.constant 0 : i32
    %while3A_760 = arith.constant 0 : i32
    %while3A_761 = arith.subi %select_n3A_131, %while3A_760 : i32
    %while3A_762 = arith.addi %while3A_760, %while3A_761 : i32
    %while3A_763 = arith.constant 1 : i32
    %while3A_764 = arith.divsi %while3A_761, %while3A_763 : i32
    %while3A_765 = arith.muli %while3A_764, %while3A_763 : i32
    %while3A_766 = arith.addi %while3A_760, %while3A_765 : i32
    %while3A_767 = arith.constant 1 : i32
    scf.for %while3A_778 = %while3A_760 to %while3A_766 step %while3A_767  : i32 {
      %mul3A_779 = arith.constant 64 : i32
      %mul3A_780 = arith.muli %while3A_778, %mul3A_779 : i32
      %add3A_781 = arith.addi %multiple_of3A_106, %mul3A_780 : i32
      %multiple_of3A_782 = tpu.assume_multiple %add3A_781, 8 : i32
      %dma_wait3A = arith.constant 0 : i32
      %dma_wait3A_783 = tpu.memref_slice %arg6[%multiple_of3A_782, %dma_wait3A] : memref<32768x256xf32, #tpu.memory_space<hbm>> -> memref<64x256xf32, #tpu.memory_space<hbm>>
      %dma_wait3A_784 = arith.constant 0 : i32
      %dma_wait3A_785 = tpu.memref_slice %arg6[%multiple_of3A_782, %dma_wait3A_784] : memref<32768x256xf32, #tpu.memory_space<hbm>> -> memref<64x256xf32, #tpu.memory_space<hbm>>
      tpu.wait_dma2 semaphore(%arg28 : memref<!tpu.dma_semaphore, #tpu.memory_space<semaphore_mem>>) src(%arg12 : memref<64x256xf32, #tpu.memory_space<vmem>>) dst(%dma_wait3A_785 : memref<64x256xf32, #tpu.memory_space<hbm>>)
    }
    %while3A_768 = arith.constant 1 : i32
    scf.for %while3A_778 = %while3A_766 to %while3A_762 step %while3A_768  : i32 {
      %mul3A_779 = arith.constant 64 : i32
      %mul3A_780 = arith.muli %while3A_778, %mul3A_779 : i32
      %add3A_781 = arith.addi %multiple_of3A_106, %mul3A_780 : i32
      %multiple_of3A_782 = tpu.assume_multiple %add3A_781, 8 : i32
      %dma_wait3A = arith.constant 0 : i32
      %dma_wait3A_783 = tpu.memref_slice %arg6[%multiple_of3A_782, %dma_wait3A] : memref<32768x256xf32, #tpu.memory_space<hbm>> -> memref<64x256xf32, #tpu.memory_space<hbm>>
      %dma_wait3A_784 = arith.constant 0 : i32
      %dma_wait3A_785 = tpu.memref_slice %arg6[%multiple_of3A_782, %dma_wait3A_784] : memref<32768x256xf32, #tpu.memory_space<hbm>> -> memref<64x256xf32, #tpu.memory_space<hbm>>
      tpu.wait_dma2 semaphore(%arg28 : memref<!tpu.dma_semaphore, #tpu.memory_space<semaphore_mem>>) src(%arg12 : memref<64x256xf32, #tpu.memory_space<vmem>>) dst(%dma_wait3A_785 : memref<64x256xf32, #tpu.memory_space<hbm>>)
    }
    %convert_element_type3A_769 = arith.extui %eq3A_314 : i1 to i32
    %cond3A_770 = arith.constant 0 : i32
    %cond3A_771 = arith.cmpi ne, %convert_element_type3A_769, %cond3A_770 : i32
    scf.if %cond3A_771 {
      %dma_wait3A = arith.constant 0 : i32
      %dma_wait3A_778 = arith.constant 0 : i32
      %dma_wait3A_779 = tpu.memref_slice %arg12[%dma_wait3A, %dma_wait3A_778] : memref<64x256xf32, #tpu.memory_space<vmem>> -> memref<32x256xf32, #tpu.memory_space<vmem>>
      %dma_wait3A_780 = arith.constant 0 : i32
      %dma_wait3A_781 = tpu.memref_slice %arg6[%multiple_of3A_312, %dma_wait3A_780] : memref<32768x256xf32, #tpu.memory_space<hbm>> -> memref<32x256xf32, #tpu.memory_space<hbm>>
      %dma_wait3A_782 = arith.constant 0 : i32
      %dma_wait3A_783 = tpu.memref_slice %arg6[%multiple_of3A_312, %dma_wait3A_782] : memref<32768x256xf32, #tpu.memory_space<hbm>> -> memref<32x256xf32, #tpu.memory_space<hbm>>
      %dma_wait3A_784 = arith.constant 0 : i32
      %dma_wait3A_785 = arith.constant 0 : i32
      %dma_wait3A_786 = tpu.memref_slice %arg12[%dma_wait3A_784, %dma_wait3A_785] : memref<64x256xf32, #tpu.memory_space<vmem>> -> memref<32x256xf32, #tpu.memory_space<vmem>>
      tpu.wait_dma2 semaphore(%arg28 : memref<!tpu.dma_semaphore, #tpu.memory_space<semaphore_mem>>) src(%dma_wait3A_786 : memref<32x256xf32, #tpu.memory_space<vmem>>) dst(%dma_wait3A_783 : memref<32x256xf32, #tpu.memory_space<hbm>>)
    } else {
    }
    %convert_element_type3A_772 = arith.extui %eq3A_360 : i1 to i32
    %cond3A_773 = arith.constant 0 : i32
    %cond3A_774 = arith.cmpi ne, %convert_element_type3A_772, %cond3A_773 : i32
    scf.if %cond3A_774 {
      %dma_wait3A = arith.constant 0 : i32
      %dma_wait3A_778 = arith.constant 0 : i32
      %dma_wait3A_779 = tpu.memref_slice %arg12[%dma_wait3A, %dma_wait3A_778] : memref<64x256xf32, #tpu.memory_space<vmem>> -> memref<16x256xf32, #tpu.memory_space<vmem>>
      %dma_wait3A_780 = arith.constant 0 : i32
      %dma_wait3A_781 = tpu.memref_slice %arg6[%multiple_of3A_358, %dma_wait3A_780] : memref<32768x256xf32, #tpu.memory_space<hbm>> -> memref<16x256xf32, #tpu.memory_space<hbm>>
      %dma_wait3A_782 = arith.constant 0 : i32
      %dma_wait3A_783 = tpu.memref_slice %arg6[%multiple_of3A_358, %dma_wait3A_782] : memref<32768x256xf32, #tpu.memory_space<hbm>> -> memref<16x256xf32, #tpu.memory_space<hbm>>
      %dma_wait3A_784 = arith.constant 0 : i32
      %dma_wait3A_785 = arith.constant 0 : i32
      %dma_wait3A_786 = tpu.memref_slice %arg12[%dma_wait3A_784, %dma_wait3A_785] : memref<64x256xf32, #tpu.memory_space<vmem>> -> memref<16x256xf32, #tpu.memory_space<vmem>>
      tpu.wait_dma2 semaphore(%arg28 : memref<!tpu.dma_semaphore, #tpu.memory_space<semaphore_mem>>) src(%dma_wait3A_786 : memref<16x256xf32, #tpu.memory_space<vmem>>) dst(%dma_wait3A_783 : memref<16x256xf32, #tpu.memory_space<hbm>>)
    } else {
    }
    %convert_element_type3A_775 = arith.extui %eq3A_406 : i1 to i32
    %cond3A_776 = arith.constant 0 : i32
    %cond3A_777 = arith.cmpi ne, %convert_element_type3A_775, %cond3A_776 : i32
    scf.if %cond3A_777 {
      %dma_wait3A = arith.constant 0 : i32
      %dma_wait3A_778 = arith.constant 0 : i32
      %dma_wait3A_779 = tpu.memref_slice %arg12[%dma_wait3A, %dma_wait3A_778] : memref<64x256xf32, #tpu.memory_space<vmem>> -> memref<8x256xf32, #tpu.memory_space<vmem>>
      %dma_wait3A_780 = arith.constant 0 : i32
      %dma_wait3A_781 = tpu.memref_slice %arg6[%multiple_of3A_404, %dma_wait3A_780] : memref<32768x256xf32, #tpu.memory_space<hbm>> -> memref<8x256xf32, #tpu.memory_space<hbm>>
      %dma_wait3A_782 = arith.constant 0 : i32
      %dma_wait3A_783 = tpu.memref_slice %arg6[%multiple_of3A_404, %dma_wait3A_782] : memref<32768x256xf32, #tpu.memory_space<hbm>> -> memref<8x256xf32, #tpu.memory_space<hbm>>
      %dma_wait3A_784 = arith.constant 0 : i32
      %dma_wait3A_785 = arith.constant 0 : i32
      %dma_wait3A_786 = tpu.memref_slice %arg12[%dma_wait3A_784, %dma_wait3A_785] : memref<64x256xf32, #tpu.memory_space<vmem>> -> memref<8x256xf32, #tpu.memory_space<vmem>>
      tpu.wait_dma2 semaphore(%arg28 : memref<!tpu.dma_semaphore, #tpu.memory_space<semaphore_mem>>) src(%dma_wait3A_786 : memref<8x256xf32, #tpu.memory_space<vmem>>) dst(%dma_wait3A_783 : memref<8x256xf32, #tpu.memory_space<hbm>>)
    } else {
    }
    return
  }
}

</mosaic_0001>

<sc_bundles>
// kernel: kernel.3.cloned.1.call-start
scs
__scs_entry_jumppad:
0x0: {  	(pc) =	sbr.rel $0x88, $3  }
0x1: {  	(tag) =	ssettag $0x0;
	lr =	simm.s32 $0x1  }
0x2: {  	[smem:$0x3F9F] =	sst lr;
	_ =	strace $0xD0000000  }
0x3: {  	_ = 	snop  }
0x4: {  	_ = 	snop  }
0x5: {  	_ = 	snop  }
0x6: {  	_ = 	snop  }
0x7: {  	_ = 	snop  }
__scs_overlays_trampoline_lowered:
0x8: {  	[smem:$0x3FAE] =	sst s0  }
0x9: {  	[smem:$0x3FAF] =	sst s1  }
0xa: {  	[smem:$0x3FB0] =	sst s2  }
0xb: {  	[smem:$0x3FB1] =	sst s3  }
0xc: {  	[smem:$0x3FB2] =	sst s4  }
0xd: {  	[smem:$0x3FB3] =	sst s5  }
0xe: {  	[smem:$0x3FB4] =	sst s6  }
0xf: {  	[smem:$0x3FB5] =	sst s7  }
0x10: {  	[smem:$0x3FB6] =	sst s8  }
0x11: {  	[smem:$0x3FB7] =	sst s9;
	s0 =	simm.s32 @!p0 $0x0  }
0x12: {  	s1 =	sld [smem:$0x3F9D];
	s0 =	simm.s32 @p0 $0x1  }
0x13: {  	[smem:$0x3FB8] =	sst s0;
	s0 =	simm.s32 @!p1 $0x0  }
0x14: {  	s2 =	sld [smem:$0x3F9C];
	s0 =	simm.s32 @p1 $0x1  }
0x15: {  	[smem:$0x3FB9] =	sst s0;
	s0 =	simm.s32 @!p2 $0x0  }
0x16: {  	s3 =	sld [smem:$0x3FDB];
	s0 =	simm.s32 @p2 $0x1  }
0x17: {  	s4 =	simm.s32 $0x1BF5;
	[smem:$0x3FBB] =	sst s0  }
0x18: {  	s0 =	sld [smem:$0x3F9E];
	_ =	swait.ge [sflag:s4], $0x0  }
0x19: {  	s7 =	sld [smem:$0x3F9F]  }
0x1a: {  	s8 =	sadd.s32 $0xFFFFE003, lr  }
0x1b: {  	s9 =	sadd.s32 $0xFFFFFEF7, lr;
	s5 =	simm.s32 $0xFFFFFFFF;
	p2 =	slt.u32 s8, $0xFFFFF086  }
0x1c: {  	p1 =	slt.u32 s9, $0xF7A;
	s5 =	simm.s32 @!p2 $0x0  }
0x1d: {  	s5 =	simm.s32 @p1 $0x1;
	p0 =	seq.s32 s7, s2  }
0x1e: {  	s7 =	smul.u32 @!p0 $0xF7A, s2;
	p2 =	seq.s32 @!p0 s5, $0x0  }
0x1f: {  	s9 =	smul.u32 $0xF7A, s1;
	s8 =	simm.s32 @!p0 $0x1BF5;
	p2 =	por !p2, p0  }
0x20: {  	[sflag:s8] =	ssyncset.s32 @!p0 $0xFFFFF086;
	s6 =	sadd.s32 @!p0 s3, s7;
	s7 =	simm.s32 @!p0 $0x108  }
0x21: {  	s3 =	sadd.s32 s3, s9;
	s6 =	sadd.s32 @!p0 $0x88, s6;
	s7 =	simm.s32 @p2 $0x1082  }
0x22: {  	[simem:s7], [sflag:s8] =	dma.local @!p0 [hbm:s6], $0xF7A  }
0x23: {  	s9 =	sor.u32 $0xD0000000, s2;
	s6 =	simm.s32 $0x108;
	_ =	swait.ge @!p0 [sflag:s8], $0x0  }
0x24: {  	s3 =	sadd.s32 $0x88, s3;
	s6 =	simm.s32 @!p1 $0x1082;
	[sflag:s4] =	ssyncset.s32 $0xFFFFF086  }
0x25: {  	[simem:s6], [sflag:s4] =	dma.local [hbm:s3], $0xF7A  }
0x26: {  	[smem:$0x3F9F] =	sst s1;
	(tag) =	ssettag s2;
	_ =	strace s9  }
0x27: {  	s1 =	sld [smem:$0x3FAF]  }
0x28: {  	s2 =	sld [smem:$0x3FB0]  }
0x29: {  	s4 =	sld [smem:$0x3FB2]  }
0x2a: {  	p0 =	seq.s32 s5, $0x0;
	s5 =	sld [smem:$0x3FB3]  }
0x2b: {  	s6 =	sld [smem:$0x3FB4]  }
0x2c: {  	s7 =	sld [smem:$0x3FB5]  }
0x2d: {  	s3 =	simm.s32 $0x108;
	s8 =	sld [smem:$0x3FB6]  }
0x2e: {  	s3 =	simm.s32 @!p0 $0x1082;
	s9 =	sld [smem:$0x3FB7]  }
0x2f: {  	lr =	sadd.s32 s0, s3;
	s0 =	sld [smem:$0x3FAE]  }
0x30: {  	s3 =	sld [smem:$0x3FB1]  }
0x31: {  	[smem:$0x3FBA] =	sst s10  }
0x32: {  	s10 =	sld [smem:$0x3FB8];
	_ =	sdelay $0x3  }
0x33: {  	p0 =	seq.s32 s10, $0x1;
	s10 =	sld [smem:$0x3FBA];
	_ =	sdelay $0x3  }
0x34: {  	[smem:$0x3FBA] =	sst s10  }
0x35: {  	s10 =	sld [smem:$0x3FB9];
	_ =	sdelay $0x3  }
0x36: {  	p1 =	seq.s32 s10, $0x1;
	s10 =	sld [smem:$0x3FBA];
	_ =	sdelay $0x3  }
0x37: {  	[smem:$0x3FBA] =	sst s10  }
0x38: {  	s10 =	sld [smem:$0x3FBB]  }
0x39: {  	_ = 	snop;
	(pc) =	sbr.ind lr, $3  }
0x3a: {  	_ = 	snop  }
0x3b: {  	_ = 	snop  }
0x3c: {  	p2 =	seq.s32 s10, $0x1;
	s10 =	sld [smem:$0x3FBA]  }
0x3d: {  	_ =	shalt  }
0x3e: {  	_ =	shalt  }
0x3f: {  	_ =	shalt  }
0x40: {  	_ =	shalt  }
0x41: {  	_ =	shalt  }
0x42: {  	_ =	shalt  }
0x43: {  	_ =	shalt  }
0x44: {  	_ =	shalt  }
0x45: {  	_ =	shalt  }
0x46: {  	_ =	shalt  }
0x47: {  	_ =	shalt  }
0x48: {  	_ =	shalt  }
0x49: {  	_ =	shalt  }
0x4a: {  	_ =	shalt  }
0x4b: {  	_ =	shalt  }
0x4c: {  	_ =	shalt  }
0x4d: {  	_ =	shalt  }
0x4e: {  	_ =	shalt  }
0x4f: {  	_ =	shalt  }
0x50: {  	_ =	shalt  }
0x51: {  	_ =	shalt  }
0x52: {  	_ =	shalt  }
0x53: {  	_ =	shalt  }
0x54: {  	_ =	shalt  }
0x55: {  	_ =	shalt  }
0x56: {  	_ =	shalt  }
0x57: {  	_ =	shalt  }
0x58: {  	_ =	shalt  }
0x59: {  	_ =	shalt  }
0x5a: {  	_ =	shalt  }
0x5b: {  	_ =	shalt  }
0x5c: {  	_ =	shalt  }
0x5d: {  	_ =	shalt  }
0x5e: {  	_ =	shalt  }
0x5f: {  	_ =	shalt  }
0x60: {  	_ =	shalt  }
0x61: {  	_ =	shalt  }
0x62: {  	_ =	shalt  }
0x63: {  	_ =	shalt  }
0x64: {  	_ =	shalt  }
0x65: {  	_ =	shalt  }
0x66: {  	_ =	shalt  }
0x67: {  	_ =	shalt  }
0x68: {  	_ =	shalt  }
0x69: {  	_ =	shalt  }
0x6a: {  	_ =	shalt  }
0x6b: {  	_ =	shalt  }
0x6c: {  	_ =	shalt  }
0x6d: {  	_ =	shalt  }
0x6e: {  	_ =	shalt  }
0x6f: {  	_ =	shalt  }
0x70: {  	_ =	shalt  }
0x71: {  	_ =	shalt  }
0x72: {  	_ =	shalt  }
0x73: {  	_ =	shalt  }
0x74: {  	_ =	shalt  }
0x75: {  	_ =	shalt  }
0x76: {  	_ =	shalt  }
0x77: {  	_ =	shalt  }
0x78: {  	_ =	shalt  }
0x79: {  	_ =	shalt  }
0x7a: {  	_ =	shalt  }
0x7b: {  	_ =	shalt  }
0x7c: {  	_ =	shalt  }
0x7d: {  	_ =	shalt  }
0x7e: {  	_ =	shalt  }
0x7f: {  	_ =	shalt  }
0x80: {  	_ =	shalt  }
0x81: {  	_ =	shalt  }
0x82: {  	_ =	shalt  }
0x83: {  	_ =	shalt  }
0x84: {  	_ =	shalt  }
0x85: {  	_ =	shalt  }
0x86: {  	_ =	shalt  }
0x87: {  	_ =	shalt  }
.Lfunc_end0:
.L_simem_size_0:
called_computation_lowered:
.L_overlay_start_0:
0x88: {  	s2 =	sld [smem:$0x3FD9]  }
0x89: {  	s3 =	sld [smem:$0x3FFE];
	_ =	sdelay $0x1  }
0x8a: {  	s1 =	srdreg.scid  }
0x8b: {  	s0 =	sand.u32 $0x1, s1  }
0x8c: {  	s14 =	sshll.u32 s0, $0xA;
	s2 =	sadd.s32 s3, s2  }
0x8d: {  	s2 =	sadd.s32 s2, s14  }
0x8e: {  	[smem:$0x3FC6] =	sst s2  }
0x8f: {  	_ = 	snop  }
0x90: {  	s2 =	sld [smem:$0x3FD0];
	_ =	sdelay $0x2  }
0x91: {  	s4 =	simm.s32 $0xA;
	s5 =	simm.s32 $0x10;
	s15 =	sld [smem:$0x3FC9]  }
0x92: {  	[smem:s5], [sflag:s4] =	dma.local [hbm:s2], $0x1  }
0x93: {  	_ =	swait.eq [sflag:s4], $0x1  }
0x94: {  	[sflag:s4] =	ssyncset.done $0x0  }
0x95: {  	s16 =	sld [smem:$0x10];
	[sflag:s4] =	ssyncadd.s32 $0xFFFFFFFF  }
0x96: {  	s17 =	sld [smem:$0x11];
	(tm) =	ssettm $0x1  }
0x97: {  	s18 =	sld [smem:$0x3FFB];
	_ =	sdelay $0x3  }
0x98: {  	_ =	strace s18  }
0x99: {  	s5 =	sld [smem:$0x3FFC];
	_ =	sdelay $0x3  }
0x9a: {  	_ =	strace s5  }
0x9b: {  	s5 =	sld [smem:$0x3FFD];
	_ =	sdelay $0x3  }
0x9c: {  	_ =	strace s5  }
0x9d: {  	_ =	strace $0x8FFFFFFF  }
0x9e: {  	s19 =	sld [smem:$0x3FDB];
	_ =	sdelay $0x1  }
0x9f: {  	s6 =	simm.s32 $_scs_section_size  }
0xa0: {  	s7 =	simm.s32 $_size__tile_overlayer_lowered;
	s8 =	simm.s32 $_tile_overlayer_lowered  }
0xa1: {  	s22 =	simm.s32 $0x1BFF;
	s21 =	sshll.u32 s8, $0x1;
	s5 =	sadd.s32 s6, s19  }
0xa2: {  	s9 =	simm.s32 $0x0;
	s20 =	sshll.u32 s7, $0x1;
	s7 =	sadd.s32 s21, s5  }
0xa3: {  	[timem:s9], [sflag:s22] =	dma.local [hbm:s7], s20  }
0xa4: {  	_ =	swait.ge [sflag:s22], s20  }
0xa5: {  	s6 =	ssub.s32 $0x0, s20;
	[sflag:s22] =	ssyncset.done $0x0  }
0xa6: {  	[sflag:s22] =	ssyncadd.s32 s6;
	_ =	sdelay $0x1  }
0xa7: {  	s23 =	simm.s32 $0x1B8B  }
0xa8: {  	_ =	swait.ge [sflag:s23], $0x1  }
0xa9: {  	[sflag:s23] =	ssyncset.done $0x0  }
0xaa: {  	s25 =	simm.s32 $0x1B8E;
	s24 =	sld [smem:$0x3FFE];
	[sflag:s23] =	ssyncadd.s32 $0xFFFFFFFF  }
0xab: {  	s26 =	simm.s32 $execute0_lowered;
	[smem:$0x3FD2] =	sst s25  }
0xac: {  	s7 =	sshll.u32 s26, $0x1;
	_ =	strace $0x80000046;
	[dreg:$0x1] =	wrdreg $0xFFFFFFFF  }
0xad: {  	s28 =	simm.s32 $_size_execute0_lowered;
	s5 =	sadd.s32 s5, s7;
	[dreg:$0x0] =	wrdreg $0x0  }
0xae: {  	s7 =	sshll.u32 s28, $0x1;
	[dreg:$0x2] =	wrdreg s5  }
0xaf: {  	[dreg:$0x3] =	wrdreg s7  }
0xb0: {  	[dreg:$0x4] =	wrdreg $0xC0  }
0xb1: {  	_ =	task [dreg:s9], $0x5FFFF  }
0xb2: {  	[dreg:$0x1] =	wrdreg $0xFFFFFFFF  }
0xb3: {  	[dreg:$0x0] =	wrdreg $0x60  }
0xb4: {  	[dreg:$0x2] =	wrdreg s15  }
0xb5: {  	[dreg:$0x3] =	wrdreg s24  }
0xb6: {  	[dreg:$0x4] =	wrdreg s17  }
0xb7: {  	[dreg:$0x5] =	wrdreg s16  }
0xb8: {  	[dreg:$0x6] =	wrdreg $0x9  }
0xb9: {  	_ =	task.clear_ibuf [dreg:s9], $0x7FFFF;
	_ =	strace $0x90000046  }
0xba: {  	s29 =	simm.s32 $0x9;
	_ =	strace $0x80000048  }
0xbb: {  	_ =	swait.ge [sflag:s29], $0x1  }
0xbc: {  	[sflag:s29] =	ssyncadd.s32 $0xFFFFFFFF  }
0xbd: {  	_ =	strace $0x90000048  }
0xbe: {  	_ =	sfence  }
0xbf: {  	s30 =	sld [smem:$0x0];
	_ =	sdelay $0x2  }
0xc0: {  	s31 =	sshll.u32 s1, $0xD;
	s1 =	sshrl.u32 s1, $0x2  }
0xc1: {  	s3 =	sand.u32 $0x4000, s31;
	s1 =	sadd.s32 s1, s30  }
0xc2: {  	s0 =	sor.u32 s3, s0;
	s1 =	sshll.u32 s1, $0x11  }
0xc3: {  	s0 =	sor.u32 s1, s0  }
0xc4: {  	s0 =	sadd.s32 $0x8F2B, s0  }
0xc5: {  	[sflag:s0] =	ssyncadd.remote.s32 $0x1  }
0xc6: {  	_ =	sfence.sel $0xFFFF  }
0xc7: {  	[dreg:$0x0] =	wrdreg $0xFFFFFFFF;
	(pc) =	sbr.abs _section_cstart, $3  }
0xc8: {  	[dreg:$0x1] =	wrdreg $0xFFFFFFFF  }
0xc9: {  	_ =	task.clear_ibuf [dreg:s9], $0x2FFFF;
	_ =	strace $0x9FFFFFFF  }
0xca: {  	(tm) =	ssettm $0x7FFFFFFF  }
0xcb: {  	_ =	shalt  }
tec
execute0_lowered:
.L_overlay_start_1:
0x0: {  	(tag) =	ssettag $0x1  }
0x1: {  	s1 =	rddreg [dreg:$0x0]  }
0x2: {  	s0 =	rddreg [dreg:$0x1]  }
0x3: {  	s3 =	rddreg [dreg:$0x3];
	s5 =	simm.s32 $0x0  }
0x4: {  	s2 =	srdreg.scid;
	s7 =	stileid.u32;
	s16 =	simm.s32 $0x14000  }
0x5: {  	s17 =	simm.s32 $0x1;
	s18 =	simm.s32 $0x2;
	s19 =	simm.s32 $0x3  }
0x6: {  	s29 =	simm.s32 $0x4000;
	s30 =	simm.s32 $0x8000;
	s31 =	simm.s32 $0xC000  }
0x7: {  	[smem:$0x7FF] =	sst s5;
	s4 =	sand.u32 $0x1, s2;
	s6 =	sadd.s32 $0x600, s0  }
0x8: {  	s20 =	sadd.s32 s2, s7;
	s0 =	sadd.s32 $0x800, s0;
	s22 =	sshll.u32 s7, $0xB  }
0x9: {  	s2 =	sxor.u32 s2, s7;
	_ =	strace $0x80000047;
	[dreg:$0x8] =	wrdreg s6  }
0xa: {  	s23 =	sshll.u32 s7, $0x13;
	s10 =	sshll.u32 s7, $0x10;
	[dreg:$0x9] =	wrdreg s0  }
0xb: {  	s4 =	ssub.s32 $0x2, s4;
	s6 =	sshll.u32 s20, $0xA;
	[dreg:$0x5] =	wrdreg s29  }
0xc: {  	s2 =	sand.u32 $0x1, s2;
	s25 =	sadd.s32 s10, s3;
	[dreg:$0x6] =	wrdreg s30  }
0xd: {  	s20 =	simm.s32 $0x4;
	[dreg:$0x7] =	wrdreg s31;
	s21 =	sshrl.u32 s4, $0x1  }
0xe: {  	s8 =	sand.u32 $0x400, s6;
	s24 =	sshll.u32 s2, $0x12;
	s2 =	sshll.u32 s2, $0xF  }
0xf: {  	s0 =	ssub.s32 s4, s21;
	s9 =	sor.u32 s22, s8;
	s4 =	sor.u32 s24, s23  }
.Ltmp0:
0x10: {  	s2 =	sadd.s32 s2, s25;
	s21 =	simm.s32 $0x5;
	(pc) =	sbr.rel .LBB2_1-.Ltmp0, $4  }
0x11: {  	s22 =	simm.s32 $0x6;
	s23 =	simm.s32 $0x7;
	s0 =	smax.u32 s0, $0x1  }
0x12: {  	s4 =	sshrl.u32 s4, $0x3;
	s28 =	sadd.s32 $0x1800, s2;
	[dreg:$0xa] =	wrdreg s0  }
0x13: {  	v0 =	vlaneseq.u32;
	v1 =	vmov s7;
	s24 =	simm.s32 $0xC;
	s26 =	sadd.s32 s4, s3;
	[dreg:$0xc] =	wrdreg s28  }
0x14: {  	vm0 =	veq.s32 v1, v0;
	v1 =	vimm.f32 $0.0e+00;
	s25 =	simm.s32 $0x0;
	s10 =	sshll.u32 s9, $0x8;
	[dreg:$0xb] =	wrdreg s26  }
.LBB2_19:
0x15: {  	[sflag:s24] =	ssyncadd.s32 $0xFFFFC000  }
.LBB2_20:
0x16: {  	s0 =	sld [smem:$0x7FA];
	_ =	sdelay $0x2  }
0x17: {  	p0 =	seq.s32 s0, $0x1  }
0x18: {  	s0 =	simm.s32 @!p0 $0xC  }
0x19: {  	_ =	swait.ge @!p0 [sflag:s0], $0x2000  }
0x1a: {  	s31 =	sld [smem:$0x7FB];
	_ =	sdelay $0x1  }
0x1b: {  	[sflag:s0] =	ssyncset.done @!p0 $0x0  }
0x1c: {  	[sflag:s0] =	ssyncadd.s32 @!p0 $0xFFFFE000;
	p0 =	seq.s32 s31, $0x1  }
0x1d: {  	s0 =	simm.s32 @!p0 $0xC  }
0x1e: {  	_ =	swait.ge @!p0 [sflag:s0], $0x1000  }
0x1f: {  	[sflag:s0] =	ssyncset.done @!p0 $0x0  }
0x20: {  	[sflag:s0] =	ssyncadd.s32 @!p0 $0xFFFFF000;
	s0 =	simm.s32 @!p4 $0xC  }
0x21: {  	_ =	swait.ge @!p4 [sflag:s0], $0x800  }
0x22: {  	s25 =	sadd.s32 $0x1, s25;
	s2 =	rddreg [dreg:$0xa]  }
0x23: {  	p0 =	sne.s32 s25, s2  }
.Ltmp1:
0x24: {  	_ = 	snop;
	(pc) =	sbr.rel @!p0 .LBB2_21-.Ltmp1, $3  }
0x25: {  	_ =	sdelay $0x1  }
0x26: {  	[sflag:s0] =	ssyncset.done @!p4 $0x0  }
0x27: {  	[sflag:s0] =	ssyncadd.s32 @!p4 $0xFFFFF800  }
.LBB2_1:
0x28: {  	s0 =	rddreg [dreg:$0x8];
	s2 =	simm.s32 $0x18880  }
0x29: {  	[tilespmem:s2], [sflag:$0x1] =	stream.linear.gather [hbm4b:s0+s5], $0x80, $0x38;
	[tilespmem:$0x18980] =	vst v63  }
0x2a: {  	s26 =	rddreg [dreg:$0x2];
	s28 =	simm.s32 $0x18900  }
0x2b: {  	[tilespmem:s28], [sflag:$0x2] =	stream.linear.gather [hbm4b:s26+s5], $0x80, $0x38;
	[tilespmem:$0x18980] =	vst v63  }
0x2c: {  	s29 =	rddreg [dreg:$0x9]  }
0x2d: {  	[tilespmem:s16], [sflag:$0x3] =	stream.linear.gather [hbm4b:s29+s5], $0x4000, $0x38;
	[tilespmem:$0x18980] =	vst v63  }
0x2e: {  	_ =	swait.ge [sflag:s17], $0x80  }
0x2f: {  	[sflag:s17] =	ssyncset.done $0x0  }
0x30: {  	[sflag:s17] =	ssyncadd.s32 $0xFFFFFF80  }
0x31: {  	_ =	swait.ge [sflag:s18], $0x80  }
0x32: {  	[sflag:s18] =	ssyncset.done $0x0  }
0x33: {  	[sflag:s18] =	ssyncadd.s32 $0xFFFFFF80  }
0x34: {  	v2 =	vld [tilespmem:$0x18880];
	_ =	sdelay $0x4  }
0x35: {  	v2 =	vnsel vm0, $0x0, v2  }
0x36: {  	(xrf0) =	vadd.scan.msk.s32 $0xffff, v2;
	_ =	sdelay $0x5  }
0x37: {  	v2, _, _ =	vpop (xrf0)  }
0x38: {  	(v2sf) =	vpush v2, $0xF;
	_ =	sdelay $0xe  }
0x39: {  	s30 =	spop (v2sf)  }
0x3a: {  	s0 =	sadd.s32 s8, s30  }
0x3b: {  	s31 =	sadd.s32 $0x0, s0  }
0x3c: {  	s4 =	sadd.s32 $0x10, s31;
	s6 =	sadd.s32 $0x30, s31  }
0x3d: {  	v2 =	vadd.s32 s31, v0;
	s2 =	sadd.s32 $0x20, s31;
	v3 =	vadd.s32 s4, v0;
	v4 =	vadd.s32 s6, v0  }
0x3e: {  	v6 =	vadd.s32 s2, v0;
	vm4 =	vlt.s32 v2, $0x3FFF;
	vm2 =	vlt.s32 v4, $0x3FFF  }
0x3f: {  	s6 =	simm.s32 $0x18020;
	vm1 =	vlt.s32 v3, $0x3FFF;
	vm3 =	vlt.s32 v6, $0x3FFF;
	v7 =	vnsel vm2, $0x3FFF, v4  }
0x40: {  	v5 =	vld [tilespmem:$0x18900];
	s2 =	simm.s32 $0x40;
	v2 =	vnsel vm4, $0x3FFF, v2;
	v4 =	vnsel vm1, $0x3FFF, v3;
	v3 =	vnsel vm3, $0x3FFF, v6;
	[tilespmem:s6+$0x10] =	vst v7  }
.LBB2_2:
0x41: {  	s4 =	sadd.s32 s2, s0  }
0x42: {  	p0 =	sne.s32 s2, $0x3C0;
	s2 =	sadd.s32 $0x40, s2;
	[tilespmem:s6+$0xFFFFFFF0] =	vst v4;
	s12 =	sadd.s32 $0x10, s4  }
.Ltmp2:
0x43: {  	v6 =	vadd.s32 s4, v0;
	s13 =	sadd.s32 $0x20, s4;
	s4 =	sadd.s32 $0x30, s4;
	[tilespmem:s6+$0x0] =	vst v3;
	(pc) =	sbr.rel @p0 .LBB2_2-.Ltmp2, $4  }
0x44: {  	v3 =	vadd.s32 s12, v0;
	v7 =	vadd.s32 s13, v0;
	v8 =	vadd.s32 s4, v0;
	[tilespmem:s6+$0xFFFFFFE0] =	vst v2  }
0x45: {  	vm1 =	vlt.s32 v3, $0x3FFF;
	vm2 =	vlt.s32 v7, $0x3FFF;
	vm3 =	vlt.s32 v8, $0x3FFF  }
0x46: {  	vm4 =	vlt.s32 v6, $0x3FFF;
	s6 =	sadd.s32 $0x80, s6;
	v4 =	vnsel vm1, $0x3FFF, v3;
	v8 =	vnsel vm3, $0x3FFF, v8  }
0x47: {  	v2 =	vnsel vm4, $0x3FFF, v6;
	v3 =	vnsel vm2, $0x3FFF, v7;
	[tilespmem:s6+$0x10] =	vst v8  }
0x48: {  	v5 =	vnsel vm0, $0x0, v5  }
0x49: {  	(xrf0) =	vadd.scan.msk.s32 $0xffff, v5;
	_ =	sdelay $0x5  }
0x4a: {  	v5, _, _ =	vpop (xrf0)  }
0x4b: {  	(v2sf) =	vpush v5, $0xF;
	_ =	sdelay $0xe  }
0x4c: {  	s2 =	spop (v2sf)  }
0x4d: {  	s2 =	ssub.s32 s2, s8  }
0x4e: {  	p0 =	sgt.s32 s2, $0x0  }
0x4f: {  	p1 =	slt.s32 s2, $0x1;
	s2 =	simm.s32 @!p0 $0x0  }
0x50: {  	s29 =	smin.u32 s2, $0x400  }
0x51: {  	s28 =	sand.u32 $0x3F, s29  }
0x52: {  	p5 =	sne.s32 s28, $0x0  }
0x53: {  	p0 =	por !p1, !p5  }
0x54: {  	s4 =	simm.s32 $0x1;
	p2 =	por !p0, !p0  }
0x55: {  	s2 =	sshrl.u32 s29, $0x6;
	s4 =	simm.s32 @!p2 $0x0  }
0x56: {  	s26 =	ssub.s32 s2, s4  }
0x57: {  	s4 =	sshll.u32 s26, $0x6  }
0x58: {  	s12 =	sadd.s32 s0, s4  }
0x59: {  	s0 =	sadd.s32 $0x30, s12  }
0x5a: {  	v63 =	vadd.s32 s0, v0  }
0x5b: {  	vm1 =	vlt.s32 v63, $0x3FFF  }
0x5c: {  	v5 =	vnsel vm1, $0x3FFF, v63  }
0x5d: {  	(xrf0) =	vadd.scan.msk.s32 $0xffff, v5;
	_ =	sdelay $0x5  }
0x5e: {  	v6, _, _ =	vpop (xrf0)  }
0x5f: {  	(v2sf) =	vpush v6, $0xF;
	_ =	sdelay $0xd  }
0x60: {  	[tilespmem:s6+$0xFFFFFFF0] =	vst v4  }
0x61: {  	[tilespmem:s6+$0x0] =	vst v3;
	p1 =	slt.s32 s26, $0x1;
	s0 =	spop (v2sf)  }
0x62: {  	[tilespmem:s6+$0xFFFFFFE0] =	vst v2;
	s6 =	simm.s32 @!p1 $0x0;
	p0 =	slt.s32 @!p1 s0, $0x0  }
0x63: {  	s6 =	simm.s32 @p1 $0x1;
	p1 =	por p0, p1  }
0x64: {  	v2 =	vld @!p1 [tilespmem:$0x18000];
	_ =	sdelay $0x4  }
0x65: {  	v4 =	vshll.u32 @!p1 v2, $0x1  }
0x66: {  	v6 =	vlaneseq.u32 @!p1;
	v2 =	vand.u32 @!p1 $0x7, v2;
	v4 =	vand.u32 @!p1 $0xFFFFFFF0, v4  }
0x67: {  	v7 =	vshrl.u32 @!p1 v6, $0x3;
	v2 =	vor.u32 @!p1 v2, v4;
	v4 =	vand.u32 @!p1 $0x7, v6  }
0x68: {  	s14 =	sadd.s32 $0x10, s12;
	v7 =	vmul.u32 @!p1 $0x8, v7;
	v9 =	vperm.xlane @!p1 v2, v4  }
0x69: {  	v3 =	vadd.s32 s12, v0;
	v8 =	vadd.s32 s14, v0;
	v6 =	vor.u32 @!p1 $0x8, v6  }
0x6a: {  	s15 =	sadd.s32 $0x20, s12;
	vm1 =	vlt.s32 v3, $0x3FFF;
	v2 =	vperm.xlane @!p1 v2, v6;
	v9 =	vadd.s32 @!p1 v7, v9  }
0x6b: {  	v10 =	vadd.s32 s15, v0;
	v3 =	vnsel vm1, $0x3FFF, v3;
	vm1 =	vlt.s32 v8, $0x3FFF;
	[tilespmem:$0x18830] =	vst v5  }
0x6c: {  	[tilespmem:$0x18800] =	vst v3;
	v3 =	vnsel vm1, $0x3FFF, v8;
	vm1 =	vlt.s32 v10, $0x3FFF;
	v2 =	vadd.s32 @!p1 v7, v2  }
0x6d: {  	[tilespmem:$0x18810] =	vst v3;
	v3 =	vnsel vm1, $0x3FFF, v10  }
0x6e: {  	[smem:$0x7FC] =	sst s6;
	[tilespmem:$0x18820] =	vst v3;
	vm1 =	vmmov @!p1 $0xffff;
	s6 =	simm.s32 @!p1 $0x0  }
0x6f: {  	[tilespmem:s6], [sflag:$0x4] =	stream.indirect_vreg.gather @!p1 [hbm4b:s1+s6], $0x80, v9, vm1, $0xb8;
	[tilespmem:$0x18980] =	vst v63  }
0x70: {  	s12 =	simm.s32 @!p1 $0x800  }
0x71: {  	[tilespmem:s12], [sflag:$0x4] =	stream.indirect_vreg.gather @!p1 [hbm4b:s1+s6], $0x80, v2, vm1, $0xb8;
	[tilespmem:$0x18980] =	vst v63  }
0x72: {  	v2 =	vld @!p1 [tilespmem:$0x18010];
	_ =	sdelay $0x4  }
0x73: {  	v3 =	vshll.u32 @!p1 v2, $0x1  }
0x74: {  	v2 =	vand.u32 @!p1 $0x7, v2;
	v3 =	vand.u32 @!p1 $0xFFFFFFF0, v3  }
0x75: {  	v2 =	vor.u32 @!p1 v2, v3  }
0x76: {  	v3 =	vperm.xlane @!p1 v2, v4;
	_ =	sdelay $0x1  }
0x77: {  	v2 =	vperm.xlane @!p1 v2, v6;
	v3 =	vadd.s32 @!p1 v7, v3;
	_ =	sdelay $0x1  }
0x78: {  	v2 =	vadd.s32 @!p1 v7, v2;
	_ =	sdelay $0x1  }
0x79: {  	s12 =	simm.s32 @!p1 $0x1000  }
0x7a: {  	[tilespmem:s12], [sflag:$0x4] =	stream.indirect_vreg.gather @!p1 [hbm4b:s1+s6], $0x80, v3, vm1, $0xb8;
	[tilespmem:$0x18980] =	vst v63  }
0x7b: {  	s12 =	simm.s32 @!p1 $0x1800  }
0x7c: {  	[tilespmem:s12], [sflag:$0x4] =	stream.indirect_vreg.gather @!p1 [hbm4b:s1+s6], $0x80, v2, vm1, $0xb8;
	[tilespmem:$0x18980] =	vst v63  }
0x7d: {  	v2 =	vld @!p1 [tilespmem:$0x18020];
	_ =	sdelay $0x4  }
0x7e: {  	v3 =	vshll.u32 @!p1 v2, $0x1  }
0x7f: {  	v2 =	vand.u32 @!p1 $0x7, v2;
	v3 =	vand.u32 @!p1 $0xFFFFFFF0, v3  }
0x80: {  	v2 =	vor.u32 @!p1 v2, v3  }
0x81: {  	v3 =	vperm.xlane @!p1 v2, v4;
	_ =	sdelay $0x1  }
0x82: {  	v2 =	vperm.xlane @!p1 v2, v6;
	v3 =	vadd.s32 @!p1 v7, v3;
	_ =	sdelay $0x1  }
0x83: {  	v2 =	vadd.s32 @!p1 v7, v2;
	_ =	sdelay $0x1  }
0x84: {  	s12 =	simm.s32 @!p1 $0x2000  }
0x85: {  	[tilespmem:s12], [sflag:$0x4] =	stream.indirect_vreg.gather @!p1 [hbm4b:s1+s6], $0x80, v3, vm1, $0xb8;
	[tilespmem:$0x18980] =	vst v63  }
0x86: {  	s12 =	simm.s32 @!p1 $0x2800  }
0x87: {  	[tilespmem:s12], [sflag:$0x4] =	stream.indirect_vreg.gather @!p1 [hbm4b:s1+s6], $0x80, v2, vm1, $0xb8;
	[tilespmem:$0x18980] =	vst v63  }
0x88: {  	v2 =	vld @!p1 [tilespmem:$0x18030];
	_ =	sdelay $0x4  }
0x89: {  	v3 =	vshll.u32 @!p1 v2, $0x1  }
0x8a: {  	v2 =	vand.u32 @!p1 $0x7, v2;
	v3 =	vand.u32 @!p1 $0xFFFFFFF0, v3  }
0x8b: {  	v2 =	vor.u32 @!p1 v2, v3  }
0x8c: {  	v3 =	vperm.xlane @!p1 v2, v4;
	_ =	sdelay $0x1  }
0x8d: {  	v2 =	vperm.xlane @!p1 v2, v6;
	v3 =	vadd.s32 @!p1 v7, v3;
	_ =	sdelay $0x1  }
0x8e: {  	v2 =	vadd.s32 @!p1 v7, v2;
	_ =	sdelay $0x1  }
0x8f: {  	s12 =	simm.s32 @!p1 $0x3000  }
0x90: {  	[tilespmem:s12], [sflag:$0x4] =	stream.indirect_vreg.gather @!p1 [hbm4b:s1+s6], $0x80, v3, vm1, $0xb8;
	[tilespmem:$0x18980] =	vst v63  }
0x91: {  	p0 =	slt.s32 s26, $0x2;
	s12 =	simm.s32 @!p1 $0x3800  }
0x92: {  	[tilespmem:s12], [sflag:$0x4] =	stream.indirect_vreg.gather @!p1 [hbm4b:s1+s6], $0x80, v2, vm1, $0xb8;
	[tilespmem:$0x18980] =	vst v63  }
0x93: {  	p1 =	slt.s32 @!p0 s0, $0x0  }
0x94: {  	p1 =	por p1, p0  }
0x95: {  	v2 =	vld @!p1 [tilespmem:$0x18080];
	_ =	sdelay $0x4  }
0x96: {  	v3 =	vshll.u32 @!p1 v2, $0x1  }
0x97: {  	v4 =	vlaneseq.u32 @!p1;
	v2 =	vand.u32 @!p1 $0x7, v2;
	v3 =	vand.u32 @!p1 $0xFFFFFFF0, v3  }
0x98: {  	v5 =	vshrl.u32 @!p1 v4, $0x3;
	v2 =	vor.u32 @!p1 v2, v3;
	v3 =	vand.u32 @!p1 $0x7, v4  }
0x99: {  	v5 =	vmul.u32 @!p1 $0x8, v5;
	v6 =	vperm.xlane @!p1 v2, v3  }
0x9a: {  	v4 =	vor.u32 @!p1 $0x8, v4  }
0x9b: {  	v2 =	vperm.xlane @!p1 v2, v4;
	v6 =	vadd.s32 @!p1 v5, v6;
	_ =	sdelay $0x1  }
0x9c: {  	v2 =	vadd.s32 @!p1 v5, v2;
	_ =	sdelay $0x1  }
0x9d: {  	vm1 =	vmmov @!p1 $0xffff;
	s6 =	simm.s32 @!p1 $0x0;
	s12 =	simm.s32 @!p1 $0x4000  }
0x9e: {  	[tilespmem:s12], [sflag:$0x5] =	stream.indirect_vreg.gather @!p1 [hbm4b:s1+s6], $0x80, v6, vm1, $0xb8;
	[tilespmem:$0x18980] =	vst v63  }
0x9f: {  	s12 =	simm.s32 @!p1 $0x4800  }
0xa0: {  	[tilespmem:s12], [sflag:$0x5] =	stream.indirect_vreg.gather @!p1 [hbm4b:s1+s6], $0x80, v2, vm1, $0xb8;
	[tilespmem:$0x18980] =	vst v63  }
0xa1: {  	v2 =	vld @!p1 [tilespmem:$0x18090];
	_ =	sdelay $0x4  }
0xa2: {  	v6 =	vshll.u32 @!p1 v2, $0x1  }
0xa3: {  	v2 =	vand.u32 @!p1 $0x7, v2;
	v6 =	vand.u32 @!p1 $0xFFFFFFF0, v6  }
0xa4: {  	v2 =	vor.u32 @!p1 v2, v6  }
0xa5: {  	v6 =	vperm.xlane @!p1 v2, v3;
	_ =	sdelay $0x1  }
0xa6: {  	v2 =	vperm.xlane @!p1 v2, v4;
	v6 =	vadd.s32 @!p1 v5, v6;
	_ =	sdelay $0x1  }
0xa7: {  	v2 =	vadd.s32 @!p1 v5, v2;
	_ =	sdelay $0x1  }
0xa8: {  	s12 =	simm.s32 @!p1 $0x5000  }
0xa9: {  	[tilespmem:s12], [sflag:$0x5] =	stream.indirect_vreg.gather @!p1 [hbm4b:s1+s6], $0x80, v6, vm1, $0xb8;
	[tilespmem:$0x18980] =	vst v63  }
0xaa: {  	s12 =	simm.s32 @!p1 $0x5800  }
0xab: {  	[tilespmem:s12], [sflag:$0x5] =	stream.indirect_vreg.gather @!p1 [hbm4b:s1+s6], $0x80, v2, vm1, $0xb8;
	[tilespmem:$0x18980] =	vst v63  }
0xac: {  	v2 =	vld @!p1 [tilespmem:$0x180A0];
	_ =	sdelay $0x4  }
0xad: {  	v6 =	vshll.u32 @!p1 v2, $0x1  }
0xae: {  	v2 =	vand.u32 @!p1 $0x7, v2;
	v6 =	vand.u32 @!p1 $0xFFFFFFF0, v6  }
0xaf: {  	v2 =	vor.u32 @!p1 v2, v6  }
0xb0: {  	v6 =	vperm.xlane @!p1 v2, v3;
	_ =	sdelay $0x1  }
0xb1: {  	v2 =	vperm.xlane @!p1 v2, v4;
	v6 =	vadd.s32 @!p1 v5, v6;
	_ =	sdelay $0x1  }
0xb2: {  	v2 =	vadd.s32 @!p1 v5, v2;
	_ =	sdelay $0x1  }
0xb3: {  	s12 =	simm.s32 @!p1 $0x6000  }
0xb4: {  	[tilespmem:s12], [sflag:$0x5] =	stream.indirect_vreg.gather @!p1 [hbm4b:s1+s6], $0x80, v6, vm1, $0xb8;
	[tilespmem:$0x18980] =	vst v63  }
0xb5: {  	s12 =	simm.s32 @!p1 $0x6800  }
0xb6: {  	[tilespmem:s12], [sflag:$0x5] =	stream.indirect_vreg.gather @!p1 [hbm4b:s1+s6], $0x80, v2, vm1, $0xb8;
	[tilespmem:$0x18980] =	vst v63  }
0xb7: {  	v2 =	vld @!p1 [tilespmem:$0x180B0];
	_ =	sdelay $0x4  }
0xb8: {  	v6 =	vshll.u32 @!p1 v2, $0x1  }
0xb9: {  	v2 =	vand.u32 @!p1 $0x7, v2;
	v6 =	vand.u32 @!p1 $0xFFFFFFF0, v6  }
0xba: {  	v2 =	vor.u32 @!p1 v2, v6  }
0xbb: {  	v3 =	vperm.xlane @!p1 v2, v3;
	_ =	sdelay $0x1  }
0xbc: {  	v2 =	vperm.xlane @!p1 v2, v4;
	v3 =	vadd.s32 @!p1 v5, v3;
	_ =	sdelay $0x1  }
0xbd: {  	v2 =	vadd.s32 @!p1 v5, v2;
	_ =	sdelay $0x1  }
0xbe: {  	s12 =	simm.s32 @!p1 $0x7000  }
0xbf: {  	[tilespmem:s12], [sflag:$0x5] =	stream.indirect_vreg.gather @!p1 [hbm4b:s1+s6], $0x80, v3, vm1, $0xb8;
	[tilespmem:$0x18980] =	vst v63  }
0xc0: {  	p0 =	slt.s32 s26, $0x3;
	s12 =	simm.s32 @!p1 $0x7800  }
0xc1: {  	[tilespmem:s12], [sflag:$0x5] =	stream.indirect_vreg.gather @!p1 [hbm4b:s1+s6], $0x80, v2, vm1, $0xb8;
	[tilespmem:$0x18980] =	vst v63  }
0xc2: {  	p1 =	slt.s32 @!p0 s0, $0x0  }
0xc3: {  	p1 =	por p1, p0  }
0xc4: {  	v2 =	vld @!p1 [tilespmem:$0x18100];
	_ =	sdelay $0x4  }
0xc5: {  	v3 =	vshll.u32 @!p1 v2, $0x1  }
0xc6: {  	v4 =	vlaneseq.u32 @!p1;
	v2 =	vand.u32 @!p1 $0x7, v2;
	v3 =	vand.u32 @!p1 $0xFFFFFFF0, v3  }
0xc7: {  	v5 =	vshrl.u32 @!p1 v4, $0x3;
	v2 =	vor.u32 @!p1 v2, v3;
	v3 =	vand.u32 @!p1 $0x7, v4  }
0xc8: {  	v5 =	vmul.u32 @!p1 $0x8, v5;
	v6 =	vperm.xlane @!p1 v2, v3  }
0xc9: {  	v4 =	vor.u32 @!p1 $0x8, v4  }
0xca: {  	v2 =	vperm.xlane @!p1 v2, v4;
	v6 =	vadd.s32 @!p1 v5, v6;
	_ =	sdelay $0x1  }
0xcb: {  	v2 =	vadd.s32 @!p1 v5, v2;
	_ =	sdelay $0x1  }
0xcc: {  	vm1 =	vmmov @!p1 $0xffff;
	s6 =	simm.s32 @!p1 $0x0;
	s12 =	simm.s32 @!p1 $0x8000  }
0xcd: {  	[tilespmem:s12], [sflag:$0x6] =	stream.indirect_vreg.gather @!p1 [hbm4b:s1+s6], $0x80, v6, vm1, $0xb8;
	[tilespmem:$0x18980] =	vst v63  }
0xce: {  	s12 =	simm.s32 @!p1 $0x8800  }
0xcf: {  	[tilespmem:s12], [sflag:$0x6] =	stream.indirect_vreg.gather @!p1 [hbm4b:s1+s6], $0x80, v2, vm1, $0xb8;
	[tilespmem:$0x18980] =	vst v63  }
0xd0: {  	v2 =	vld @!p1 [tilespmem:$0x18110];
	_ =	sdelay $0x4  }
0xd1: {  	v6 =	vshll.u32 @!p1 v2, $0x1  }
0xd2: {  	v2 =	vand.u32 @!p1 $0x7, v2;
	v6 =	vand.u32 @!p1 $0xFFFFFFF0, v6  }
0xd3: {  	v2 =	vor.u32 @!p1 v2, v6  }
0xd4: {  	v6 =	vperm.xlane @!p1 v2, v3;
	_ =	sdelay $0x1  }
0xd5: {  	v2 =	vperm.xlane @!p1 v2, v4;
	v6 =	vadd.s32 @!p1 v5, v6;
	_ =	sdelay $0x1  }
0xd6: {  	v2 =	vadd.s32 @!p1 v5, v2;
	_ =	sdelay $0x1  }
0xd7: {  	s12 =	simm.s32 @!p1 $0x9000  }
0xd8: {  	[tilespmem:s12], [sflag:$0x6] =	stream.indirect_vreg.gather @!p1 [hbm4b:s1+s6], $0x80, v6, vm1, $0xb8;
	[tilespmem:$0x18980] =	vst v63  }
0xd9: {  	s12 =	simm.s32 @!p1 $0x9800  }
0xda: {  	[tilespmem:s12], [sflag:$0x6] =	stream.indirect_vreg.gather @!p1 [hbm4b:s1+s6], $0x80, v2, vm1, $0xb8;
	[tilespmem:$0x18980] =	vst v63  }
0xdb: {  	v2 =	vld @!p1 [tilespmem:$0x18120];
	_ =	sdelay $0x4  }
0xdc: {  	v6 =	vshll.u32 @!p1 v2, $0x1  }
0xdd: {  	v2 =	vand.u32 @!p1 $0x7, v2;
	v6 =	vand.u32 @!p1 $0xFFFFFFF0, v6  }
0xde: {  	v2 =	vor.u32 @!p1 v2, v6  }
0xdf: {  	v6 =	vperm.xlane @!p1 v2, v3;
	_ =	sdelay $0x1  }
0xe0: {  	v2 =	vperm.xlane @!p1 v2, v4;
	v6 =	vadd.s32 @!p1 v5, v6;
	_ =	sdelay $0x1  }
0xe1: {  	v2 =	vadd.s32 @!p1 v5, v2;
	_ =	sdelay $0x1  }
0xe2: {  	s12 =	simm.s32 @!p1 $0xA000  }
0xe3: {  	[tilespmem:s12], [sflag:$0x6] =	stream.indirect_vreg.gather @!p1 [hbm4b:s1+s6], $0x80, v6, vm1, $0xb8;
	[tilespmem:$0x18980] =	vst v63  }
0xe4: {  	s12 =	simm.s32 @!p1 $0xA800  }
0xe5: {  	[tilespmem:s12], [sflag:$0x6] =	stream.indirect_vreg.gather @!p1 [hbm4b:s1+s6], $0x80, v2, vm1, $0xb8;
	[tilespmem:$0x18980] =	vst v63  }
0xe6: {  	v2 =	vld @!p1 [tilespmem:$0x18130];
	_ =	sdelay $0x4  }
0xe7: {  	v6 =	vshll.u32 @!p1 v2, $0x1  }
0xe8: {  	v2 =	vand.u32 @!p1 $0x7, v2;
	v6 =	vand.u32 @!p1 $0xFFFFFFF0, v6  }
0xe9: {  	v2 =	vor.u32 @!p1 v2, v6  }
0xea: {  	v3 =	vperm.xlane @!p1 v2, v3;
	_ =	sdelay $0x1  }
0xeb: {  	v2 =	vperm.xlane @!p1 v2, v4;
	v3 =	vadd.s32 @!p1 v5, v3;
	_ =	sdelay $0x1  }
0xec: {  	v2 =	vadd.s32 @!p1 v5, v2;
	_ =	sdelay $0x1  }
0xed: {  	s12 =	simm.s32 @!p1 $0xB000  }
0xee: {  	[tilespmem:s12], [sflag:$0x6] =	stream.indirect_vreg.gather @!p1 [hbm4b:s1+s6], $0x80, v3, vm1, $0xb8;
	[tilespmem:$0x18980] =	vst v63  }
0xef: {  	p0 =	slt.s32 s26, $0x4;
	s12 =	simm.s32 @!p1 $0xB800  }
0xf0: {  	[tilespmem:s12], [sflag:$0x6] =	stream.indirect_vreg.gather @!p1 [hbm4b:s1+s6], $0x80, v2, vm1, $0xb8;
	[tilespmem:$0x18980] =	vst v63  }
0xf1: {  	p1 =	slt.s32 @!p0 s0, $0x0  }
0xf2: {  	p1 =	por p1, p0  }
0xf3: {  	v2 =	vld @!p1 [tilespmem:$0x18180];
	_ =	sdelay $0x4  }
0xf4: {  	v3 =	vshll.u32 @!p1 v2, $0x1  }
0xf5: {  	v4 =	vlaneseq.u32 @!p1;
	v2 =	vand.u32 @!p1 $0x7, v2;
	v3 =	vand.u32 @!p1 $0xFFFFFFF0, v3  }
0xf6: {  	v5 =	vshrl.u32 @!p1 v4, $0x3;
	v2 =	vor.u32 @!p1 v2, v3;
	v3 =	vand.u32 @!p1 $0x7, v4  }
0xf7: {  	v5 =	vmul.u32 @!p1 $0x8, v5;
	v6 =	vperm.xlane @!p1 v2, v3  }
0xf8: {  	v4 =	vor.u32 @!p1 $0x8, v4  }
0xf9: {  	v2 =	vperm.xlane @!p1 v2, v4;
	v6 =	vadd.s32 @!p1 v5, v6;
	_ =	sdelay $0x1  }
0xfa: {  	v2 =	vadd.s32 @!p1 v5, v2;
	_ =	sdelay $0x1  }
0xfb: {  	vm1 =	vmmov @!p1 $0xffff;
	s6 =	simm.s32 @!p1 $0x0;
	s12 =	simm.s32 @!p1 $0xC000  }
0xfc: {  	[tilespmem:s12], [sflag:$0x7] =	stream.indirect_vreg.gather @!p1 [hbm4b:s1+s6], $0x80, v6, vm1, $0xb8;
	[tilespmem:$0x18980] =	vst v63  }
0xfd: {  	s12 =	simm.s32 @!p1 $0xC800  }
0xfe: {  	[tilespmem:s12], [sflag:$0x7] =	stream.indirect_vreg.gather @!p1 [hbm4b:s1+s6], $0x80, v2, vm1, $0xb8;
	[tilespmem:$0x18980] =	vst v63  }
0xff: {  	v2 =	vld @!p1 [tilespmem:$0x18190];
	_ =	sdelay $0x4  }
0x100: {  	v6 =	vshll.u32 @!p1 v2, $0x1  }
0x101: {  	v2 =	vand.u32 @!p1 $0x7, v2;
	v6 =	vand.u32 @!p1 $0xFFFFFFF0, v6  }
0x102: {  	v2 =	vor.u32 @!p1 v2, v6  }
0x103: {  	v6 =	vperm.xlane @!p1 v2, v3;
	_ =	sdelay $0x1  }
0x104: {  	v2 =	vperm.xlane @!p1 v2, v4;
	v6 =	vadd.s32 @!p1 v5, v6;
	_ =	sdelay $0x1  }
0x105: {  	v2 =	vadd.s32 @!p1 v5, v2;
	_ =	sdelay $0x1  }
0x106: {  	s12 =	simm.s32 @!p1 $0xD000  }
0x107: {  	[tilespmem:s12], [sflag:$0x7] =	stream.indirect_vreg.gather @!p1 [hbm4b:s1+s6], $0x80, v6, vm1, $0xb8;
	[tilespmem:$0x18980] =	vst v63  }
0x108: {  	s12 =	simm.s32 @!p1 $0xD800  }
0x109: {  	[tilespmem:s12], [sflag:$0x7] =	stream.indirect_vreg.gather @!p1 [hbm4b:s1+s6], $0x80, v2, vm1, $0xb8;
	[tilespmem:$0x18980] =	vst v63  }
0x10a: {  	v2 =	vld @!p1 [tilespmem:$0x181A0];
	_ =	sdelay $0x4  }
0x10b: {  	v6 =	vshll.u32 @!p1 v2, $0x1  }
0x10c: {  	v2 =	vand.u32 @!p1 $0x7, v2;
	v6 =	vand.u32 @!p1 $0xFFFFFFF0, v6  }
0x10d: {  	v2 =	vor.u32 @!p1 v2, v6  }
0x10e: {  	v6 =	vperm.xlane @!p1 v2, v3;
	_ =	sdelay $0x1  }
0x10f: {  	v2 =	vperm.xlane @!p1 v2, v4;
	v6 =	vadd.s32 @!p1 v5, v6;
	_ =	sdelay $0x1  }
0x110: {  	v2 =	vadd.s32 @!p1 v5, v2;
	_ =	sdelay $0x1  }
0x111: {  	s12 =	simm.s32 @!p1 $0xE000  }
0x112: {  	[tilespmem:s12], [sflag:$0x7] =	stream.indirect_vreg.gather @!p1 [hbm4b:s1+s6], $0x80, v6, vm1, $0xb8;
	[tilespmem:$0x18980] =	vst v63  }
0x113: {  	s12 =	simm.s32 @!p1 $0xE800  }
0x114: {  	[tilespmem:s12], [sflag:$0x7] =	stream.indirect_vreg.gather @!p1 [hbm4b:s1+s6], $0x80, v2, vm1, $0xb8;
	[tilespmem:$0x18980] =	vst v63  }
0x115: {  	v2 =	vld @!p1 [tilespmem:$0x181B0];
	_ =	sdelay $0x4  }
0x116: {  	v6 =	vshll.u32 @!p1 v2, $0x1  }
0x117: {  	v2 =	vand.u32 @!p1 $0x7, v2;
	v6 =	vand.u32 @!p1 $0xFFFFFFF0, v6  }
0x118: {  	v2 =	vor.u32 @!p1 v2, v6  }
0x119: {  	v3 =	vperm.xlane @!p1 v2, v3;
	_ =	sdelay $0x1  }
0x11a: {  	v2 =	vperm.xlane @!p1 v2, v4;
	v3 =	vadd.s32 @!p1 v5, v3;
	_ =	sdelay $0x1  }
0x11b: {  	v2 =	vadd.s32 @!p1 v5, v2;
	_ =	sdelay $0x1  }
0x11c: {  	p5 =	seq.s32 s28, $0x0;
	s12 =	simm.s32 @!p1 $0xF000  }
0x11d: {  	[tilespmem:s12], [sflag:$0x7] =	stream.indirect_vreg.gather @!p1 [hbm4b:s1+s6], $0x80, v3, vm1, $0xb8;
	[tilespmem:$0x18980] =	vst v63  }
0x11e: {  	p0 =	slt.s32 @!p5 s0, $0x0;
	s12 =	simm.s32 @!p1 $0xF800  }
0x11f: {  	[tilespmem:s12], [sflag:$0x7] =	stream.indirect_vreg.gather @!p1 [hbm4b:s1+s6], $0x80, v2, vm1, $0xb8;
	[tilespmem:$0x18980] =	vst v63  }
0x120: {  	p1 =	por p0, p5  }
0x121: {  	v2 =	vld @!p1 [tilespmem:$0x18800];
	_ =	sdelay $0x4  }
0x122: {  	v3 =	vshll.u32 @!p1 v2, $0x1  }
0x123: {  	v4 =	vlaneseq.u32 @!p1;
	v2 =	vand.u32 @!p1 $0x7, v2;
	v3 =	vand.u32 @!p1 $0xFFFFFFF0, v3  }
0x124: {  	v5 =	vshrl.u32 @!p1 v4, $0x3;
	v2 =	vor.u32 @!p1 v2, v3;
	v3 =	vand.u32 @!p1 $0x7, v4  }
0x125: {  	v5 =	vmul.u32 @!p1 $0x8, v5;
	v6 =	vperm.xlane @!p1 v2, v3  }
0x126: {  	v4 =	vor.u32 @!p1 $0x8, v4  }
0x127: {  	v2 =	vperm.xlane @!p1 v2, v4;
	v6 =	vadd.s32 @!p1 v5, v6;
	_ =	sdelay $0x1  }
0x128: {  	v2 =	vadd.s32 @!p1 v5, v2;
	_ =	sdelay $0x1  }
0x129: {  	vm1 =	vmmov @!p1 $0xffff;
	s13 =	simm.s32 @!p1 $0x0;
	s0 =	simm.s32 @!p1 $0x10000  }
0x12a: {  	[tilespmem:s0], [sflag:$0xD] =	stream.indirect_vreg.gather @!p1 [hbm4b:s1+s13], $0x80, v6, vm1, $0xb8;
	[tilespmem:$0x18980] =	vst v63  }
0x12b: {  	s0 =	simm.s32 @!p1 $0x10800  }
0x12c: {  	[tilespmem:s0], [sflag:$0xD] =	stream.indirect_vreg.gather @!p1 [hbm4b:s1+s13], $0x80, v2, vm1, $0xb8;
	[tilespmem:$0x18980] =	vst v63  }
0x12d: {  	v2 =	vld @!p1 [tilespmem:$0x18810];
	_ =	sdelay $0x4  }
0x12e: {  	v6 =	vshll.u32 @!p1 v2, $0x1  }
0x12f: {  	v2 =	vand.u32 @!p1 $0x7, v2;
	v6 =	vand.u32 @!p1 $0xFFFFFFF0, v6  }
0x130: {  	v2 =	vor.u32 @!p1 v2, v6  }
0x131: {  	v6 =	vperm.xlane @!p1 v2, v3;
	_ =	sdelay $0x1  }
0x132: {  	v2 =	vperm.xlane @!p1 v2, v4;
	v6 =	vadd.s32 @!p1 v5, v6;
	_ =	sdelay $0x1  }
0x133: {  	v2 =	vadd.s32 @!p1 v5, v2;
	_ =	sdelay $0x1  }
0x134: {  	s0 =	simm.s32 @!p1 $0x11000  }
0x135: {  	[tilespmem:s0], [sflag:$0xD] =	stream.indirect_vreg.gather @!p1 [hbm4b:s1+s13], $0x80, v6, vm1, $0xb8;
	[tilespmem:$0x18980] =	vst v63  }
0x136: {  	s0 =	simm.s32 @!p1 $0x11800  }
0x137: {  	[tilespmem:s0], [sflag:$0xD] =	stream.indirect_vreg.gather @!p1 [hbm4b:s1+s13], $0x80, v2, vm1, $0xb8;
	[tilespmem:$0x18980] =	vst v63  }
0x138: {  	v2 =	vld @!p1 [tilespmem:$0x18820];
	_ =	sdelay $0x4  }
0x139: {  	v6 =	vshll.u32 @!p1 v2, $0x1  }
0x13a: {  	v2 =	vand.u32 @!p1 $0x7, v2;
	v6 =	vand.u32 @!p1 $0xFFFFFFF0, v6  }
0x13b: {  	v2 =	vor.u32 @!p1 v2, v6  }
0x13c: {  	v6 =	vperm.xlane @!p1 v2, v3;
	_ =	sdelay $0x1  }
0x13d: {  	v2 =	vperm.xlane @!p1 v2, v4;
	v6 =	vadd.s32 @!p1 v5, v6;
	_ =	sdelay $0x1  }
0x13e: {  	v2 =	vadd.s32 @!p1 v5, v2;
	_ =	sdelay $0x1  }
0x13f: {  	s0 =	simm.s32 @!p1 $0x12000  }
0x140: {  	[tilespmem:s0], [sflag:$0xD] =	stream.indirect_vreg.gather @!p1 [hbm4b:s1+s13], $0x80, v6, vm1, $0xb8;
	[tilespmem:$0x18980] =	vst v63  }
0x141: {  	s0 =	simm.s32 @!p1 $0x12800  }
0x142: {  	[tilespmem:s0], [sflag:$0xD] =	stream.indirect_vreg.gather @!p1 [hbm4b:s1+s13], $0x80, v2, vm1, $0xb8;
	[tilespmem:$0x18980] =	vst v63  }
0x143: {  	v2 =	vld @!p1 [tilespmem:$0x18830];
	_ =	sdelay $0x1  }
0x144: {  	s31 =	sadd.s32 $0x7, s28  }
0x145: {  	s30 =	sand.u32 $0x78, s31  }
0x146: {  	s0 =	ssub.s32 s30, s28  }
0x147: {  	s14 =	sadd.s32 s29, s0;
	v6 =	vshll.u32 @!p1 v2, $0x1  }
0x148: {  	s6 =	ssub.s32 $0x400, s14;
	v2 =	vand.u32 @!p1 $0x7, v2;
	v6 =	vand.u32 @!p1 $0xFFFFFFF0, v6  }
0x149: {  	s7 =	sshll.u32 s6, $0x10;
	v2 =	vor.u32 @!p1 v2, v6  }
0x14a: {  	s12 =	sshra.s32 s7, $0x1F;
	v3 =	vperm.xlane @!p1 v2, v3  }
0x14b: {  	s12 =	sand.u32 $0x3F, s12  }
0x14c: {  	s15 =	sadd.s32 s12, s6;
	v2 =	vperm.xlane @!p1 v2, v4;
	v3 =	vadd.s32 @!p1 v5, v3  }
0x14d: {  	s29 =	sand.u32 $0xFFFF, s6;
	s12 =	sand.u32 $0xFFC0, s15  }
0x14e: {  	p6 =	sgt.s32 s14, $0x3FF;
	p3 =	sne.s32 s29, s12;
	v2 =	vadd.s32 @!p1 v5, v2  }
0x14f: {  	s11 =	sshll.u32 s15, $0x10;
	p0 =	por !p6, !p3  }
0x150: {  	s15 =	simm.s32 $0x1;
	s29 =	simm.s32 @!p1 $0x13000;
	p0 =	por !p0, !p0  }
0x151: {  	[tilespmem:s29], [sflag:$0xD] =	stream.indirect_vreg.gather @!p1 [hbm4b:s1+s13], $0x80, v3, vm1, $0xb8;
	[tilespmem:$0x18980] =	vst v63  }
0x152: {  	s14 =	sshra.s32 s11, $0x16;
	s15 =	simm.s32 @!p0 $0x0;
	s29 =	simm.s32 @!p1 $0x13800  }
0x153: {  	[tilespmem:s29], [sflag:$0xD] =	stream.indirect_vreg.gather @!p1 [hbm4b:s1+s13], $0x80, v2, vm1, $0xb8;
	[tilespmem:$0x18980] =	vst v63  }
0x154: {  	s29 =	ssub.s32 s14, s15  }
0x155: {  	p0 =	slt.s32 s29, $0x1  }
.Ltmp3:
0x156: {  	_ = 	snop;
	(pc) =	sbr.rel @p0 .LBB2_7-.Ltmp3, $4  }
0x157: {  	_ = 	snop  }
0x158: {  	_ =	swait.ge [sflag:s19], $0x4000;
	s7 =	simm.s32 @!p0 $0x0  }
0x159: {  	[sflag:s19] =	ssyncset.done $0x0;
	s7 =	simm.s32 @p0 $0x1  }
0x15a: {  	[sflag:s19] =	ssyncadd.s32 $0xFFFFC000;
	[smem:$0x7FD] =	sst s7  }
0x15b: {  	s13 =	simm.s32 $0xFFFFFFFF  }
0x15c: {  	s13 =	simm.s32 @!p2 $0x0  }
0x15d: {  	s2 =	sadd.s32 s13, s2  }
0x15e: {  	p0 =	sne.s32 s29, $0x1;
	s2 =	sshll.u32 s2, $0x6  }
.Ltmp4:
0x15f: {  	s2 =	sadd.s32 s2, s9;
	(pc) =	sbr.rel @!p0 .LBB2_6-.Ltmp4, $4  }
0x160: {  	s2 =	sadd.s32 s30, s2  }
0x161: {  	s15 =	sshll.u32 s2, $0x8  }
0x162: {  	s14 =	sshrl.u32 s15, $0x3  }
0x163: {  	s2 =	sadd.s32 $0xFFFFFFFF, s29;
	s13 =	sadd.s32 $0x4000, s15;
	s14 =	sadd.s32 s3, s14  }
.LBB2_5:
0x164: {  	[hbm4b:s14+s5] =	stream.linear.scatter [tilespmem:s16], [sflag:$0xC], $0x4000, $0x38;
	[tilespmem:$0x18980] =	vst v63  }
0x165: {  	p0 =	sne.s32 s2, $0x1  }
.Ltmp5:
0x166: {  	s2 =	sadd.s32 $0xFFFFFFFF, s2;
	(pc) =	sbr.rel @p0 .LBB2_5-.Ltmp5, $3  }
0x167: {  	_ =	sdelay $0x1  }
0x168: {  	s14 =	sshrl.u32 s13, $0x3  }
0x169: {  	s13 =	sadd.s32 $0x4000, s13;
	s14 =	sadd.s32 s3, s14  }
.LBB2_6:
0x16a: {  	[hbm4b:s14+s5] =	stream.linear.scatter [tilespmem:s16], [sflag:$0xC], $0x4000, $0x38;
	[tilespmem:$0x18980] =	vst v63  }
.LBB2_7:
0x16b: {  	s2 =	ssub.s32 s6, s12  }
0x16c: {  	s2 =	sand.u32 $0xFFFF, s2  }
0x16d: {  	s4 =	sadd.s32 s9, s4;
	s14 =	sshll.u32 s29, $0x6;
	s11 =	sshrl.u32 s2, $0x5  }
0x16e: {  	s6 =	sand.u32 $0x8, s6;
	s2 =	sshrl.u32 s2, $0x4;
	s12 =	sand.u32 $0x1, s11  }
0x16f: {  	s13 =	sadd.s32 s30, s4;
	s2 =	sand.u32 $0x1, s2;
	p0 =	seq.s32 s12, $0x0  }
0x170: {  	s13 =	sadd.s32 s13, s14;
	p2 =	seq.s32 s2, $0x0;
	s11 =	simm.s32 @!p0 $0x0  }
0x171: {  	s14 =	sshll.u32 @!p0 s13, $0x5;
	s15 =	simm.s32 @!p0 $0x0;
	s11 =	simm.s32 @p0 $0x1  }
0x172: {  	s7 =	simm.s32 @!p0 $0x14000;
	s14 =	sadd.s32 @!p0 s3, s14;
	[smem:$0x7FA] =	sst s11  }
0x173: {  	[hbm4b:s14+s15] =	stream.linear.scatter @!p0 [tilespmem:s7], [sflag:$0xC], $0x2000, $0x38;
	[tilespmem:$0x18980] =	vst v63  }
0x174: {  	p0 =	sgt.s32 s26, $0x0;
	s7 =	simm.s32 $0x1;
	s15 =	sand.u32 $0xC0, s26  }
0x175: {  	s11 =	sshra.s32 s26, $0x1F;
	s7 =	simm.s32 @!p0 $0x0;
	s14 =	sshrl.u32 s15, $0x6  }
0x176: {  	s15 =	sshll.u32 s12, $0x5;
	s7 =	sadd.s32 s7, s11;
	s11 =	sand.u32 $0x3, s26  }
0x177: {  	s14 =	sadd.s32 s14, s26;
	p6 =	sne.s32 s7, $0x1;
	s7 =	sadd.s32 s15, s13  }
0x178: {  	p1 =	sne.s32 s11, $0x0;
	s13 =	simm.s32 @!p2 $0x0;
	s12 =	sshll.u32 @!p2 s7, $0x5  }
0x179: {  	s15 =	simm.s32 @!p2 $0x14000;
	p0 =	por !p1, !p6;
	s12 =	sadd.s32 @!p2 s3, s12  }
0x17a: {  	[hbm4b:s12+s13] =	stream.linear.scatter @!p2 [tilespmem:s15], [sflag:$0xC], $0x1000, $0x38;
	[tilespmem:$0x18980] =	vst v63  }
0x17b: {  	p0 =	por !p0, !p0;
	s15 =	sshrl.u32 s14, $0x2;
	s12 =	simm.s32 $0x1  }
0x17c: {  	p4 =	seq.s32 s6, $0x0;
	s6 =	sand.u32 $0xFF, s15;
	s12 =	simm.s32 @!p0 $0x0  }
0x17d: {  	s12 =	ssub.s32 s6, s12  }
0x17e: {  	s2 =	sshll.u32 @!p4 s2, $0xC;
	s7 =	sshll.u32 @!p4 s7, $0x8;
	p0 =	slt.s32 s12, $0x1  }
.Ltmp6:
0x17f: {  	s11 =	simm.s32 @!p2 $0x0;
	s2 =	sadd.s32 @!p4 s2, s7;
	(pc) =	sbr.rel @p0 .LBB2_10-.Ltmp6, $4  }
0x180: {  	s11 =	simm.s32 @p2 $0x1;
	s2 =	sshrl.u32 @!p4 s2, $0x3  }
0x181: {  	[smem:$0x7FB] =	sst s11;
	s2 =	sand.u32 @!p4 $0x1FFFFF00, s2  }
0x182: {  	s7 =	simm.s32 @!p4 $0x14000;
	s2 =	sadd.s32 @!p4 s3, s2;
	s6 =	simm.s32 @!p4 $0x0  }
0x183: {  	[hbm4b:s2+s6] =	stream.linear.scatter @!p4 [tilespmem:s7], [sflag:$0xC], $0x800, $0x38;
	[tilespmem:$0x18980] =	vst v63  }
0x184: {  	s14 =	simm.s32 $0x4;
	s13 =	rddreg [dreg:$0xc]  }
0x185: {  	s15 =	simm.s32 $0x183B0;
	s2 =	smov.u32 s12;
	s6 =	rddreg [dreg:$0xb]  }
.LBB2_9:
0x186: {  	_ =	swait.ge [sflag:s20], $0x4000  }
0x187: {  	p6 =	sge.s32 s14, s26;
	[sflag:s20] =	ssyncset.done $0x0  }
0x188: {  	s7 =	simm.s32 @!p6 $0x8;
	[sflag:s20] =	ssyncadd.s32 $0xFFFFC000  }
0x189: {  	[hbm4b:s6+s5] =	stream.linear.scatter [tilespmem:s5], [sflag:$0x8], $0x4000, $0x38;
	[tilespmem:$0x18980] =	vst v63  }
0x18a: {  	_ =	swait.ge @!p6 [sflag:s7], $0x4000  }
0x18b: {  	[sflag:s7] =	ssyncset.done @!p6 $0x0  }
0x18c: {  	[sflag:s7] =	ssyncadd.s32 @!p6 $0xFFFFC000  }
0x18d: {  	v2 =	vld @!p6 [tilespmem:s15+$0xFFFFFE50];
	_ =	sdelay $0x4  }
0x18e: {  	v3 =	vshll.u32 @!p6 v2, $0x1  }
0x18f: {  	v4 =	vlaneseq.u32 @!p6;
	v2 =	vand.u32 @!p6 $0x7, v2;
	v3 =	vand.u32 @!p6 $0xFFFFFFF0, v3  }
0x190: {  	v5 =	vshrl.u32 @!p6 v4, $0x3;
	v2 =	vor.u32 @!p6 v2, v3;
	v3 =	vand.u32 @!p6 $0x7, v4  }
0x191: {  	v5 =	vmul.u32 @!p6 $0x8, v5;
	v6 =	vperm.xlane @!p6 v2, v3  }
0x192: {  	v4 =	vor.u32 @!p6 $0x8, v4  }
0x193: {  	v2 =	vperm.xlane @!p6 v2, v4;
	v6 =	vadd.s32 @!p6 v5, v6;
	_ =	sdelay $0x1  }
0x194: {  	v2 =	vadd.s32 @!p6 v5, v2;
	_ =	sdelay $0x1  }
0x195: {  	vm1 =	vmmov @!p6 $0xffff;
	s7 =	simm.s32 @!p6 $0x0  }
0x196: {  	[tilespmem:s7], [sflag:$0x4] =	stream.indirect_vreg.gather @!p6 [hbm4b:s1+s7], $0x80, v6, vm1, $0xb8;
	[tilespmem:$0x18980] =	vst v63  }
0x197: {  	s11 =	simm.s32 @!p6 $0x800  }
0x198: {  	[tilespmem:s11], [sflag:$0x4] =	stream.indirect_vreg.gather @!p6 [hbm4b:s1+s7], $0x80, v2, vm1, $0xb8;
	[tilespmem:$0x18980] =	vst v63  }
0x199: {  	v2 =	vld @!p6 [tilespmem:s15+$0xFFFFFE60];
	_ =	sdelay $0x4  }
0x19a: {  	v6 =	vshll.u32 @!p6 v2, $0x1  }
0x19b: {  	v2 =	vand.u32 @!p6 $0x7, v2;
	v6 =	vand.u32 @!p6 $0xFFFFFFF0, v6  }
0x19c: {  	v2 =	vor.u32 @!p6 v2, v6  }
0x19d: {  	v6 =	vperm.xlane @!p6 v2, v3;
	_ =	sdelay $0x1  }
0x19e: {  	v2 =	vperm.xlane @!p6 v2, v4;
	v6 =	vadd.s32 @!p6 v5, v6;
	_ =	sdelay $0x1  }
0x19f: {  	v2 =	vadd.s32 @!p6 v5, v2;
	_ =	sdelay $0x1  }
0x1a0: {  	s11 =	simm.s32 @!p6 $0x1000  }
0x1a1: {  	[tilespmem:s11], [sflag:$0x4] =	stream.indirect_vreg.gather @!p6 [hbm4b:s1+s7], $0x80, v6, vm1, $0xb8;
	[tilespmem:$0x18980] =	vst v63  }
0x1a2: {  	s11 =	simm.s32 @!p6 $0x1800  }
0x1a3: {  	[tilespmem:s11], [sflag:$0x4] =	stream.indirect_vreg.gather @!p6 [hbm4b:s1+s7], $0x80, v2, vm1, $0xb8;
	[tilespmem:$0x18980] =	vst v63  }
0x1a4: {  	v2 =	vld @!p6 [tilespmem:s15+$0xFFFFFE70];
	_ =	sdelay $0x4  }
0x1a5: {  	v6 =	vshll.u32 @!p6 v2, $0x1  }
0x1a6: {  	v2 =	vand.u32 @!p6 $0x7, v2;
	v6 =	vand.u32 @!p6 $0xFFFFFFF0, v6  }
0x1a7: {  	v2 =	vor.u32 @!p6 v2, v6  }
0x1a8: {  	v6 =	vperm.xlane @!p6 v2, v3;
	_ =	sdelay $0x1  }
0x1a9: {  	v2 =	vperm.xlane @!p6 v2, v4;
	v6 =	vadd.s32 @!p6 v5, v6;
	_ =	sdelay $0x1  }
0x1aa: {  	v2 =	vadd.s32 @!p6 v5, v2;
	_ =	sdelay $0x1  }
0x1ab: {  	s11 =	simm.s32 @!p6 $0x2000  }
0x1ac: {  	[tilespmem:s11], [sflag:$0x4] =	stream.indirect_vreg.gather @!p6 [hbm4b:s1+s7], $0x80, v6, vm1, $0xb8;
	[tilespmem:$0x18980] =	vst v63  }
0x1ad: {  	s11 =	simm.s32 @!p6 $0x2800  }
0x1ae: {  	[tilespmem:s11], [sflag:$0x4] =	stream.indirect_vreg.gather @!p6 [hbm4b:s1+s7], $0x80, v2, vm1, $0xb8;
	[tilespmem:$0x18980] =	vst v63  }
0x1af: {  	v2 =	vld @!p6 [tilespmem:s15+$0xFFFFFE80];
	_ =	sdelay $0x4  }
0x1b0: {  	v6 =	vshll.u32 @!p6 v2, $0x1  }
0x1b1: {  	v2 =	vand.u32 @!p6 $0x7, v2;
	v6 =	vand.u32 @!p6 $0xFFFFFFF0, v6  }
0x1b2: {  	v2 =	vor.u32 @!p6 v2, v6  }
0x1b3: {  	v3 =	vperm.xlane @!p6 v2, v3;
	_ =	sdelay $0x1  }
0x1b4: {  	v2 =	vperm.xlane @!p6 v2, v4;
	v3 =	vadd.s32 @!p6 v5, v3;
	_ =	sdelay $0x1  }
0x1b5: {  	v2 =	vadd.s32 @!p6 v5, v2;
	_ =	sdelay $0x1  }
0x1b6: {  	s11 =	simm.s32 @!p6 $0x3000  }
0x1b7: {  	[tilespmem:s11], [sflag:$0x4] =	stream.indirect_vreg.gather @!p6 [hbm4b:s1+s7], $0x80, v3, vm1, $0xb8;
	[tilespmem:$0x18980] =	vst v63  }
0x1b8: {  	s11 =	simm.s32 @!p6 $0x3800  }
0x1b9: {  	[tilespmem:s11], [sflag:$0x4] =	stream.indirect_vreg.gather @!p6 [hbm4b:s1+s7], $0x80, v2, vm1, $0xb8;
	[tilespmem:$0x18980] =	vst v63  }
0x1ba: {  	_ =	swait.ge [sflag:s21], $0x4000  }
0x1bb: {  	[sflag:s21] =	ssyncset.done $0x0  }
0x1bc: {  	s11 =	sadd.s32 $0xFFFFF000, s13;
	s7 =	rddreg [dreg:$0x5];
	[sflag:s21] =	ssyncadd.s32 $0xFFFFC000  }
0x1bd: {  	[hbm4b:s11+s5] =	stream.linear.scatter [tilespmem:s7], [sflag:$0x9], $0x4000, $0x38;
	[tilespmem:$0x18980] =	vst v63  }
0x1be: {  	s11 =	sadd.s32 $0x1, s14  }
0x1bf: {  	p6 =	sge.s32 s11, s26  }
0x1c0: {  	s7 =	simm.s32 @!p6 $0x9  }
0x1c1: {  	_ =	swait.ge @!p6 [sflag:s7], $0x4000  }
0x1c2: {  	[sflag:s7] =	ssyncset.done @!p6 $0x0  }
0x1c3: {  	[sflag:s7] =	ssyncadd.s32 @!p6 $0xFFFFC000  }
0x1c4: {  	v2 =	vld @!p6 [tilespmem:s15+$0xFFFFFED0];
	_ =	sdelay $0x4  }
0x1c5: {  	v3 =	vshll.u32 @!p6 v2, $0x1  }
0x1c6: {  	v4 =	vlaneseq.u32 @!p6;
	v2 =	vand.u32 @!p6 $0x7, v2;
	v3 =	vand.u32 @!p6 $0xFFFFFFF0, v3  }
0x1c7: {  	v5 =	vshrl.u32 @!p6 v4, $0x3;
	v2 =	vor.u32 @!p6 v2, v3;
	v3 =	vand.u32 @!p6 $0x7, v4  }
0x1c8: {  	v5 =	vmul.u32 @!p6 $0x8, v5;
	v6 =	vperm.xlane @!p6 v2, v3  }
0x1c9: {  	v4 =	vor.u32 @!p6 $0x8, v4  }
0x1ca: {  	v2 =	vperm.xlane @!p6 v2, v4;
	v6 =	vadd.s32 @!p6 v5, v6;
	_ =	sdelay $0x1  }
0x1cb: {  	v2 =	vadd.s32 @!p6 v5, v2;
	_ =	sdelay $0x1  }
0x1cc: {  	vm1 =	vmmov @!p6 $0xffff;
	s11 =	simm.s32 @!p6 $0x4000;
	s7 =	simm.s32 @!p6 $0x0  }
0x1cd: {  	[tilespmem:s11], [sflag:$0x5] =	stream.indirect_vreg.gather @!p6 [hbm4b:s1+s7], $0x80, v6, vm1, $0xb8;
	[tilespmem:$0x18980] =	vst v63  }
0x1ce: {  	s11 =	simm.s32 @!p6 $0x4800  }
0x1cf: {  	[tilespmem:s11], [sflag:$0x5] =	stream.indirect_vreg.gather @!p6 [hbm4b:s1+s7], $0x80, v2, vm1, $0xb8;
	[tilespmem:$0x18980] =	vst v63  }
0x1d0: {  	v2 =	vld @!p6 [tilespmem:s15+$0xFFFFFEE0];
	_ =	sdelay $0x4  }
0x1d1: {  	v6 =	vshll.u32 @!p6 v2, $0x1  }
0x1d2: {  	v2 =	vand.u32 @!p6 $0x7, v2;
	v6 =	vand.u32 @!p6 $0xFFFFFFF0, v6  }
0x1d3: {  	v2 =	vor.u32 @!p6 v2, v6  }
0x1d4: {  	v6 =	vperm.xlane @!p6 v2, v3;
	_ =	sdelay $0x1  }
0x1d5: {  	v2 =	vperm.xlane @!p6 v2, v4;
	v6 =	vadd.s32 @!p6 v5, v6;
	_ =	sdelay $0x1  }
0x1d6: {  	v2 =	vadd.s32 @!p6 v5, v2;
	_ =	sdelay $0x1  }
0x1d7: {  	s11 =	simm.s32 @!p6 $0x5000  }
0x1d8: {  	[tilespmem:s11], [sflag:$0x5] =	stream.indirect_vreg.gather @!p6 [hbm4b:s1+s7], $0x80, v6, vm1, $0xb8;
	[tilespmem:$0x18980] =	vst v63  }
0x1d9: {  	s11 =	simm.s32 @!p6 $0x5800  }
0x1da: {  	[tilespmem:s11], [sflag:$0x5] =	stream.indirect_vreg.gather @!p6 [hbm4b:s1+s7], $0x80, v2, vm1, $0xb8;
	[tilespmem:$0x18980] =	vst v63  }
0x1db: {  	v2 =	vld @!p6 [tilespmem:s15+$0xFFFFFEF0];
	_ =	sdelay $0x4  }
0x1dc: {  	v6 =	vshll.u32 @!p6 v2, $0x1  }
0x1dd: {  	v2 =	vand.u32 @!p6 $0x7, v2;
	v6 =	vand.u32 @!p6 $0xFFFFFFF0, v6  }
0x1de: {  	v2 =	vor.u32 @!p6 v2, v6  }
0x1df: {  	v6 =	vperm.xlane @!p6 v2, v3;
	_ =	sdelay $0x1  }
0x1e0: {  	v2 =	vperm.xlane @!p6 v2, v4;
	v6 =	vadd.s32 @!p6 v5, v6;
	_ =	sdelay $0x1  }
0x1e1: {  	v2 =	vadd.s32 @!p6 v5, v2;
	_ =	sdelay $0x1  }
0x1e2: {  	s11 =	simm.s32 @!p6 $0x6000  }
0x1e3: {  	[tilespmem:s11], [sflag:$0x5] =	stream.indirect_vreg.gather @!p6 [hbm4b:s1+s7], $0x80, v6, vm1, $0xb8;
	[tilespmem:$0x18980] =	vst v63  }
0x1e4: {  	s11 =	simm.s32 @!p6 $0x6800  }
0x1e5: {  	[tilespmem:s11], [sflag:$0x5] =	stream.indirect_vreg.gather @!p6 [hbm4b:s1+s7], $0x80, v2, vm1, $0xb8;
	[tilespmem:$0x18980] =	vst v63  }
0x1e6: {  	v2 =	vld @!p6 [tilespmem:s15+$0xFFFFFF00];
	_ =	sdelay $0x4  }
0x1e7: {  	v6 =	vshll.u32 @!p6 v2, $0x1  }
0x1e8: {  	v2 =	vand.u32 @!p6 $0x7, v2;
	v6 =	vand.u32 @!p6 $0xFFFFFFF0, v6  }
0x1e9: {  	v2 =	vor.u32 @!p6 v2, v6  }
0x1ea: {  	v3 =	vperm.xlane @!p6 v2, v3;
	_ =	sdelay $0x1  }
0x1eb: {  	v2 =	vperm.xlane @!p6 v2, v4;
	v3 =	vadd.s32 @!p6 v5, v3;
	_ =	sdelay $0x1  }
0x1ec: {  	v2 =	vadd.s32 @!p6 v5, v2;
	_ =	sdelay $0x1  }
0x1ed: {  	s11 =	simm.s32 @!p6 $0x7000  }
0x1ee: {  	[tilespmem:s11], [sflag:$0x5] =	stream.indirect_vreg.gather @!p6 [hbm4b:s1+s7], $0x80, v3, vm1, $0xb8;
	[tilespmem:$0x18980] =	vst v63  }
0x1ef: {  	s11 =	simm.s32 @!p6 $0x7800  }
0x1f0: {  	[tilespmem:s11], [sflag:$0x5] =	stream.indirect_vreg.gather @!p6 [hbm4b:s1+s7], $0x80, v2, vm1, $0xb8;
	[tilespmem:$0x18980] =	vst v63  }
0x1f1: {  	_ =	swait.ge [sflag:s22], $0x4000  }
0x1f2: {  	[sflag:s22] =	ssyncset.done $0x0  }
0x1f3: {  	s11 =	sadd.s32 $0xFFFFF800, s13;
	s7 =	rddreg [dreg:$0x6];
	[sflag:s22] =	ssyncadd.s32 $0xFFFFC000  }
0x1f4: {  	[hbm4b:s11+s5] =	stream.linear.scatter [tilespmem:s7], [sflag:$0xA], $0x4000, $0x38;
	[tilespmem:$0x18980] =	vst v63  }
0x1f5: {  	s11 =	sadd.s32 $0x2, s14  }
0x1f6: {  	p6 =	sge.s32 s11, s26  }
0x1f7: {  	s7 =	simm.s32 @!p6 $0xA  }
0x1f8: {  	_ =	swait.ge @!p6 [sflag:s7], $0x4000  }
0x1f9: {  	[sflag:s7] =	ssyncset.done @!p6 $0x0  }
0x1fa: {  	[sflag:s7] =	ssyncadd.s32 @!p6 $0xFFFFC000  }
0x1fb: {  	v2 =	vld @!p6 [tilespmem:s15+$0xFFFFFF50];
	_ =	sdelay $0x4  }
0x1fc: {  	v3 =	vshll.u32 @!p6 v2, $0x1  }
0x1fd: {  	v4 =	vlaneseq.u32 @!p6;
	v2 =	vand.u32 @!p6 $0x7, v2;
	v3 =	vand.u32 @!p6 $0xFFFFFFF0, v3  }
0x1fe: {  	v5 =	vshrl.u32 @!p6 v4, $0x3;
	v2 =	vor.u32 @!p6 v2, v3;
	v3 =	vand.u32 @!p6 $0x7, v4  }
0x1ff: {  	v5 =	vmul.u32 @!p6 $0x8, v5;
	v6 =	vperm.xlane @!p6 v2, v3  }
0x200: {  	v4 =	vor.u32 @!p6 $0x8, v4  }
0x201: {  	v2 =	vperm.xlane @!p6 v2, v4;
	v6 =	vadd.s32 @!p6 v5, v6;
	_ =	sdelay $0x1  }
0x202: {  	v2 =	vadd.s32 @!p6 v5, v2;
	_ =	sdelay $0x1  }
0x203: {  	vm1 =	vmmov @!p6 $0xffff;
	s11 =	simm.s32 @!p6 $0x8000;
	s7 =	simm.s32 @!p6 $0x0  }
0x204: {  	[tilespmem:s11], [sflag:$0x6] =	stream.indirect_vreg.gather @!p6 [hbm4b:s1+s7], $0x80, v6, vm1, $0xb8;
	[tilespmem:$0x18980] =	vst v63  }
0x205: {  	s11 =	simm.s32 @!p6 $0x8800  }
0x206: {  	[tilespmem:s11], [sflag:$0x6] =	stream.indirect_vreg.gather @!p6 [hbm4b:s1+s7], $0x80, v2, vm1, $0xb8;
	[tilespmem:$0x18980] =	vst v63  }
0x207: {  	v2 =	vld @!p6 [tilespmem:s15+$0xFFFFFF60];
	_ =	sdelay $0x4  }
0x208: {  	v6 =	vshll.u32 @!p6 v2, $0x1  }
0x209: {  	v2 =	vand.u32 @!p6 $0x7, v2;
	v6 =	vand.u32 @!p6 $0xFFFFFFF0, v6  }
0x20a: {  	v2 =	vor.u32 @!p6 v2, v6  }
0x20b: {  	v6 =	vperm.xlane @!p6 v2, v3;
	_ =	sdelay $0x1  }
0x20c: {  	v2 =	vperm.xlane @!p6 v2, v4;
	v6 =	vadd.s32 @!p6 v5, v6;
	_ =	sdelay $0x1  }
0x20d: {  	v2 =	vadd.s32 @!p6 v5, v2;
	_ =	sdelay $0x1  }
0x20e: {  	s11 =	simm.s32 @!p6 $0x9000  }
0x20f: {  	[tilespmem:s11], [sflag:$0x6] =	stream.indirect_vreg.gather @!p6 [hbm4b:s1+s7], $0x80, v6, vm1, $0xb8;
	[tilespmem:$0x18980] =	vst v63  }
0x210: {  	s11 =	simm.s32 @!p6 $0x9800  }
0x211: {  	[tilespmem:s11], [sflag:$0x6] =	stream.indirect_vreg.gather @!p6 [hbm4b:s1+s7], $0x80, v2, vm1, $0xb8;
	[tilespmem:$0x18980] =	vst v63  }
0x212: {  	v2 =	vld @!p6 [tilespmem:s15+$0xFFFFFF70];
	_ =	sdelay $0x4  }
0x213: {  	v6 =	vshll.u32 @!p6 v2, $0x1  }
0x214: {  	v2 =	vand.u32 @!p6 $0x7, v2;
	v6 =	vand.u32 @!p6 $0xFFFFFFF0, v6  }
0x215: {  	v2 =	vor.u32 @!p6 v2, v6  }
0x216: {  	v6 =	vperm.xlane @!p6 v2, v3;
	_ =	sdelay $0x1  }
0x217: {  	v2 =	vperm.xlane @!p6 v2, v4;
	v6 =	vadd.s32 @!p6 v5, v6;
	_ =	sdelay $0x1  }
0x218: {  	v2 =	vadd.s32 @!p6 v5, v2;
	_ =	sdelay $0x1  }
0x219: {  	s11 =	simm.s32 @!p6 $0xA000  }
0x21a: {  	[tilespmem:s11], [sflag:$0x6] =	stream.indirect_vreg.gather @!p6 [hbm4b:s1+s7], $0x80, v6, vm1, $0xb8;
	[tilespmem:$0x18980] =	vst v63  }
0x21b: {  	s11 =	simm.s32 @!p6 $0xA800  }
0x21c: {  	[tilespmem:s11], [sflag:$0x6] =	stream.indirect_vreg.gather @!p6 [hbm4b:s1+s7], $0x80, v2, vm1, $0xb8;
	[tilespmem:$0x18980] =	vst v63  }
0x21d: {  	v2 =	vld @!p6 [tilespmem:s15+$0xFFFFFF80];
	_ =	sdelay $0x4  }
0x21e: {  	v6 =	vshll.u32 @!p6 v2, $0x1  }
0x21f: {  	v2 =	vand.u32 @!p6 $0x7, v2;
	v6 =	vand.u32 @!p6 $0xFFFFFFF0, v6  }
0x220: {  	v2 =	vor.u32 @!p6 v2, v6  }
0x221: {  	v3 =	vperm.xlane @!p6 v2, v3;
	_ =	sdelay $0x1  }
0x222: {  	v2 =	vperm.xlane @!p6 v2, v4;
	v3 =	vadd.s32 @!p6 v5, v3;
	_ =	sdelay $0x1  }
0x223: {  	v2 =	vadd.s32 @!p6 v5, v2;
	_ =	sdelay $0x1  }
0x224: {  	s11 =	simm.s32 @!p6 $0xB000  }
0x225: {  	[tilespmem:s11], [sflag:$0x6] =	stream.indirect_vreg.gather @!p6 [hbm4b:s1+s7], $0x80, v3, vm1, $0xb8;
	[tilespmem:$0x18980] =	vst v63  }
0x226: {  	s11 =	simm.s32 @!p6 $0xB800  }
0x227: {  	[tilespmem:s11], [sflag:$0x6] =	stream.indirect_vreg.gather @!p6 [hbm4b:s1+s7], $0x80, v2, vm1, $0xb8;
	[tilespmem:$0x18980] =	vst v63  }
0x228: {  	_ =	swait.ge [sflag:s23], $0x4000  }
0x229: {  	[sflag:s23] =	ssyncset.done $0x0  }
0x22a: {  	s11 =	rddreg [dreg:$0x7];
	[sflag:s23] =	ssyncadd.s32 $0xFFFFC000  }
0x22b: {  	[hbm4b:s13+s5] =	stream.linear.scatter [tilespmem:s11], [sflag:$0xB], $0x4000, $0x38;
	[tilespmem:$0x18980] =	vst v63  }
0x22c: {  	s11 =	sadd.s32 $0x3, s14  }
0x22d: {  	p6 =	sge.s32 s11, s26  }
0x22e: {  	s7 =	simm.s32 @!p6 $0xB  }
0x22f: {  	_ =	swait.ge @!p6 [sflag:s7], $0x4000  }
0x230: {  	[sflag:s7] =	ssyncset.done @!p6 $0x0  }
0x231: {  	[sflag:s7] =	ssyncadd.s32 @!p6 $0xFFFFC000  }
0x232: {  	v2 =	vld @!p6 [tilespmem:s15+$0xFFFFFFD0];
	_ =	sdelay $0x4  }
0x233: {  	v3 =	vshll.u32 @!p6 v2, $0x1  }
0x234: {  	v4 =	vlaneseq.u32 @!p6;
	v2 =	vand.u32 @!p6 $0x7, v2;
	v3 =	vand.u32 @!p6 $0xFFFFFFF0, v3  }
0x235: {  	v5 =	vshrl.u32 @!p6 v4, $0x3;
	v2 =	vor.u32 @!p6 v2, v3;
	v3 =	vand.u32 @!p6 $0x7, v4  }
0x236: {  	v5 =	vmul.u32 @!p6 $0x8, v5;
	v6 =	vperm.xlane @!p6 v2, v3  }
0x237: {  	v4 =	vor.u32 @!p6 $0x8, v4  }
0x238: {  	v2 =	vperm.xlane @!p6 v2, v4;
	v6 =	vadd.s32 @!p6 v5, v6;
	_ =	sdelay $0x1  }
0x239: {  	v2 =	vadd.s32 @!p6 v5, v2;
	_ =	sdelay $0x1  }
0x23a: {  	vm1 =	vmmov @!p6 $0xffff;
	s11 =	simm.s32 @!p6 $0xC000;
	s7 =	simm.s32 @!p6 $0x0  }
0x23b: {  	[tilespmem:s11], [sflag:$0x7] =	stream.indirect_vreg.gather @!p6 [hbm4b:s1+s7], $0x80, v6, vm1, $0xb8;
	[tilespmem:$0x18980] =	vst v63  }
0x23c: {  	s11 =	simm.s32 @!p6 $0xC800  }
0x23d: {  	[tilespmem:s11], [sflag:$0x7] =	stream.indirect_vreg.gather @!p6 [hbm4b:s1+s7], $0x80, v2, vm1, $0xb8;
	[tilespmem:$0x18980] =	vst v63  }
0x23e: {  	v2 =	vld @!p6 [tilespmem:s15+$0xFFFFFFE0];
	_ =	sdelay $0x4  }
0x23f: {  	v6 =	vshll.u32 @!p6 v2, $0x1  }
0x240: {  	v2 =	vand.u32 @!p6 $0x7, v2;
	v6 =	vand.u32 @!p6 $0xFFFFFFF0, v6  }
0x241: {  	v2 =	vor.u32 @!p6 v2, v6  }
0x242: {  	v6 =	vperm.xlane @!p6 v2, v3;
	_ =	sdelay $0x1  }
0x243: {  	v2 =	vperm.xlane @!p6 v2, v4;
	v6 =	vadd.s32 @!p6 v5, v6;
	_ =	sdelay $0x1  }
0x244: {  	v2 =	vadd.s32 @!p6 v5, v2;
	_ =	sdelay $0x1  }
0x245: {  	s11 =	simm.s32 @!p6 $0xD000  }
0x246: {  	[tilespmem:s11], [sflag:$0x7] =	stream.indirect_vreg.gather @!p6 [hbm4b:s1+s7], $0x80, v6, vm1, $0xb8;
	[tilespmem:$0x18980] =	vst v63  }
0x247: {  	s11 =	simm.s32 @!p6 $0xD800  }
0x248: {  	[tilespmem:s11], [sflag:$0x7] =	stream.indirect_vreg.gather @!p6 [hbm4b:s1+s7], $0x80, v2, vm1, $0xb8;
	[tilespmem:$0x18980] =	vst v63  }
0x249: {  	v2 =	vld @!p6 [tilespmem:s15+$0xFFFFFFF0];
	_ =	sdelay $0x4  }
0x24a: {  	v6 =	vshll.u32 @!p6 v2, $0x1  }
0x24b: {  	v2 =	vand.u32 @!p6 $0x7, v2;
	v6 =	vand.u32 @!p6 $0xFFFFFFF0, v6  }
0x24c: {  	v2 =	vor.u32 @!p6 v2, v6  }
0x24d: {  	v6 =	vperm.xlane @!p6 v2, v3;
	_ =	sdelay $0x1  }
0x24e: {  	v2 =	vperm.xlane @!p6 v2, v4;
	v6 =	vadd.s32 @!p6 v5, v6;
	_ =	sdelay $0x1  }
0x24f: {  	v2 =	vadd.s32 @!p6 v5, v2;
	_ =	sdelay $0x1  }
0x250: {  	s11 =	simm.s32 @!p6 $0xE000  }
0x251: {  	[tilespmem:s11], [sflag:$0x7] =	stream.indirect_vreg.gather @!p6 [hbm4b:s1+s7], $0x80, v6, vm1, $0xb8;
	[tilespmem:$0x18980] =	vst v63  }
0x252: {  	s11 =	simm.s32 @!p6 $0xE800  }
0x253: {  	[tilespmem:s11], [sflag:$0x7] =	stream.indirect_vreg.gather @!p6 [hbm4b:s1+s7], $0x80, v2, vm1, $0xb8;
	[tilespmem:$0x18980] =	vst v63  }
0x254: {  	v2 =	vld @!p6 [tilespmem:s15+$0x0];
	_ =	sdelay $0x4  }
0x255: {  	v6 =	vshll.u32 @!p6 v2, $0x1  }
0x256: {  	v2 =	vand.u32 @!p6 $0x7, v2;
	v6 =	vand.u32 @!p6 $0xFFFFFFF0, v6  }
0x257: {  	v2 =	vor.u32 @!p6 v2, v6  }
0x258: {  	v3 =	vperm.xlane @!p6 v2, v3;
	_ =	sdelay $0x1  }
0x259: {  	v2 =	vperm.xlane @!p6 v2, v4;
	v3 =	vadd.s32 @!p6 v5, v3  }
0x25a: {  	s2 =	sadd.s32 $0xFFFFFFFF, s2  }
0x25b: {  	p0 =	sne.s32 s2, $0x0;
	v2 =	vadd.s32 @!p6 v5, v2  }
.Ltmp7:
0x25c: {  	_ = 	snop;
	(pc) =	sbr.rel @p0 .LBB2_9-.Ltmp7, $4  }
0x25d: {  	s6 =	sadd.s32 $0x2000, s6;
	s13 =	sadd.s32 $0x2000, s13;
	s11 =	simm.s32 @!p6 $0xF000  }
0x25e: {  	[tilespmem:s11], [sflag:$0x7] =	stream.indirect_vreg.gather @!p6 [hbm4b:s1+s7], $0x80, v3, vm1, $0xb8;
	[tilespmem:$0x18980] =	vst v63  }
0x25f: {  	s14 =	sadd.s32 $0x4, s14;
	s15 =	sadd.s32 $0x200, s15;
	s11 =	simm.s32 @!p6 $0xF800  }
0x260: {  	[tilespmem:s11], [sflag:$0x7] =	stream.indirect_vreg.gather @!p6 [hbm4b:s1+s7], $0x80, v2, vm1, $0xb8;
	[tilespmem:$0x18980] =	vst v63  }
.LBB2_10:
0x261: {  	s2 =	sshll.u32 s12, $0x2  }
0x262: {  	p0 =	sge.s32 s2, s26  }
0x263: {  	s6 =	simm.s32 @!p0 $0x4;
	s7 =	sshll.u32 @!p0 s12, $0x10  }
0x264: {  	_ =	swait.ge @!p0 [sflag:s6], $0x4000;
	s7 =	sadd.s32 @!p0 s10, s7  }
0x265: {  	[sflag:s6] =	ssyncset.done @!p0 $0x0;
	s7 =	sshrl.u32 @!p0 s7, $0x3  }
0x266: {  	[sflag:s6] =	ssyncadd.s32 @!p0 $0xFFFFC000;
	s6 =	sadd.s32 @!p0 s3, s7;
	s7 =	simm.s32 @!p0 $0x0  }
0x267: {  	[hbm4b:s6+s7] =	stream.linear.scatter @!p0 [tilespmem:s7], [sflag:$0x8], $0x4000, $0x38;
	[tilespmem:$0x18980] =	vst v63  }
0x268: {  	s6 =	sor.u32 $0x1, s2  }
0x269: {  	p0 =	sge.s32 s6, s26  }
0x26a: {  	s7 =	simm.s32 @!p0 $0x5;
	s6 =	sshll.u32 @!p0 s6, $0xE  }
0x26b: {  	s2 =	sor.u32 $0x2, s2;
	_ =	swait.ge @!p0 [sflag:s7], $0x4000;
	s6 =	sadd.s32 @!p0 s10, s6  }
0x26c: {  	s11 =	simm.s32 @!p0 $0x4000;
	[sflag:s7] =	ssyncset.done @!p0 $0x0;
	s6 =	sshrl.u32 @!p0 s6, $0x3  }
0x26d: {  	[sflag:s7] =	ssyncadd.s32 @!p0 $0xFFFFC000;
	s6 =	sadd.s32 @!p0 s3, s6;
	s7 =	simm.s32 @!p0 $0x0  }
0x26e: {  	[hbm4b:s6+s7] =	stream.linear.scatter @!p0 [tilespmem:s11], [sflag:$0x9], $0x4000, $0x38;
	[tilespmem:$0x18980] =	vst v63  }
0x26f: {  	p0 =	sge.s32 s2, s26  }
0x270: {  	s6 =	simm.s32 @!p0 $0x6;
	s2 =	sshll.u32 @!p0 s2, $0xE  }
0x271: {  	_ =	swait.ge @!p0 [sflag:s6], $0x4000;
	s2 =	sadd.s32 @!p0 s10, s2  }
0x272: {  	s7 =	simm.s32 @!p0 $0x8000;
	[sflag:s6] =	ssyncset.done @!p0 $0x0;
	s2 =	sshrl.u32 @!p0 s2, $0x3  }
0x273: {  	[sflag:s6] =	ssyncadd.s32 @!p0 $0xFFFFC000;
	s2 =	sadd.s32 @!p0 s3, s2;
	s6 =	simm.s32 @!p0 $0x0  }
0x274: {  	[hbm4b:s2+s6] =	stream.linear.scatter @!p0 [tilespmem:s7], [sflag:$0xA], $0x4000, $0x38;
	[tilespmem:$0x18980] =	vst v63  }
0x275: {  	p0 =	sle.u32 @!p5 s30, s28  }
0x276: {  	p0 =	por p5, p0  }
.Ltmp8:
0x277: {  	_ = 	snop;
	(pc) =	sbr.rel @p0 .LBB2_16-.Ltmp8, $4  }
0x278: {  	s2 =	simm.s32 @!p5 $0xD  }
0x279: {  	_ =	swait.ge @!p5 [sflag:s2], $0x4000  }
0x27a: {  	[sflag:s2] =	ssyncset.done @!p5 $0x0  }
0x27b: {  	[sflag:s2] =	ssyncadd.s32 @!p5 $0xFFFFC000  }
0x27c: {  	p0 =	sne.s32 s0, $0x1  }
.Ltmp9:
0x27d: {  	_ = 	snop;
	(pc) =	sbr.rel @!p0 .LBB2_12-.Ltmp9, $3  }
0x27e: {  	_ =	sdelay $0x1  }
0x27f: {  	s6 =	sshll.u32 s28, $0x8;
	s12 =	sshll.u32 s28, $0x7;
	s13 =	sadd.s32 $0xFFFFFFFF, s0  }
0x280: {  	p5 =	por $0x0, $0x0;
	s14 =	sand.u32 $0xFFFFF800, s6;
	s15 =	sand.u32 $0x380, s12  }
0x281: {  	s7 =	sor.u32 s15, s14  }
0x282: {  	s2 =	sadd.s32 $0x10000, s7;
	[tilespmem:s7+$0x10000] =	vst v1  }
0x283: {  	[tilespmem:s2+$0x10] =	vst v1  }
0x284: {  	[tilespmem:s2+$0x20] =	vst v1  }
0x285: {  	[tilespmem:s2+$0x30] =	vst v1  }
0x286: {  	[tilespmem:s2+$0x40] =	vst v1  }
0x287: {  	[tilespmem:s2+$0x50] =	vst v1  }
0x288: {  	[tilespmem:s2+$0x60] =	vst v1  }
0x289: {  	[tilespmem:s2+$0x70] =	vst v1  }
0x28a: {  	[tilespmem:s2+$0x400] =	vst v1  }
0x28b: {  	p0 =	sne.s32 s13, $0x1;
	[tilespmem:s2+$0x410] =	vst v1  }
.Ltmp10:
0x28c: {  	[tilespmem:s2+$0x420] =	vst v1;
	(pc) =	sbr.rel @!p0 .LBB2_15-.Ltmp10, $4  }
0x28d: {  	[tilespmem:s2+$0x430] =	vst v1  }
0x28e: {  	[tilespmem:s2+$0x440] =	vst v1  }
0x28f: {  	s6 =	sadd.s32 $0x100, s6;
	s12 =	sadd.s32 $0x80, s12;
	s13 =	sadd.s32 $0xFFFFFFFF, s13;
	[tilespmem:s2+$0x450] =	vst v1  }
0x290: {  	p5 =	por $0x1, $0x1;
	s14 =	sand.u32 $0xFFFFF800, s6;
	s15 =	sand.u32 $0x380, s12;
	[tilespmem:s2+$0x460] =	vst v1  }
.LBB2_14:
0x291: {  	p0 =	sne.s32 s13, $0x1;
	s7 =	sor.u32 s15, s14;
	[tilespmem:s2+$0x470] =	vst v1  }
0x292: {  	s2 =	sadd.s32 $0x10000, s7;
	[tilespmem:s7+$0x10000] =	vst v1  }
0x293: {  	[tilespmem:s2+$0x10] =	vst v1  }
0x294: {  	[tilespmem:s2+$0x20] =	vst v1  }
0x295: {  	[tilespmem:s2+$0x30] =	vst v1  }
0x296: {  	[tilespmem:s2+$0x40] =	vst v1  }
0x297: {  	[tilespmem:s2+$0x50] =	vst v1  }
0x298: {  	[tilespmem:s2+$0x60] =	vst v1  }
0x299: {  	[tilespmem:s2+$0x70] =	vst v1  }
0x29a: {  	[tilespmem:s2+$0x400] =	vst v1  }
0x29b: {  	[tilespmem:s2+$0x410] =	vst v1  }
.Ltmp11:
0x29c: {  	[tilespmem:s2+$0x420] =	vst v1;
	(pc) =	sbr.rel @p0 .LBB2_14-.Ltmp11, $4  }
0x29d: {  	[tilespmem:s2+$0x430] =	vst v1  }
0x29e: {  	[tilespmem:s2+$0x440] =	vst v1  }
0x29f: {  	s12 =	sadd.s32 $0x80, s12;
	s6 =	sadd.s32 $0x100, s6;
	[tilespmem:s2+$0x450] =	vst v1  }
0x2a0: {  	s13 =	sadd.s32 $0xFFFFFFFF, s13;
	s14 =	sand.u32 $0xFFFFF800, s6;
	s15 =	sand.u32 $0x380, s12;
	[tilespmem:s2+$0x460] =	vst v1  }
.LBB2_15:
0x2a1: {  	s6 =	sor.u32 s15, s14;
	[tilespmem:s2+$0x470] =	vst @p5 v1  }
0x2a2: {  	s15 =	sadd.s32 $0x10000, s6;
	[tilespmem:s6+$0x10000] =	vst v1  }
0x2a3: {  	[tilespmem:s15+$0x10] =	vst v1  }
0x2a4: {  	[tilespmem:s15+$0x20] =	vst v1  }
0x2a5: {  	[tilespmem:s15+$0x30] =	vst v1  }
0x2a6: {  	[tilespmem:s15+$0x40] =	vst v1  }
0x2a7: {  	[tilespmem:s15+$0x50] =	vst v1  }
0x2a8: {  	[tilespmem:s15+$0x60] =	vst v1  }
0x2a9: {  	[tilespmem:s15+$0x70] =	vst v1  }
0x2aa: {  	[tilespmem:s15+$0x400] =	vst v1  }
0x2ab: {  	[tilespmem:s15+$0x410] =	vst v1  }
0x2ac: {  	[tilespmem:s15+$0x420] =	vst v1  }
0x2ad: {  	[tilespmem:s15+$0x430] =	vst v1  }
0x2ae: {  	[tilespmem:s15+$0x440] =	vst v1  }
0x2af: {  	[tilespmem:s15+$0x450] =	vst v1  }
0x2b0: {  	[tilespmem:s15+$0x460] =	vst v1  }
0x2b1: {  	[tilespmem:s15+$0x470] =	vst v1  }
.LBB2_16:
0x2b2: {  	s2 =	smax.u32 s30, $0x1  }
0x2b3: {  	s2 =	sadd.s32 $0xFFFFFFFF, s2  }
0x2b4: {  	s6 =	sshll.u32 s2, $0x8;
	s2 =	sshll.u32 s2, $0x7  }
0x2b5: {  	s6 =	sand.u32 $0x7FFFF800, s6;
	s2 =	sand.u32 $0x380, s2  }
0x2b6: {  	s2 =	sor.u32 s2, s6  }
0x2b7: {  	v2 =	vld [tilespmem:s2+$0x10470];
	_ =	sdelay $0x4  }
0x2b8: {  	(xrf2) =	vadd.scan.msk.f32 $0xffff, v2;
	_ =	sdelay $0x9  }
0x2b9: {  	v2, _, _ =	vpop (xrf2)  }
0x2ba: {  	(v2sf) =	vpush v2, $0xF;
	_ =	sdelay $0xe  }
0x2bb: {  	s12 =	spop (v2sf)  }
0x2bc: {  	p0 =	slt.f32 s12, $1.000000000e+00  }
0x2bd: {  	p1 =	sgt.s32 s0, $0x0  }
0x2be: {  	p0 =	por !p1, !p0  }
0x2bf: {  	p5 =	slt.u32 s28, $0x39;
	p0 =	por !p0, !p0  }
0x2c0: {  	p1 =	por !p0, p5  }
0x2c1: {  	s0 =	sshll.u32 @!p1 s4, $0x5  }
0x2c2: {  	s2 =	simm.s32 @!p1 $0x0;
	s6 =	simm.s32 @!p1 $0x10000;
	s0 =	sadd.s32 @!p1 s3, s0  }
0x2c3: {  	[hbm4b:s0+s2] =	stream.linear.scatter @!p1 [tilespmem:s6], [sflag:$0xE], $0x4000, $0x38;
	[tilespmem:$0x18980] =	vst v63  }
0x2c4: {  	p1 =	sne.s32 @!p5 s30, s28  }
0x2c5: {  	p1 =	por p1, p5  }
0x2c6: {  	s13 =	sand.u32 $0x20, s31;
	s2 =	sshll.u32 @!p1 s4, $0x5  }
0x2c7: {  	s6 =	simm.s32 @!p1 $0x0;
	s7 =	simm.s32 @!p1 $0x10000;
	s2 =	sadd.s32 @!p1 s3, s2  }
0x2c8: {  	[hbm4b:s2+s6] =	stream.linear.scatter @!p1 [tilespmem:s7], [sflag:$0xE], $0x4000, $0x38;
	[tilespmem:$0x18980] =	vst v63  }
0x2c9: {  	p6 =	seq.s32 s13, $0x0;
	p0 =	por !p0, !p0;
	s2 =	sand.u32 $0x40, s31  }
0x2ca: {  	p1 =	por p6, p0;
	s0 =	sadd.s32 s2, s4  }
0x2cb: {  	s6 =	sshll.u32 @!p1 s2, $0x8;
	s7 =	sshll.u32 @!p1 s0, $0x5  }
0x2cc: {  	s11 =	simm.s32 @!p1 $0x0;
	s6 =	sor.u32 @!p1 $0x10000, s6;
	s7 =	sadd.s32 @!p1 s3, s7  }
0x2cd: {  	[hbm4b:s7+s11] =	stream.linear.scatter @!p1 [tilespmem:s6], [sflag:$0xE], $0x2000, $0x38;
	[tilespmem:$0x18980] =	vst v63  }
0x2ce: {  	p1 =	sne.s32 @!p6 s30, s28  }
0x2cf: {  	p1 =	por p1, p6  }
0x2d0: {  	s14 =	sand.u32 $0x10, s31;
	s2 =	sshll.u32 @!p1 s2, $0x8;
	s0 =	sshll.u32 @!p1 s0, $0x5  }
0x2d1: {  	s7 =	simm.s32 @!p1 $0x0;
	s2 =	sor.u32 @!p1 $0x10000, s2;
	s0 =	sadd.s32 @!p1 s3, s0  }
0x2d2: {  	[hbm4b:s0+s7] =	stream.linear.scatter @!p1 [tilespmem:s2], [sflag:$0xE], $0x2000, $0x38;
	[tilespmem:$0x18980] =	vst v63  }
0x2d3: {  	s0 =	sand.u32 $0x60, s31;
	p1 =	seq.s32 s14, $0x0  }
0x2d4: {  	s2 =	sadd.s32 s0, s4;
	p2 =	por p1, p0  }
0x2d5: {  	s6 =	sshll.u32 @!p2 s0, $0x8;
	s7 =	sshll.u32 @!p2 s2, $0x5  }
0x2d6: {  	s11 =	simm.s32 @!p2 $0x0;
	s6 =	sor.u32 @!p2 $0x10000, s6;
	s7 =	sadd.s32 @!p2 s3, s7  }
0x2d7: {  	[hbm4b:s7+s11] =	stream.linear.scatter @!p2 [tilespmem:s6], [sflag:$0xE], $0x1000, $0x38;
	[tilespmem:$0x18980] =	vst v63  }
0x2d8: {  	p2 =	sne.s32 @!p1 s30, s28  }
0x2d9: {  	p2 =	por p2, p1  }
0x2da: {  	s15 =	sand.u32 $0x8, s31;
	s0 =	sshll.u32 @!p2 s0, $0x8;
	s2 =	sshll.u32 @!p2 s2, $0x5  }
0x2db: {  	s7 =	simm.s32 @!p2 $0x0;
	s0 =	sor.u32 @!p2 $0x10000, s0;
	s2 =	sadd.s32 @!p2 s3, s2  }
0x2dc: {  	[hbm4b:s2+s7] =	stream.linear.scatter @!p2 [tilespmem:s0], [sflag:$0xE], $0x1000, $0x38;
	[tilespmem:$0x18980] =	vst v63  }
0x2dd: {  	s0 =	sand.u32 $0x70, s31;
	p2 =	seq.s32 s15, $0x0  }
0x2de: {  	s2 =	sadd.s32 s0, s4;
	p0 =	por p2, p0  }
0x2df: {  	s4 =	sshll.u32 @!p0 s0, $0x8;
	s6 =	sshll.u32 @!p0 s2, $0x5  }
0x2e0: {  	s7 =	simm.s32 @!p0 $0x0;
	s4 =	sor.u32 @!p0 $0x10000, s4;
	s6 =	sadd.s32 @!p0 s3, s6  }
0x2e1: {  	[hbm4b:s6+s7] =	stream.linear.scatter @!p0 [tilespmem:s4], [sflag:$0xE], $0x800, $0x38;
	[tilespmem:$0x18980] =	vst v63  }
0x2e2: {  	p0 =	sne.s32 @!p2 s30, s28  }
0x2e3: {  	p0 =	por p0, p2  }
0x2e4: {  	s0 =	sshll.u32 @!p0 s0, $0x8;
	s2 =	sshll.u32 @!p0 s2, $0x5  }
0x2e5: {  	s4 =	simm.s32 @!p0 $0x0;
	s0 =	sor.u32 @!p0 $0x10000, s0;
	s2 =	sadd.s32 @!p0 s3, s2  }
0x2e6: {  	[hbm4b:s2+s4] =	stream.linear.scatter @!p0 [tilespmem:s0], [sflag:$0xE], $0x800, $0x38;
	[tilespmem:$0x18980] =	vst v63  }
0x2e7: {  	s0 =	simm.s32 @!p5 $0xE  }
0x2e8: {  	_ =	swait.ge @!p5 [sflag:s0], $0x4000  }
0x2e9: {  	[sflag:s0] =	ssyncset.done @!p5 $0x0  }
0x2ea: {  	[sflag:s0] =	ssyncadd.s32 @!p5 $0xFFFFC000;
	s0 =	simm.s32 @!p6 $0xE  }
0x2eb: {  	_ =	swait.ge @!p6 [sflag:s0], $0x2000  }
0x2ec: {  	[sflag:s0] =	ssyncset.done @!p6 $0x0  }
0x2ed: {  	[sflag:s0] =	ssyncadd.s32 @!p6 $0xFFFFE000;
	s0 =	simm.s32 @!p1 $0xE  }
0x2ee: {  	_ =	swait.ge @!p1 [sflag:s0], $0x1000  }
0x2ef: {  	[sflag:s0] =	ssyncset.done @!p1 $0x0  }
0x2f0: {  	[sflag:s0] =	ssyncadd.s32 @!p1 $0xFFFFF000;
	s0 =	simm.s32 @!p2 $0xE  }
0x2f1: {  	_ =	swait.ge @!p2 [sflag:s0], $0x800  }
0x2f2: {  	s30 =	sld [smem:$0x7FC];
	_ =	sdelay $0x2  }
0x2f3: {  	[sflag:s0] =	ssyncset.done @!p2 $0x0;
	p3 =	seq.s32 s30, $0x1  }
0x2f4: {  	[sflag:s0] =	ssyncadd.s32 @!p2 $0xFFFFF800;
	p0 =	slt.s32 @!p3 s26, $0x2;
	s0 =	simm.s32 @!p3 $0x8  }
0x2f5: {  	_ =	swait.ge @!p3 [sflag:s0], $0x4000;
	p1 =	por p0, p3  }
0x2f6: {  	[sflag:s0] =	ssyncset.done @!p3 $0x0;
	p2 =	slt.s32 @!p1 s26, $0x3  }
0x2f7: {  	[sflag:s0] =	ssyncadd.s32 @!p3 $0xFFFFC000;
	s0 =	simm.s32 @!p1 $0x9;
	p5 =	por @!p3 p2, p0  }
0x2f8: {  	_ =	swait.ge @!p1 [sflag:s0], $0x4000;
	p5 =	por p5, p3  }
0x2f9: {  	[sflag:s0] =	ssyncset.done @!p1 $0x0;
	p6 =	slt.s32 @!p5 s26, $0x4  }
0x2fa: {  	[sflag:s0] =	ssyncadd.s32 @!p1 $0xFFFFC000;
	s0 =	simm.s32 @!p5 $0xA;
	p1 =	por @!p1 p6, p2  }
0x2fb: {  	_ =	swait.ge @!p5 [sflag:s0], $0x4000;
	p0 =	por @!p3 p1, p0  }
0x2fc: {  	[sflag:s0] =	ssyncset.done @!p5 $0x0;
	p0 =	por p0, p3  }
0x2fd: {  	[sflag:s0] =	ssyncadd.s32 @!p5 $0xFFFFC000;
	s0 =	simm.s32 @!p0 $0xB  }
0x2fe: {  	_ =	swait.ge @!p0 [sflag:s0], $0x4000  }
0x2ff: {  	s31 =	sld [smem:$0x7FD];
	_ =	sdelay $0x1  }
0x300: {  	[sflag:s0] =	ssyncset.done @!p0 $0x0  }
0x301: {  	[sflag:s0] =	ssyncadd.s32 @!p0 $0xFFFFC000;
	p0 =	seq.s32 s31, $0x1  }
.Ltmp12:
0x302: {  	_ = 	snop;
	(pc) =	sbr.rel @p0 .LBB2_20-.Ltmp12, $1  }
0x303: {  	_ =	sdelay $0x3  }
0x304: {  	p0 =	sne.s32 s29, $0x1  }
.Ltmp13:
0x305: {  	_ = 	snop;
	(pc) =	sbr.rel @!p0 .LBB2_19-.Ltmp13, $3  }
0x306: {  	_ =	sdelay $0x1  }
0x307: {  	_ =	swait.ge [sflag:s24], $0x4000  }
0x308: {  	s0 =	sadd.s32 $0xFFFFFFFF, s29;
	[sflag:s24] =	ssyncset.done $0x0  }
.LBB2_18:
0x309: {  	p0 =	sne.s32 s0, $0x1;
	s0 =	sadd.s32 $0xFFFFFFFF, s0;
	[sflag:s24] =	ssyncadd.s32 $0xFFFFC000  }
.Ltmp14:
0x30a: {  	(pc) =	sbr.rel @p0 .LBB2_18-.Ltmp14, $3  }
0x30b: {  	_ =	sdelay $0x1  }
0x30c: {  	_ =	swait.ge [sflag:s24], $0x4000  }
0x30d: {  	[sflag:s24] =	ssyncset.done $0x0  }
.Ltmp15:
0x30e: {  	_ = 	snop;
	(pc) =	sbr.rel .LBB2_19-.Ltmp15, $1  }
0x30f: {  	_ =	sdelay $0x3  }
.LBB2_12:
.Ltmp16:
0x310: {  	(pc) =	sbr.rel .LBB2_15-.Ltmp16, $2  }
0x311: {  	_ =	sdelay $0x2  }
0x312: {  	_ = 	snop  }
.LBB2_21:
0x313: {  	_ =	sfence.sel $0x180000  }
0x314: {  	[bflag:$0x0] =	sbarrier.arrive $0xFFFF  }
0x315: {  	_ =	strace $0x90000047  }
0x316: {  	s0 =	stileid.u32;
	[bflag:$0x2] =	sbarrier.arrive $0xFFFF  }
0x317: {  	p0 =	sne.s32 s0, $0x0;
	s0 =	rddreg [dreg:$0x4]  }
0x318: {  	s0 =	sadd.s32 @!p0 $0x100000, s0  }
0x319: {  	[sflag:s0] =	ssyncadd.tile.s32 @!p0 $0x1;
	_ =	shalt  }
.Lfunc_end2:
_tile_overlayer_lowered:
.L_overlay_start_2:
0x31a: {  	(tag) =	ssettag $0x2  }
0x31b: {  	s0 =	rddreg [dreg:$0x0];
	s2 =	stileid.u32  }
0x31c: {  	s1 =	rddreg [dreg:$0x1];
	p0 =	sne.s32 s2, $0x0  }
0x31d: {  	s3 =	rddreg [dreg:$0x2];
	[bflag:$0x3] =	sbarrier.arrive $0xFFFF;
	s2 =	simm.s32 @!p0 $0x1C0F  }
0x31e: {  	[timem:s3], [sflag:s2] =	dma.local @!p0 [hbm:s0], s1  }
0x31f: {  	s0 =	simm.s32 @!p0 $0xF  }
0x320: {  	_ =	swait.ge @!p0 [sflag:s0], s1  }
0x321: {  	s1 =	ssub.s32 @!p0 $0x0, s1;
	[sflag:s0] =	ssyncset.done @!p0 $0x0  }
0x322: {  	[sflag:s0] =	ssyncadd.s32 @!p0 s1  }
0x323: {  	[bflag:$0x3] =	sbarrier.arrive $0xFFFF  }
0x324: {  	_ =	shalt  }

</sc_bundles>
